<compile_context>
chip_gen: v7x
topology: tpu7x:2x2x1
jax: 0.10.2.dev20260603
libtpu: 0.0.44.dev20260713+nightly
codegen_flags: <defaults>
</compile_context>

<pallas_src>
import functools

import jax
import jax.numpy as jnp
from jax import lax
from jax.experimental import pallas as pl
from jax.experimental.pallas import tpu as pltpu
from jax.experimental.pallas import tpu_sc as plsc

N_NODES = 10000
N_EDGES = 320000
D_FEAT = 128
D_EDGE = 16
UNITS = 64

NW = 32
EPW = N_EDGES // NW
GB = 80
GI = EPW // GB
ROW = 80
EB = 2560
EGRID = N_EDGES // EB


def _swish(x):
    return x * (1.0 / (1.0 + jnp.exp(-x)))


def _pack_bf16(x):
    xb = x.astype(jnp.bfloat16)
    lo = lax.bitcast_convert_type(xb[:, :UNITS], jnp.uint16).astype(jnp.uint32)
    hi = lax.bitcast_convert_type(xb[:, UNITS:], jnp.uint16).astype(jnp.uint32)
    return lax.bitcast_convert_type(lo | (hi << 16), jnp.int32)


def _unpack_lo(g):
    u = lax.bitcast_convert_type(g, jnp.uint32)
    return lax.bitcast_convert_type(u << 16, jnp.float32)


def _unpack_hi(g):
    u = lax.bitcast_convert_type(g, jnp.uint32)
    return lax.bitcast_convert_type(u & jnp.uint32(0xFFFF0000), jnp.float32)


def _p0_body(nf_ref, wn_ref, ps_ref, pr_ref, u0_ref):
    r = jnp.dot(nf_ref[...], wn_ref[...], preferred_element_type=jnp.float32)
    ps_ref[...] = r[:, :128]
    pr_ref[...] = r[:, 128:256]
    u0_ref[...] = r[:, 256:]


def _p0(nf, wn):
    return pl.pallas_call(
        _p0_body,
        out_shape=(
            jax.ShapeDtypeStruct((N_NODES, 128), jnp.float32),
            jax.ShapeDtypeStruct((N_NODES, 128), jnp.float32),
            jax.ShapeDtypeStruct((N_NODES, UNITS), jnp.float32),
        ),
    )(nf, wn)


def _p1_body(ps_hbm, pr_hbm, snd_hbm, rcv_hbm, g_hbm,
             idxs_v, idxr_v, rs0, rs1, rs2, rr0, rr1, rr2,
             gss0, gss1, gss2, gsr0, gsr1, gsr2, wss0, wss1, wss2):
    wid = lax.axis_index("s") * 2 + lax.axis_index("c")
    w0 = wid * EPW

    pltpu.sync_copy(snd_hbm.at[pl.ds(w0, EPW)], idxs_v)
    pltpu.sync_copy(rcv_hbm.at[pl.ds(w0, EPW)], idxr_v)

    bufs = ((rs0, rr0, gss0, gsr0, wss0),
            (rs1, rr1, gss1, gsr1, wss1),
            (rs2, rr2, gss2, gsr2, wss2))

    def off(i):
        return pl.multiple_of(i * GB, 8)

    def start_gather(i, slot):
        rs, rr, gs_sem, gr_sem = bufs[slot][:4]
        pltpu.async_copy(ps_hbm.at[idxs_v.at[pl.ds(off(i), GB)]], rs, gs_sem)
        pltpu.async_copy(pr_hbm.at[idxr_v.at[pl.ds(off(i), GB)]], rr, gr_sem)

    def wait_gather(i, slot):
        rs, rr, gs_sem, gr_sem = bufs[slot][:4]
        pltpu.make_async_copy(ps_hbm.at[idxs_v.at[pl.ds(off(i), GB)]], rs, gs_sem).wait()
        pltpu.make_async_copy(pr_hbm.at[idxr_v.at[pl.ds(off(i), GB)]], rr, gr_sem).wait()

    def start_write(i, slot):
        rs, ws_sem = bufs[slot][0], bufs[slot][4]
        base = pl.multiple_of(w0 + i * GB, 8)
        pltpu.async_copy(rs, g_hbm.at[pl.ds(base, GB)], ws_sem)

    def wait_write(i, slot):
        rs, ws_sem = bufs[slot][0], bufs[slot][4]
        base = pl.multiple_of(w0 + i * GB, 8)
        pltpu.make_async_copy(rs, g_hbm.at[pl.ds(base, GB)], ws_sem).wait()

    def add_rows(slot):
        rs, rr = bufs[slot][0], bufs[slot][1]

        def addr(j, carry):
            for u in range(2):
                r = 2 * j + u
                for k in range(8):
                    sl = pl.ds(k * 16, 16)
                    plsc.addupdate(rs.at[r, sl], rr[r, sl])
            return carry

        lax.fori_loop(0, GB // 2, addr, 0)

    def step(i, slot):
        nslot = (slot + 2) % 3

        @pl.when(i + 2 < GI)
        def _prefetch():
            @pl.when(i >= 1)
            def _drain():
                wait_write(i - 1, nslot)

            start_gather(i + 2, nslot)

        wait_gather(i, slot)
        add_rows(slot)
        start_write(i, slot)

    start_gather(0, 0)
    start_gather(1, 1)

    def body(j, carry):
        step(3 * j, 0)
        step(3 * j + 1, 1)
        step(3 * j + 2, 2)
        return carry

    lax.fori_loop(0, GI // 3, body, 0)
    for i in range(GI - GI % 3, GI):
        step(i, i % 3)
    for i in range(GI - 3, GI):
        wait_write(i, i % 3)


def _p1(ps, pr, snd, rcv):
    f = functools.partial(
        pl.kernel,
        out_type=jax.ShapeDtypeStruct((N_EDGES, 128), jnp.float32),
        mesh=plsc.VectorSubcoreMesh(core_axis_name="c", subcore_axis_name="s"),
        scratch_types=[
            pltpu.VMEM((EPW,), jnp.int32),
            pltpu.VMEM((EPW,), jnp.int32),
        ] + [pltpu.VMEM((GB, 128), jnp.float32)] * 6
          + [pltpu.SemaphoreType.DMA] * 9,
    )(_p1_body)
    return f(ps, pr, snd, rcv)


def _p2_body(g_ref, ef_ref, we_ref, bc_ref, wa2_ref, ba2_ref, h2_ref):
    pre = (g_ref[...]
           + jnp.dot(ef_ref[...], we_ref[...], preferred_element_type=jnp.float32)
           + bc_ref[...])
    h = _swish(pre[:, :UNITS])
    ah = _swish(pre[:, UNITS:])
    l = jnp.dot(ah, wa2_ref[...], preferred_element_type=jnp.float32) + ba2_ref[...]
    w = jnp.exp(l)
    h2_ref[:, :UNITS] = h * w
    h2_ref[:, UNITS:UNITS + 1] = w


def _p2(g, ef, we, bc, wa2, ba2):
    return pl.pallas_call(
        _p2_body,
        grid=(EGRID,),
        in_specs=[
            pl.BlockSpec((EB, 128), lambda i: (i, 0)),
            pl.BlockSpec((EB, D_EDGE), lambda i: (i, 0)),
            pl.BlockSpec((D_EDGE, 128), lambda i: (0, 0)),
            pl.BlockSpec((1, 128), lambda i: (0, 0)),
            pl.BlockSpec((UNITS, 1), lambda i: (0, 0)),
            pl.BlockSpec((1, 1), lambda i: (0, 0)),
        ],
        out_specs=pl.BlockSpec((EB, ROW), lambda i: (i, 0)),
        out_shape=jax.ShapeDtypeStruct((N_EDGES, ROW), jnp.float32),
    )(g, ef, we, bc, wa2, ba2)


NWR = 10
NPT = N_NODES // NWR
ZR = 200


GB4 = 80
GI4 = EPW // GB4


def _p4_body(h2_hbm, rcv_hbm, out_hbm, row0, row1, idx0, idx1,
             zb_v, table_sh, lh0, lh1, li0, li1, ss0, ss1):
    c = lax.axis_index("c")
    s = lax.axis_index("s")
    wid = c * 16 + s

    def zb(r, carry):
        for k in range(ROW // 16):
            zb_v[r, pl.ds(k * 16, 16)] = jnp.zeros((16,), jnp.float32)
        return carry

    lax.fori_loop(0, ZR, zb, 0)

    @pl.when(s < NWR)
    def _zero():
        for k in range(NPT // ZR):
            pltpu.sync_copy(zb_v, table_sh.at[pl.ds(s * NPT + k * ZR, ZR)])

    plsc.subcore_barrier()

    w0 = wid * EPW
    bufs = ((row0, idx0, lh0, li0, ss0), (row1, idx1, lh1, li1, ss1))

    def start_load(i, slot):
        row, idx, lh, li, _ = bufs[slot]
        base = pl.multiple_of(w0 + i * GB4, 8)
        pltpu.async_copy(h2_hbm.at[pl.ds(base, GB4)], row, lh)
        pltpu.async_copy(rcv_hbm.at[pl.ds(base, GB4)], idx, li)

    def wait_load(i, slot):
        row, idx, lh, li, _ = bufs[slot]
        base = pl.multiple_of(w0 + i * GB4, 8)
        pltpu.make_async_copy(h2_hbm.at[pl.ds(base, GB4)], row, lh).wait()
        pltpu.make_async_copy(rcv_hbm.at[pl.ds(base, GB4)], idx, li).wait()

    def start_scat(slot):
        row, idx, _, _, ssem = bufs[slot]
        pltpu.async_copy(row, table_sh.at[idx], ssem, add=True)

    def wait_scat(slot):
        row, idx, _, _, ssem = bufs[slot]
        pltpu.make_async_copy(row, table_sh.at[idx], ssem).wait()

    start_load(0, 0)
    start_load(1, 1)

    def body(j, carry):
        i0 = 2 * j
        i1 = 2 * j + 1
        wait_load(i0, 0)
        start_scat(0)
        wait_load(i1, 1)
        start_scat(1)

        @pl.when(j < (GI4 // 2 - 1))
        def _next():
            wait_scat(0)
            start_load(i0 + 2, 0)
            wait_scat(1)
            start_load(i1 + 2, 1)

        return carry

    lax.fori_loop(0, GI4 // 2, body, 0)
    if GI4 % 2 == 1:
        wait_scat(0)
        start_load(GI4 - 1, 0)
        wait_load(GI4 - 1, 0)
        start_scat(0)
    wait_scat(0)
    wait_scat(1)
    plsc.subcore_barrier()

    @pl.when(s < NWR)
    def _writeout():
        for k in range(NPT // ZR):
            pltpu.sync_copy(table_sh.at[pl.ds(s * NPT + k * ZR, ZR)],
                            out_hbm.at[c, pl.ds(s * NPT + k * ZR, ZR)])


def _p4(h2, rcv):
    f = functools.partial(
        pl.kernel,
        out_type=jax.ShapeDtypeStruct((2, N_NODES, ROW), jnp.float32),
        mesh=plsc.VectorSubcoreMesh(core_axis_name="c", subcore_axis_name="s"),
        scratch_types=[pltpu.VMEM((GB4, ROW), jnp.float32)] * 2
        + [pltpu.VMEM((GB4,), jnp.int32)] * 2
        + [
            pltpu.VMEM((ZR, ROW), jnp.float32),
            pltpu.VMEM_SHARED((N_NODES, ROW), jnp.float32),
        ] + [pltpu.SemaphoreType.DMA] * 6,
    )(_p4_body)
    return f(h2, rcv)


def _p5_body(ap_ref, u0_ref, w2_ref, b2_ref, wu1b_ref, bu1_ref,
             wu2_ref, bu2_ref, o_ref):
    t = ap_ref[0] + ap_ref[1]
    a = t[:, :UNITS]
    sseg = t[:, UNITS:UNITS + 1]
    inv_z = 1.0 / jnp.sum(sseg)
    agg = (jnp.dot(a, w2_ref[...], preferred_element_type=jnp.float32)
           + sseg * b2_ref[...]) * inv_z
    u = _swish(u0_ref[...] + jnp.dot(agg, wu1b_ref[...],
                                     preferred_element_type=jnp.float32)
               + bu1_ref[...])
    o_ref[...] = (jnp.dot(u, wu2_ref[...], preferred_element_type=jnp.float32)
                  + bu2_ref[...])


def _p5(ap, u0, w2, b2, wu1b, bu1, wu2, bu2):
    return pl.pallas_call(
        _p5_body,
        out_shape=jax.ShapeDtypeStruct((N_NODES, UNITS), jnp.float32),
    )(ap, u0, w2, b2, wu1b, bu1, wu2, bu2)


def kernel(node_features, edge_features, senders, receivers,
           W1, b1, W2, b2, Wa1, ba1, Wa2, ba2, Wu1, bu1, Wu2, bu2):
    wn = jnp.concatenate([W1[:D_FEAT], Wa1[:D_FEAT],
                          W1[D_FEAT:2 * D_FEAT], Wa1[D_FEAT:2 * D_FEAT],
                          Wu1[:D_FEAT]], axis=1)
    we = jnp.concatenate([W1[2 * D_FEAT:], Wa1[2 * D_FEAT:]], axis=1)
    bc = jnp.concatenate([b1, ba1]).reshape(1, 128)
    ba2_2d = ba2.reshape(1, 1)
    b2_row = b2.reshape(1, UNITS)
    bu1_row = bu1.reshape(1, UNITS)
    bu2_row = bu2.reshape(1, UNITS)
    wu1b = Wu1[D_FEAT:]

    ps, pr, u0 = _p0(node_features, wn)
    g = _p1(ps, pr, senders, receivers)
    h2w = _p2(g, edge_features, we, bc, Wa2, ba2_2d)
    ap = _p4(h2w, receivers)
    return _p5(ap, u0, W2, b2_row, wu1b, bu1_row, Wu2, bu2_row)

# --- scband reference (transcript-rebuilt; emitter-appended) ---
"""Pipeline reference for scband-edge-convolution-28192165331141 (READ-ONLY COPY).

The authoritative reference and input builder live on the scoring server;
editing this copy changes nothing except your own understanding.
"""

import jax, jax.numpy as jnp
import numpy as np

N_NODES = 10000
N_EDGES = 320000
D_FEAT = 128
D_EDGE = 16
UNITS = 64


def _glorot(key, shape):
    fan_in, fan_out = shape[0], shape[1]
    limit = np.sqrt(6.0 / (fan_in + fan_out))
    return jax.random.uniform(key, shape, dtype=jnp.float32, minval=-limit, maxval=limit)


def setup_inputs(seed: int = 0) -> dict:
    key = jax.random.key(seed)
    ks = jax.random.split(key, 16)
    node_features = jax.random.normal(ks[0], (N_NODES, D_FEAT), dtype=jnp.float32)
    edge_features = jax.random.normal(ks[1], (N_EDGES, D_EDGE), dtype=jnp.float32)
    senders = jax.random.randint(ks[2], (N_EDGES,), 0, N_NODES, dtype=jnp.int32)
    receivers = jnp.sort(jax.random.randint(ks[3], (N_EDGES,), 0, N_NODES, dtype=jnp.int32))
    d_msg_in = 2 * D_FEAT + D_EDGE  # 272
    d_upd_in = D_FEAT + UNITS       # 192
    params = {
        'W1': _glorot(ks[4], (d_msg_in, UNITS)), 'b1': jnp.zeros((UNITS,), jnp.float32),
        'W2': _glorot(ks[5], (UNITS, UNITS)),    'b2': jnp.zeros((UNITS,), jnp.float32),
        'Wa1': _glorot(ks[6], (d_msg_in, UNITS)), 'ba1': jnp.zeros((UNITS,), jnp.float32),
        'Wa2': _glorot(ks[7], (UNITS, 1)),        'ba2': jnp.zeros((1,), jnp.float32),
        'Wu1': _glorot(ks[8], (d_upd_in, UNITS)), 'bu1': jnp.zeros((UNITS,), jnp.float32),
        'Wu2': _glorot(ks[9], (UNITS, UNITS)),    'bu2': jnp.zeros((UNITS,), jnp.float32),
    }
    inp = {'node_features': node_features, 'edge_features': edge_features,
           'senders': senders, 'receivers': receivers}
    inp.update(params)
    return inp


def reference(node_features, edge_features, senders, receivers,
              W1, b1, W2, b2, Wa1, ba1, Wa2, ba2, Wu1, bu1, Wu2, bu2):
    sender_features = jnp.take(node_features, senders, axis=0)
    receiver_features = jnp.take(node_features, receivers, axis=0)
    message_inputs = jnp.concatenate([sender_features, receiver_features, edge_features], axis=-1)
    # message_net: Dense(units, swish) -> Dense(units)
    h = jax.nn.swish(message_inputs @ W1 + b1)
    messages = h @ W2 + b2
    # attention_net: Dense(units, swish) -> Dense(1), softmax over edge axis
    ah = jax.nn.swish(message_inputs @ Wa1 + ba1)
    attention_logits = ah @ Wa2 + ba2
    attention_weights = jax.nn.softmax(attention_logits, axis=0)
    messages = messages * attention_weights
    # segment_sum over receivers (sorted, as required by tf.math.segment_sum)
    aggregated = jax.ops.segment_sum(messages, receivers, num_segments=node_features.shape[0])
    update_inputs = jnp.concatenate([node_features, aggregated], axis=-1)
    uh = jax.nn.swish(update_inputs @ Wu1 + bu1)
    out = uh @ Wu2 + bu2
    return out

if __name__ == "__main__":
    import jax
    _d = setup_inputs()
    print(jax.jit(kernel)(*tuple(_d.values())))

</pallas_src>

<mosaic_0001>
#map = affine_map<(d0, d1) -> (0, 0)>
#map1 = affine_map<(d0, d1) -> (0)>
#map2 = affine_map<(d0, d1) -> (0, 0, 0)>
module attributes {stable_mosaic.version = 14 : i64} {
  func.func @_p4_body(%arg0: i32, %arg1: i32, %arg2: memref<320000x80xf32, #tpu.memory_space<hbm>>, %arg3: memref<320000xi32, #tpu.memory_space<hbm>>, %arg4: memref<2x10000x80xf32, #tpu.memory_space<hbm>>, %arg5: memref<80x80xf32, #tpu.memory_space<vmem>>, %arg6: memref<80x80xf32, #tpu.memory_space<vmem>>, %arg7: memref<80xi32, #tpu.memory_space<vmem>>, %arg8: memref<80xi32, #tpu.memory_space<vmem>>, %arg9: memref<200x80xf32, #tpu.memory_space<vmem>>, %arg10: memref<10000x80xf32, #tpu.memory_space<vmem_shared>>, %arg11: memref<!tpu.dma_semaphore, #tpu.memory_space<semaphore_mem>>, %arg12: memref<!tpu.dma_semaphore, #tpu.memory_space<semaphore_mem>>, %arg13: memref<!tpu.dma_semaphore, #tpu.memory_space<semaphore_mem>>, %arg14: memref<!tpu.dma_semaphore, #tpu.memory_space<semaphore_mem>>, %arg15: memref<!tpu.dma_semaphore, #tpu.memory_space<semaphore_mem>>, %arg16: memref<!tpu.dma_semaphore, #tpu.memory_space<semaphore_mem>>) attributes {dimension_semantics = [#tpu.dimension_semantics<core_parallel>, #tpu.dimension_semantics<subcore_parallel>], iteration_bounds = array<i64: 2, 16>, scalar_prefetch = 0 : i64, scratch_operands = 12 : i64, tpu.core_type = #tpu.core_type<sc_vector_subcore>, window_params = [{transform_indices = #map}, {transform_indices = #map1}, {transform_indices = #map2}]} {
    %mul3A = arith.constant 16 : i32
    %mul3A_0 = arith.muli %arg0, %mul3A : i32
    %add3A = arith.addi %mul3A_0, %arg1 : i32
    %scan3A = arith.constant 0 : i32
    %scan3A_1 = arith.constant 0 : i32
    %scan3A_2 = arith.constant 200 : i32
    %scan3A_3 = arith.addi %scan3A_1, %scan3A_2 : i32
    %scan3A_4 = arith.constant 1 : i32
    scf.for %scan3A_67 = %scan3A_1 to %scan3A_3 step %scan3A_4  : i32 {
      %broadcast_in_dim3A = arith.constant 0.000000e+00 : f32
      %broadcast_in_dim3A_68 = vector.broadcast %broadcast_in_dim3A : f32 to vector<16xf32>
      %swap3A = arith.index_cast %scan3A_67 : i32 to index
      %swap3A_69 = arith.constant 0 : index
      %swap3A_70 = tpu.vector_load %arg9[%swap3A, %swap3A_69] {strides = array<i32>} : memref<200x80xf32, #tpu.memory_space<vmem>>, vector<1x16xf32>,
      %swap3A_71 = vector.shape_cast %swap3A_70 : vector<1x16xf32> to vector<16xf32>
      %swap3A_72 = vector.shape_cast %broadcast_in_dim3A_68 : vector<16xf32> to vector<1x16xf32>
      tpu.vector_store %arg9[%swap3A, %swap3A_69], %swap3A_72 {strides = array<i32>} : memref<200x80xf32, #tpu.memory_space<vmem>>, vector<1x16xf32>,
      %broadcast_in_dim3A_73 = arith.constant 0.000000e+00 : f32
      %broadcast_in_dim3A_74 = vector.broadcast %broadcast_in_dim3A_73 : f32 to vector<16xf32>
      %swap3A_75 = arith.index_cast %scan3A_67 : i32 to index
      %swap3A_76 = arith.constant 16 : index
      %swap3A_77 = tpu.vector_load %arg9[%swap3A_75, %swap3A_76] {strides = array<i32>} : memref<200x80xf32, #tpu.memory_space<vmem>>, vector<1x16xf32>,
      %swap3A_78 = vector.shape_cast %swap3A_77 : vector<1x16xf32> to vector<16xf32>
      %swap3A_79 = vector.shape_cast %broadcast_in_dim3A_74 : vector<16xf32> to vector<1x16xf32>
      tpu.vector_store %arg9[%swap3A_75, %swap3A_76], %swap3A_79 {strides = array<i32>} : memref<200x80xf32, #tpu.memory_space<vmem>>, vector<1x16xf32>,
      %broadcast_in_dim3A_80 = arith.constant 0.000000e+00 : f32
      %broadcast_in_dim3A_81 = vector.broadcast %broadcast_in_dim3A_80 : f32 to vector<16xf32>
      %swap3A_82 = arith.index_cast %scan3A_67 : i32 to index
      %swap3A_83 = arith.constant 32 : index
      %swap3A_84 = tpu.vector_load %arg9[%swap3A_82, %swap3A_83] {strides = array<i32>} : memref<200x80xf32, #tpu.memory_space<vmem>>, vector<1x16xf32>,
      %swap3A_85 = vector.shape_cast %swap3A_84 : vector<1x16xf32> to vector<16xf32>
      %swap3A_86 = vector.shape_cast %broadcast_in_dim3A_81 : vector<16xf32> to vector<1x16xf32>
      tpu.vector_store %arg9[%swap3A_82, %swap3A_83], %swap3A_86 {strides = array<i32>} : memref<200x80xf32, #tpu.memory_space<vmem>>, vector<1x16xf32>,
      %broadcast_in_dim3A_87 = arith.constant 0.000000e+00 : f32
      %broadcast_in_dim3A_88 = vector.broadcast %broadcast_in_dim3A_87 : f32 to vector<16xf32>
      %swap3A_89 = arith.index_cast %scan3A_67 : i32 to index
      %swap3A_90 = arith.constant 48 : index
      %swap3A_91 = tpu.vector_load %arg9[%swap3A_89, %swap3A_90] {strides = array<i32>} : memref<200x80xf32, #tpu.memory_space<vmem>>, vector<1x16xf32>,
      %swap3A_92 = vector.shape_cast %swap3A_91 : vector<1x16xf32> to vector<16xf32>
      %swap3A_93 = vector.shape_cast %broadcast_in_dim3A_88 : vector<16xf32> to vector<1x16xf32>
      tpu.vector_store %arg9[%swap3A_89, %swap3A_90], %swap3A_93 {strides = array<i32>} : memref<200x80xf32, #tpu.memory_space<vmem>>, vector<1x16xf32>,
      %broadcast_in_dim3A_94 = arith.constant 0.000000e+00 : f32
      %broadcast_in_dim3A_95 = vector.broadcast %broadcast_in_dim3A_94 : f32 to vector<16xf32>
      %swap3A_96 = arith.index_cast %scan3A_67 : i32 to index
      %swap3A_97 = arith.constant 64 : index
      %swap3A_98 = tpu.vector_load %arg9[%swap3A_96, %swap3A_97] {strides = array<i32>} : memref<200x80xf32, #tpu.memory_space<vmem>>, vector<1x16xf32>,
      %swap3A_99 = vector.shape_cast %swap3A_98 : vector<1x16xf32> to vector<16xf32>
      %swap3A_100 = vector.shape_cast %broadcast_in_dim3A_95 : vector<16xf32> to vector<1x16xf32>
      tpu.vector_store %arg9[%swap3A_96, %swap3A_97], %swap3A_100 {strides = array<i32>} : memref<200x80xf32, #tpu.memory_space<vmem>>, vector<1x16xf32>,
    }
    %scan3A_5 = arith.constant 200 : i32
    %lt3A = arith.constant 10 : i32
    %lt3A_6 = arith.cmpi slt, %arg1, %lt3A : i32
    %convert_element_type3A = arith.extui %lt3A_6 : i1 to i32
    %cond3A = arith.constant 0 : i32
    %cond3A_7 = arith.cmpi ne, %convert_element_type3A, %cond3A : i32
    scf.if %cond3A_7 {
      %mul3A_67 = arith.constant 1000 : i32
      %mul3A_68 = arith.muli %arg1, %mul3A_67 : i32
      %add3A_69 = arith.constant 0 : i32
      %add3A_70 = arith.addi %mul3A_68, %add3A_69 : i32
      "tpu.region"() ({
        %run_scoped3A = tpu.sem_alloc : memref<!tpu.dma_semaphore, #tpu.memory_space<semaphore_mem>>
        %dma_start3A_87 = arith.constant 0 : i32
        %dma_start3A_88 = tpu.memref_slice %arg10[%add3A_70, %dma_start3A_87] : memref<10000x80xf32, #tpu.memory_space<vmem_shared>> -> memref<200x80xf32, #tpu.memory_space<vmem_shared>>
        %dma_start3A_89 = arith.constant 0 : i32
        %dma_start3A_90 = tpu.memref_slice %arg10[%add3A_70, %dma_start3A_89] : memref<10000x80xf32, #tpu.memory_space<vmem_shared>> -> memref<200x80xf32, #tpu.memory_space<vmem_shared>>
        tpu.enqueue_dma source(%arg9 : memref<200x80xf32, #tpu.memory_space<vmem>>) target(%dma_start3A_90 : memref<200x80xf32, #tpu.memory_space<vmem_shared>>) target_semaphore(%run_scoped3A : memref<!tpu.dma_semaphore, #tpu.memory_space<semaphore_mem>>)
        %dma_wait3A_91 = arith.constant 0 : i32
        %dma_wait3A_92 = tpu.memref_slice %arg10[%add3A_70, %dma_wait3A_91] : memref<10000x80xf32, #tpu.memory_space<vmem_shared>> -> memref<200x80xf32, #tpu.memory_space<vmem_shared>>
        %dma_wait3A_93 = arith.constant 0 : i32
        %dma_wait3A_94 = tpu.memref_slice %arg10[%add3A_70, %dma_wait3A_93] : memref<10000x80xf32, #tpu.memory_space<vmem_shared>> -> memref<200x80xf32, #tpu.memory_space<vmem_shared>>
        tpu.wait_dma2 semaphore(%run_scoped3A : memref<!tpu.dma_semaphore, #tpu.memory_space<semaphore_mem>>) src(%arg9 : memref<200x80xf32, #tpu.memory_space<vmem>>) dst(%dma_wait3A_94 : memref<200x80xf32, #tpu.memory_space<vmem_shared>>)
        tpu.yield
      }) : () -> ()
      %mul3A_71 = arith.constant 1000 : i32
      %mul3A_72 = arith.muli %arg1, %mul3A_71 : i32
      %add3A_73 = arith.constant 200 : i32
      %add3A_74 = arith.addi %mul3A_72, %add3A_73 : i32
      "tpu.region"() ({
        %run_scoped3A = tpu.sem_alloc : memref<!tpu.dma_semaphore, #tpu.memory_space<semaphore_mem>>
        %dma_start3A_87 = arith.constant 0 : i32
        %dma_start3A_88 = tpu.memref_slice %arg10[%add3A_74, %dma_start3A_87] : memref<10000x80xf32, #tpu.memory_space<vmem_shared>> -> memref<200x80xf32, #tpu.memory_space<vmem_shared>>
        %dma_start3A_89 = arith.constant 0 : i32
        %dma_start3A_90 = tpu.memref_slice %arg10[%add3A_74, %dma_start3A_89] : memref<10000x80xf32, #tpu.memory_space<vmem_shared>> -> memref<200x80xf32, #tpu.memory_space<vmem_shared>>
        tpu.enqueue_dma source(%arg9 : memref<200x80xf32, #tpu.memory_space<vmem>>) target(%dma_start3A_90 : memref<200x80xf32, #tpu.memory_space<vmem_shared>>) target_semaphore(%run_scoped3A : memref<!tpu.dma_semaphore, #tpu.memory_space<semaphore_mem>>)
        %dma_wait3A_91 = arith.constant 0 : i32
        %dma_wait3A_92 = tpu.memref_slice %arg10[%add3A_74, %dma_wait3A_91] : memref<10000x80xf32, #tpu.memory_space<vmem_shared>> -> memref<200x80xf32, #tpu.memory_space<vmem_shared>>
        %dma_wait3A_93 = arith.constant 0 : i32
        %dma_wait3A_94 = tpu.memref_slice %arg10[%add3A_74, %dma_wait3A_93] : memref<10000x80xf32, #tpu.memory_space<vmem_shared>> -> memref<200x80xf32, #tpu.memory_space<vmem_shared>>
        tpu.wait_dma2 semaphore(%run_scoped3A : memref<!tpu.dma_semaphore, #tpu.memory_space<semaphore_mem>>) src(%arg9 : memref<200x80xf32, #tpu.memory_space<vmem>>) dst(%dma_wait3A_94 : memref<200x80xf32, #tpu.memory_space<vmem_shared>>)
        tpu.yield
      }) : () -> ()
      %mul3A_75 = arith.constant 1000 : i32
      %mul3A_76 = arith.muli %arg1, %mul3A_75 : i32
      %add3A_77 = arith.constant 400 : i32
      %add3A_78 = arith.addi %mul3A_76, %add3A_77 : i32
      "tpu.region"() ({
        %run_scoped3A = tpu.sem_alloc : memref<!tpu.dma_semaphore, #tpu.memory_space<semaphore_mem>>
        %dma_start3A_87 = arith.constant 0 : i32
        %dma_start3A_88 = tpu.memref_slice %arg10[%add3A_78, %dma_start3A_87] : memref<10000x80xf32, #tpu.memory_space<vmem_shared>> -> memref<200x80xf32, #tpu.memory_space<vmem_shared>>
        %dma_start3A_89 = arith.constant 0 : i32
        %dma_start3A_90 = tpu.memref_slice %arg10[%add3A_78, %dma_start3A_89] : memref<10000x80xf32, #tpu.memory_space<vmem_shared>> -> memref<200x80xf32, #tpu.memory_space<vmem_shared>>
        tpu.enqueue_dma source(%arg9 : memref<200x80xf32, #tpu.memory_space<vmem>>) target(%dma_start3A_90 : memref<200x80xf32, #tpu.memory_space<vmem_shared>>) target_semaphore(%run_scoped3A : memref<!tpu.dma_semaphore, #tpu.memory_space<semaphore_mem>>)
        %dma_wait3A_91 = arith.constant 0 : i32
        %dma_wait3A_92 = tpu.memref_slice %arg10[%add3A_78, %dma_wait3A_91] : memref<10000x80xf32, #tpu.memory_space<vmem_shared>> -> memref<200x80xf32, #tpu.memory_space<vmem_shared>>
        %dma_wait3A_93 = arith.constant 0 : i32
        %dma_wait3A_94 = tpu.memref_slice %arg10[%add3A_78, %dma_wait3A_93] : memref<10000x80xf32, #tpu.memory_space<vmem_shared>> -> memref<200x80xf32, #tpu.memory_space<vmem_shared>>
        tpu.wait_dma2 semaphore(%run_scoped3A : memref<!tpu.dma_semaphore, #tpu.memory_space<semaphore_mem>>) src(%arg9 : memref<200x80xf32, #tpu.memory_space<vmem>>) dst(%dma_wait3A_94 : memref<200x80xf32, #tpu.memory_space<vmem_shared>>)
        tpu.yield
      }) : () -> ()
      %mul3A_79 = arith.constant 1000 : i32
      %mul3A_80 = arith.muli %arg1, %mul3A_79 : i32
      %add3A_81 = arith.constant 600 : i32
      %add3A_82 = arith.addi %mul3A_80, %add3A_81 : i32
      "tpu.region"() ({
        %run_scoped3A = tpu.sem_alloc : memref<!tpu.dma_semaphore, #tpu.memory_space<semaphore_mem>>
        %dma_start3A_87 = arith.constant 0 : i32
        %dma_start3A_88 = tpu.memref_slice %arg10[%add3A_82, %dma_start3A_87] : memref<10000x80xf32, #tpu.memory_space<vmem_shared>> -> memref<200x80xf32, #tpu.memory_space<vmem_shared>>
        %dma_start3A_89 = arith.constant 0 : i32
        %dma_start3A_90 = tpu.memref_slice %arg10[%add3A_82, %dma_start3A_89] : memref<10000x80xf32, #tpu.memory_space<vmem_shared>> -> memref<200x80xf32, #tpu.memory_space<vmem_shared>>
        tpu.enqueue_dma source(%arg9 : memref<200x80xf32, #tpu.memory_space<vmem>>) target(%dma_start3A_90 : memref<200x80xf32, #tpu.memory_space<vmem_shared>>) target_semaphore(%run_scoped3A : memref<!tpu.dma_semaphore, #tpu.memory_space<semaphore_mem>>)
        %dma_wait3A_91 = arith.constant 0 : i32
        %dma_wait3A_92 = tpu.memref_slice %arg10[%add3A_82, %dma_wait3A_91] : memref<10000x80xf32, #tpu.memory_space<vmem_shared>> -> memref<200x80xf32, #tpu.memory_space<vmem_shared>>
        %dma_wait3A_93 = arith.constant 0 : i32
        %dma_wait3A_94 = tpu.memref_slice %arg10[%add3A_82, %dma_wait3A_93] : memref<10000x80xf32, #tpu.memory_space<vmem_shared>> -> memref<200x80xf32, #tpu.memory_space<vmem_shared>>
        tpu.wait_dma2 semaphore(%run_scoped3A : memref<!tpu.dma_semaphore, #tpu.memory_space<semaphore_mem>>) src(%arg9 : memref<200x80xf32, #tpu.memory_space<vmem>>) dst(%dma_wait3A_94 : memref<200x80xf32, #tpu.memory_space<vmem_shared>>)
        tpu.yield
      }) : () -> ()
      %mul3A_83 = arith.constant 1000 : i32
      %mul3A_84 = arith.muli %arg1, %mul3A_83 : i32
      %add3A_85 = arith.constant 800 : i32
      %add3A_86 = arith.addi %mul3A_84, %add3A_85 : i32
      "tpu.region"() ({
        %run_scoped3A = tpu.sem_alloc : memref<!tpu.dma_semaphore, #tpu.memory_space<semaphore_mem>>
        %dma_start3A_87 = arith.constant 0 : i32
        %dma_start3A_88 = tpu.memref_slice %arg10[%add3A_86, %dma_start3A_87] : memref<10000x80xf32, #tpu.memory_space<vmem_shared>> -> memref<200x80xf32, #tpu.memory_space<vmem_shared>>
        %dma_start3A_89 = arith.constant 0 : i32
        %dma_start3A_90 = tpu.memref_slice %arg10[%add3A_86, %dma_start3A_89] : memref<10000x80xf32, #tpu.memory_space<vmem_shared>> -> memref<200x80xf32, #tpu.memory_space<vmem_shared>>
        tpu.enqueue_dma source(%arg9 : memref<200x80xf32, #tpu.memory_space<vmem>>) target(%dma_start3A_90 : memref<200x80xf32, #tpu.memory_space<vmem_shared>>) target_semaphore(%run_scoped3A : memref<!tpu.dma_semaphore, #tpu.memory_space<semaphore_mem>>)
        %dma_wait3A_91 = arith.constant 0 : i32
        %dma_wait3A_92 = tpu.memref_slice %arg10[%add3A_86, %dma_wait3A_91] : memref<10000x80xf32, #tpu.memory_space<vmem_shared>> -> memref<200x80xf32, #tpu.memory_space<vmem_shared>>
        %dma_wait3A_93 = arith.constant 0 : i32
        %dma_wait3A_94 = tpu.memref_slice %arg10[%add3A_86, %dma_wait3A_93] : memref<10000x80xf32, #tpu.memory_space<vmem_shared>> -> memref<200x80xf32, #tpu.memory_space<vmem_shared>>
        tpu.wait_dma2 semaphore(%run_scoped3A : memref<!tpu.dma_semaphore, #tpu.memory_space<semaphore_mem>>) src(%arg9 : memref<200x80xf32, #tpu.memory_space<vmem>>) dst(%dma_wait3A_94 : memref<200x80xf32, #tpu.memory_space<vmem_shared>>)
        tpu.yield
      }) : () -> ()
    } else {
    }
    %barrier3A = arith.constant 0 : index
    tpu.barrier barrier_id(%barrier3A)
    %mul3A_8 = arith.constant 10000 : i32
    %mul3A_9 = arith.muli %add3A, %mul3A_8 : i32
    %add3A_10 = arith.constant 0 : i32
    %add3A_11 = arith.addi %mul3A_9, %add3A_10 : i32
    %multiple_of3A = tpu.assume_multiple %add3A_11, 8 : i32
    %dma_start3A = arith.constant 0 : i32
    %dma_start3A_12 = tpu.memref_slice %arg2[%multiple_of3A, %dma_start3A] : memref<320000x80xf32, #tpu.memory_space<hbm>> -> memref<80x80xf32, #tpu.memory_space<hbm>>
    %dma_start3A_13 = arith.constant 0 : i32
    %dma_start3A_14 = tpu.memref_slice %arg2[%multiple_of3A, %dma_start3A_13] : memref<320000x80xf32, #tpu.memory_space<hbm>> -> memref<80x80xf32, #tpu.memory_space<hbm>>
    tpu.enqueue_dma source(%dma_start3A_14 : memref<80x80xf32, #tpu.memory_space<hbm>>) target(%arg5 : memref<80x80xf32, #tpu.memory_space<vmem>>) target_semaphore(%arg11 : memref<!tpu.dma_semaphore, #tpu.memory_space<semaphore_mem>>)
    %dma_start3A_15 = tpu.memref_slice %arg3[%multiple_of3A] : memref<320000xi32, #tpu.memory_space<hbm>> -> memref<80xi32, #tpu.memory_space<hbm>>
    %dma_start3A_16 = tpu.memref_slice %arg3[%multiple_of3A] : memref<320000xi32, #tpu.memory_space<hbm>> -> memref<80xi32, #tpu.memory_space<hbm>>
    tpu.enqueue_dma source(%dma_start3A_16 : memref<80xi32, #tpu.memory_space<hbm>>) target(%arg7 : memref<80xi32, #tpu.memory_space<vmem>>) target_semaphore(%arg13 : memref<!tpu.dma_semaphore, #tpu.memory_space<semaphore_mem>>)
    %add3A_17 = arith.constant 80 : i32
    %add3A_18 = arith.addi %mul3A_9, %add3A_17 : i32
    %multiple_of3A_19 = tpu.assume_multiple %add3A_18, 8 : i32
    %dma_start3A_20 = arith.constant 0 : i32
    %dma_start3A_21 = tpu.memref_slice %arg2[%multiple_of3A_19, %dma_start3A_20] : memref<320000x80xf32, #tpu.memory_space<hbm>> -> memref<80x80xf32, #tpu.memory_space<hbm>>
    %dma_start3A_22 = arith.constant 0 : i32
    %dma_start3A_23 = tpu.memref_slice %arg2[%multiple_of3A_19, %dma_start3A_22] : memref<320000x80xf32, #tpu.memory_space<hbm>> -> memref<80x80xf32, #tpu.memory_space<hbm>>
    tpu.enqueue_dma source(%dma_start3A_23 : memref<80x80xf32, #tpu.memory_space<hbm>>) target(%arg6 : memref<80x80xf32, #tpu.memory_space<vmem>>) target_semaphore(%arg12 : memref<!tpu.dma_semaphore, #tpu.memory_space<semaphore_mem>>)
    %dma_start3A_24 = tpu.memref_slice %arg3[%multiple_of3A_19] : memref<320000xi32, #tpu.memory_space<hbm>> -> memref<80xi32, #tpu.memory_space<hbm>>
    %dma_start3A_25 = tpu.memref_slice %arg3[%multiple_of3A_19] : memref<320000xi32, #tpu.memory_space<hbm>> -> memref<80xi32, #tpu.memory_space<hbm>>
    tpu.enqueue_dma source(%dma_start3A_25 : memref<80xi32, #tpu.memory_space<hbm>>) target(%arg8 : memref<80xi32, #tpu.memory_space<vmem>>) target_semaphore(%arg14 : memref<!tpu.dma_semaphore, #tpu.memory_space<semaphore_mem>>)
    %scan3A_26 = arith.constant 0 : i32
    %scan3A_27 = arith.constant 0 : i32
    %scan3A_28 = arith.constant 62 : i32
    %scan3A_29 = arith.addi %scan3A_27, %scan3A_28 : i32
    %scan3A_30 = arith.constant 1 : i32
    scf.for %scan3A_67 = %scan3A_27 to %scan3A_29 step %scan3A_30  : i32 {
      %mul3A_68 = arith.constant 2 : i32
      %mul3A_69 = arith.muli %mul3A_68, %scan3A_67 : i32
      %mul3A_70 = arith.constant 2 : i32
      %mul3A_71 = arith.muli %mul3A_70, %scan3A_67 : i32
      %add3A_72 = arith.constant 1 : i32
      %add3A_73 = arith.addi %mul3A_71, %add3A_72 : i32
      %mul3A_74 = arith.constant 80 : i32
      %mul3A_75 = arith.muli %mul3A_69, %mul3A_74 : i32
      %add3A_76 = arith.addi %mul3A_9, %mul3A_75 : i32
      %multiple_of3A_77 = tpu.assume_multiple %add3A_76, 8 : i32
      %dma_wait3A_78 = arith.constant 0 : i32
      %dma_wait3A_79 = tpu.memref_slice %arg2[%multiple_of3A_77, %dma_wait3A_78] : memref<320000x80xf32, #tpu.memory_space<hbm>> -> memref<80x80xf32, #tpu.memory_space<hbm>>
      %dma_wait3A_80 = arith.constant 0 : i32
      %dma_wait3A_81 = tpu.memref_slice %arg2[%multiple_of3A_77, %dma_wait3A_80] : memref<320000x80xf32, #tpu.memory_space<hbm>> -> memref<80x80xf32, #tpu.memory_space<hbm>>
      tpu.wait_dma2 semaphore(%arg11 : memref<!tpu.dma_semaphore, #tpu.memory_space<semaphore_mem>>) src(%dma_wait3A_81 : memref<80x80xf32, #tpu.memory_space<hbm>>) dst(%arg5 : memref<80x80xf32, #tpu.memory_space<vmem>>)
      %dma_wait3A_82 = tpu.memref_slice %arg3[%multiple_of3A_77] : memref<320000xi32, #tpu.memory_space<hbm>> -> memref<80xi32, #tpu.memory_space<hbm>>
      %dma_wait3A_83 = tpu.memref_slice %arg3[%multiple_of3A_77] : memref<320000xi32, #tpu.memory_space<hbm>> -> memref<80xi32, #tpu.memory_space<hbm>>
      tpu.wait_dma2 semaphore(%arg13 : memref<!tpu.dma_semaphore, #tpu.memory_space<semaphore_mem>>) src(%dma_wait3A_83 : memref<80xi32, #tpu.memory_space<hbm>>) dst(%arg7 : memref<80xi32, #tpu.memory_space<vmem>>)
      %dma_start3A_84 = arith.constant 0 : i32
      %dma_start3A_85 = arith.constant 0 : i32
      %dma_start3A_86 = tpu.memref_slice %arg10[%dma_start3A_84, %dma_start3A_85] : memref<10000x80xf32, #tpu.memory_space<vmem_shared>> -> memref<10000x80xf32, #tpu.memory_space<vmem_shared>>
      tpu.enqueue_indirect_dma source(%arg5 : memref<80x80xf32, #tpu.memory_space<vmem>>) target(%dma_start3A_86 : memref<10000x80xf32, #tpu.memory_space<vmem_shared>>) offsets(%arg7 : memref<80xi32, #tpu.memory_space<vmem>>) semaphore(%arg15 : memref<!tpu.dma_semaphore, #tpu.memory_space<semaphore_mem>>) {add = true}
      %mul3A_87 = arith.constant 80 : i32
      %mul3A_88 = arith.muli %add3A_73, %mul3A_87 : i32
      %add3A_89 = arith.addi %mul3A_9, %mul3A_88 : i32
      %multiple_of3A_90 = tpu.assume_multiple %add3A_89, 8 : i32
      %dma_wait3A_91 = arith.constant 0 : i32
      %dma_wait3A_92 = tpu.memref_slice %arg2[%multiple_of3A_90, %dma_wait3A_91] : memref<320000x80xf32, #tpu.memory_space<hbm>> -> memref<80x80xf32, #tpu.memory_space<hbm>>
      %dma_wait3A_93 = arith.constant 0 : i32
      %dma_wait3A_94 = tpu.memref_slice %arg2[%multiple_of3A_90, %dma_wait3A_93] : memref<320000x80xf32, #tpu.memory_space<hbm>> -> memref<80x80xf32, #tpu.memory_space<hbm>>
      tpu.wait_dma2 semaphore(%arg12 : memref<!tpu.dma_semaphore, #tpu.memory_space<semaphore_mem>>) src(%dma_wait3A_94 : memref<80x80xf32, #tpu.memory_space<hbm>>) dst(%arg6 : memref<80x80xf32, #tpu.memory_space<vmem>>)
      %dma_wait3A_95 = tpu.memref_slice %arg3[%multiple_of3A_90] : memref<320000xi32, #tpu.memory_space<hbm>> -> memref<80xi32, #tpu.memory_space<hbm>>
      %dma_wait3A_96 = tpu.memref_slice %arg3[%multiple_of3A_90] : memref<320000xi32, #tpu.memory_space<hbm>> -> memref<80xi32, #tpu.memory_space<hbm>>
      tpu.wait_dma2 semaphore(%arg14 : memref<!tpu.dma_semaphore, #tpu.memory_space<semaphore_mem>>) src(%dma_wait3A_96 : memref<80xi32, #tpu.memory_space<hbm>>) dst(%arg8 : memref<80xi32, #tpu.memory_space<vmem>>)
      %dma_start3A_97 = arith.constant 0 : i32
      %dma_start3A_98 = arith.constant 0 : i32
      %dma_start3A_99 = tpu.memref_slice %arg10[%dma_start3A_97, %dma_start3A_98] : memref<10000x80xf32, #tpu.memory_space<vmem_shared>> -> memref<10000x80xf32, #tpu.memory_space<vmem_shared>>
      tpu.enqueue_indirect_dma source(%arg6 : memref<80x80xf32, #tpu.memory_space<vmem>>) target(%dma_start3A_99 : memref<10000x80xf32, #tpu.memory_space<vmem_shared>>) offsets(%arg8 : memref<80xi32, #tpu.memory_space<vmem>>) semaphore(%arg16 : memref<!tpu.dma_semaphore, #tpu.memory_space<semaphore_mem>>) {add = true}
      %lt3A_100 = arith.constant 61 : i32
      %lt3A_101 = arith.cmpi slt, %scan3A_67, %lt3A_100 : i32
      %convert_element_type3A_102 = arith.extui %lt3A_101 : i1 to i32
      %cond3A_103 = arith.constant 0 : i32
      %cond3A_104 = arith.cmpi ne, %convert_element_type3A_102, %cond3A_103 : i32
      scf.if %cond3A_104 {
        %dma_wait3A_105 = arith.constant 0 : i32
        %dma_wait3A_106 = arith.constant 0 : i32
        %dma_wait3A_107 = tpu.memref_slice %arg10[%dma_wait3A_105, %dma_wait3A_106] : memref<10000x80xf32, #tpu.memory_space<vmem_shared>> -> memref<10000x80xf32, #tpu.memory_space<vmem_shared>>
        tpu.wait_indirect_dma semaphore(%arg15 : memref<!tpu.dma_semaphore, #tpu.memory_space<semaphore_mem>>) src(%arg5 : memref<80x80xf32, #tpu.memory_space<vmem>>) dst(%dma_wait3A_107 : memref<10000x80xf32, #tpu.memory_space<vmem_shared>>)
        %add3A_108 = arith.constant 2 : i32
        %add3A_109 = arith.addi %mul3A_69, %add3A_108 : i32
        %mul3A_110 = arith.constant 80 : i32
        %mul3A_111 = arith.muli %add3A_109, %mul3A_110 : i32
        %add3A_112 = arith.addi %mul3A_9, %mul3A_111 : i32
        %multiple_of3A_113 = tpu.assume_multiple %add3A_112, 8 : i32
        %dma_start3A_114 = arith.constant 0 : i32
        %dma_start3A_115 = tpu.memref_slice %arg2[%multiple_of3A_113, %dma_start3A_114] : memref<320000x80xf32, #tpu.memory_space<hbm>> -> memref<80x80xf32, #tpu.memory_space<hbm>>
        %dma_start3A_116 = arith.constant 0 : i32
        %dma_start3A_117 = tpu.memref_slice %arg2[%multiple_of3A_113, %dma_start3A_116] : memref<320000x80xf32, #tpu.memory_space<hbm>> -> memref<80x80xf32, #tpu.memory_space<hbm>>
        tpu.enqueue_dma source(%dma_start3A_117 : memref<80x80xf32, #tpu.memory_space<hbm>>) target(%arg5 : memref<80x80xf32, #tpu.memory_space<vmem>>) target_semaphore(%arg11 : memref<!tpu.dma_semaphore, #tpu.memory_space<semaphore_mem>>)
        %dma_start3A_118 = tpu.memref_slice %arg3[%multiple_of3A_113] : memref<320000xi32, #tpu.memory_space<hbm>> -> memref<80xi32, #tpu.memory_space<hbm>>
        %dma_start3A_119 = tpu.memref_slice %arg3[%multiple_of3A_113] : memref<320000xi32, #tpu.memory_space<hbm>> -> memref<80xi32, #tpu.memory_space<hbm>>
        tpu.enqueue_dma source(%dma_start3A_119 : memref<80xi32, #tpu.memory_space<hbm>>) target(%arg7 : memref<80xi32, #tpu.memory_space<vmem>>) target_semaphore(%arg13 : memref<!tpu.dma_semaphore, #tpu.memory_space<semaphore_mem>>)
        %dma_wait3A_120 = arith.constant 0 : i32
        %dma_wait3A_121 = arith.constant 0 : i32
        %dma_wait3A_122 = tpu.memref_slice %arg10[%dma_wait3A_120, %dma_wait3A_121] : memref<10000x80xf32, #tpu.memory_space<vmem_shared>> -> memref<10000x80xf32, #tpu.memory_space<vmem_shared>>
        tpu.wait_indirect_dma semaphore(%arg16 : memref<!tpu.dma_semaphore, #tpu.memory_space<semaphore_mem>>) src(%arg6 : memref<80x80xf32, #tpu.memory_space<vmem>>) dst(%dma_wait3A_122 : memref<10000x80xf32, #tpu.memory_space<vmem_shared>>)
        %add3A_123 = arith.constant 2 : i32
        %add3A_124 = arith.addi %add3A_73, %add3A_123 : i32
        %mul3A_125 = arith.constant 80 : i32
        %mul3A_126 = arith.muli %add3A_124, %mul3A_125 : i32
        %add3A_127 = arith.addi %mul3A_9, %mul3A_126 : i32
        %multiple_of3A_128 = tpu.assume_multiple %add3A_127, 8 : i32
        %dma_start3A_129 = arith.constant 0 : i32
        %dma_start3A_130 = tpu.memref_slice %arg2[%multiple_of3A_128, %dma_start3A_129] : memref<320000x80xf32, #tpu.memory_space<hbm>> -> memref<80x80xf32, #tpu.memory_space<hbm>>
        %dma_start3A_131 = arith.constant 0 : i32
        %dma_start3A_132 = tpu.memref_slice %arg2[%multiple_of3A_128, %dma_start3A_131] : memref<320000x80xf32, #tpu.memory_space<hbm>> -> memref<80x80xf32, #tpu.memory_space<hbm>>
        tpu.enqueue_dma source(%dma_start3A_132 : memref<80x80xf32, #tpu.memory_space<hbm>>) target(%arg6 : memref<80x80xf32, #tpu.memory_space<vmem>>) target_semaphore(%arg12 : memref<!tpu.dma_semaphore, #tpu.memory_space<semaphore_mem>>)
        %dma_start3A_133 = tpu.memref_slice %arg3[%multiple_of3A_128] : memref<320000xi32, #tpu.memory_space<hbm>> -> memref<80xi32, #tpu.memory_space<hbm>>
        %dma_start3A_134 = tpu.memref_slice %arg3[%multiple_of3A_128] : memref<320000xi32, #tpu.memory_space<hbm>> -> memref<80xi32, #tpu.memory_space<hbm>>
        tpu.enqueue_dma source(%dma_start3A_134 : memref<80xi32, #tpu.memory_space<hbm>>) target(%arg8 : memref<80xi32, #tpu.memory_space<vmem>>) target_semaphore(%arg14 : memref<!tpu.dma_semaphore, #tpu.memory_space<semaphore_mem>>)
      } else {
      }
    }
    %scan3A_31 = arith.constant 62 : i32
    %dma_wait3A = arith.constant 0 : i32
    %dma_wait3A_32 = arith.constant 0 : i32
    %dma_wait3A_33 = tpu.memref_slice %arg10[%dma_wait3A, %dma_wait3A_32] : memref<10000x80xf32, #tpu.memory_space<vmem_shared>> -> memref<10000x80xf32, #tpu.memory_space<vmem_shared>>
    tpu.wait_indirect_dma semaphore(%arg15 : memref<!tpu.dma_semaphore, #tpu.memory_space<semaphore_mem>>) src(%arg5 : memref<80x80xf32, #tpu.memory_space<vmem>>) dst(%dma_wait3A_33 : memref<10000x80xf32, #tpu.memory_space<vmem_shared>>)
    %add3A_34 = arith.constant 9920 : i32
    %add3A_35 = arith.addi %mul3A_9, %add3A_34 : i32
    %multiple_of3A_36 = tpu.assume_multiple %add3A_35, 8 : i32
    %dma_start3A_37 = arith.constant 0 : i32
    %dma_start3A_38 = tpu.memref_slice %arg2[%multiple_of3A_36, %dma_start3A_37] : memref<320000x80xf32, #tpu.memory_space<hbm>> -> memref<80x80xf32, #tpu.memory_space<hbm>>
    %dma_start3A_39 = arith.constant 0 : i32
    %dma_start3A_40 = tpu.memref_slice %arg2[%multiple_of3A_36, %dma_start3A_39] : memref<320000x80xf32, #tpu.memory_space<hbm>> -> memref<80x80xf32, #tpu.memory_space<hbm>>
    tpu.enqueue_dma source(%dma_start3A_40 : memref<80x80xf32, #tpu.memory_space<hbm>>) target(%arg5 : memref<80x80xf32, #tpu.memory_space<vmem>>) target_semaphore(%arg11 : memref<!tpu.dma_semaphore, #tpu.memory_space<semaphore_mem>>)
    %dma_start3A_41 = tpu.memref_slice %arg3[%multiple_of3A_36] : memref<320000xi32, #tpu.memory_space<hbm>> -> memref<80xi32, #tpu.memory_space<hbm>>
    %dma_start3A_42 = tpu.memref_slice %arg3[%multiple_of3A_36] : memref<320000xi32, #tpu.memory_space<hbm>> -> memref<80xi32, #tpu.memory_space<hbm>>
    tpu.enqueue_dma source(%dma_start3A_42 : memref<80xi32, #tpu.memory_space<hbm>>) target(%arg7 : memref<80xi32, #tpu.memory_space<vmem>>) target_semaphore(%arg13 : memref<!tpu.dma_semaphore, #tpu.memory_space<semaphore_mem>>)
    %add3A_43 = arith.constant 9920 : i32
    %add3A_44 = arith.addi %mul3A_9, %add3A_43 : i32
    %multiple_of3A_45 = tpu.assume_multiple %add3A_44, 8 : i32
    %dma_wait3A_46 = arith.constant 0 : i32
    %dma_wait3A_47 = tpu.memref_slice %arg2[%multiple_of3A_45, %dma_wait3A_46] : memref<320000x80xf32, #tpu.memory_space<hbm>> -> memref<80x80xf32, #tpu.memory_space<hbm>>
    %dma_wait3A_48 = arith.constant 0 : i32
    %dma_wait3A_49 = tpu.memref_slice %arg2[%multiple_of3A_45, %dma_wait3A_48] : memref<320000x80xf32, #tpu.memory_space<hbm>> -> memref<80x80xf32, #tpu.memory_space<hbm>>
    tpu.wait_dma2 semaphore(%arg11 : memref<!tpu.dma_semaphore, #tpu.memory_space<semaphore_mem>>) src(%dma_wait3A_49 : memref<80x80xf32, #tpu.memory_space<hbm>>) dst(%arg5 : memref<80x80xf32, #tpu.memory_space<vmem>>)
    %dma_wait3A_50 = tpu.memref_slice %arg3[%multiple_of3A_45] : memref<320000xi32, #tpu.memory_space<hbm>> -> memref<80xi32, #tpu.memory_space<hbm>>
    %dma_wait3A_51 = tpu.memref_slice %arg3[%multiple_of3A_45] : memref<320000xi32, #tpu.memory_space<hbm>> -> memref<80xi32, #tpu.memory_space<hbm>>
    tpu.wait_dma2 semaphore(%arg13 : memref<!tpu.dma_semaphore, #tpu.memory_space<semaphore_mem>>) src(%dma_wait3A_51 : memref<80xi32, #tpu.memory_space<hbm>>) dst(%arg7 : memref<80xi32, #tpu.memory_space<vmem>>)
    %dma_start3A_52 = arith.constant 0 : i32
    %dma_start3A_53 = arith.constant 0 : i32
    %dma_start3A_54 = tpu.memref_slice %arg10[%dma_start3A_52, %dma_start3A_53] : memref<10000x80xf32, #tpu.memory_space<vmem_shared>> -> memref<10000x80xf32, #tpu.memory_space<vmem_shared>>
    tpu.enqueue_indirect_dma source(%arg5 : memref<80x80xf32, #tpu.memory_space<vmem>>) target(%dma_start3A_54 : memref<10000x80xf32, #tpu.memory_space<vmem_shared>>) offsets(%arg7 : memref<80xi32, #tpu.memory_space<vmem>>) semaphore(%arg15 : memref<!tpu.dma_semaphore, #tpu.memory_space<semaphore_mem>>) {add = true}
    %dma_wait3A_55 = arith.constant 0 : i32
    %dma_wait3A_56 = arith.constant 0 : i32
    %dma_wait3A_57 = tpu.memref_slice %arg10[%dma_wait3A_55, %dma_wait3A_56] : memref<10000x80xf32, #tpu.memory_space<vmem_shared>> -> memref<10000x80xf32, #tpu.memory_space<vmem_shared>>
    tpu.wait_indirect_dma semaphore(%arg15 : memref<!tpu.dma_semaphore, #tpu.memory_space<semaphore_mem>>) src(%arg5 : memref<80x80xf32, #tpu.memory_space<vmem>>) dst(%dma_wait3A_57 : memref<10000x80xf32, #tpu.memory_space<vmem_shared>>)
    %dma_wait3A_58 = arith.constant 0 : i32
    %dma_wait3A_59 = arith.constant 0 : i32
    %dma_wait3A_60 = tpu.memref_slice %arg10[%dma_wait3A_58, %dma_wait3A_59] : memref<10000x80xf32, #tpu.memory_space<vmem_shared>> -> memref<10000x80xf32, #tpu.memory_space<vmem_shared>>
    tpu.wait_indirect_dma semaphore(%arg16 : memref<!tpu.dma_semaphore, #tpu.memory_space<semaphore_mem>>) src(%arg6 : memref<80x80xf32, #tpu.memory_space<vmem>>) dst(%dma_wait3A_60 : memref<10000x80xf32, #tpu.memory_space<vmem_shared>>)
    %barrier3A_61 = arith.constant 0 : index
    tpu.barrier barrier_id(%barrier3A_61)
    %lt3A_62 = arith.constant 10 : i32
    %lt3A_63 = arith.cmpi slt, %arg1, %lt3A_62 : i32
    %convert_element_type3A_64 = arith.extui %lt3A_63 : i1 to i32
    %cond3A_65 = arith.constant 0 : i32
    %cond3A_66 = arith.cmpi ne, %convert_element_type3A_64, %cond3A_65 : i32
    scf.if %cond3A_66 {
      %mul3A_67 = arith.constant 1000 : i32
      %mul3A_68 = arith.muli %arg1, %mul3A_67 : i32
      %add3A_69 = arith.constant 0 : i32
      %add3A_70 = arith.addi %mul3A_68, %add3A_69 : i32
      %mul3A_71 = arith.constant 1000 : i32
      %mul3A_72 = arith.muli %arg1, %mul3A_71 : i32
      %add3A_73 = arith.constant 0 : i32
      %add3A_74 = arith.addi %mul3A_72, %add3A_73 : i32
      "tpu.region"() ({
        %run_scoped3A = tpu.sem_alloc : memref<!tpu.dma_semaphore, #tpu.memory_space<semaphore_mem>>
        %dma_start3A_107 = arith.constant 0 : i32
        %dma_start3A_108 = tpu.memref_slice %arg4[%arg0, %add3A_74, %dma_start3A_107] : memref<2x10000x80xf32, #tpu.memory_space<hbm>> -> memref<1x200x80xf32, #tpu.memory_space<hbm>>
        %dma_start3A_109 = tpu.memref_squeeze %dma_start3A_108 : memref<1x200x80xf32, #tpu.memory_space<hbm>> -> memref<200x80xf32, #tpu.memory_space<hbm>>
        %dma_start3A_110 = arith.constant 0 : i32
        %dma_start3A_111 = tpu.memref_slice %arg10[%add3A_70, %dma_start3A_110] : memref<10000x80xf32, #tpu.memory_space<vmem_shared>> -> memref<200x80xf32, #tpu.memory_space<vmem_shared>>
        tpu.enqueue_dma source(%dma_start3A_111 : memref<200x80xf32, #tpu.memory_space<vmem_shared>>) target(%dma_start3A_109 : memref<200x80xf32, #tpu.memory_space<hbm>>) target_semaphore(%run_scoped3A : memref<!tpu.dma_semaphore, #tpu.memory_space<semaphore_mem>>)
        %dma_wait3A_112 = arith.constant 0 : i32
        %dma_wait3A_113 = tpu.memref_slice %arg4[%arg0, %add3A_74, %dma_wait3A_112] : memref<2x10000x80xf32, #tpu.memory_space<hbm>> -> memref<1x200x80xf32, #tpu.memory_space<hbm>>
        %dma_wait3A_114 = tpu.memref_squeeze %dma_wait3A_113 : memref<1x200x80xf32, #tpu.memory_space<hbm>> -> memref<200x80xf32, #tpu.memory_space<hbm>>
        %dma_wait3A_115 = arith.constant 0 : i32
        %dma_wait3A_116 = tpu.memref_slice %arg10[%add3A_70, %dma_wait3A_115] : memref<10000x80xf32, #tpu.memory_space<vmem_shared>> -> memref<200x80xf32, #tpu.memory_space<vmem_shared>>
        tpu.wait_dma2 semaphore(%run_scoped3A : memref<!tpu.dma_semaphore, #tpu.memory_space<semaphore_mem>>) src(%dma_wait3A_116 : memref<200x80xf32, #tpu.memory_space<vmem_shared>>) dst(%dma_wait3A_114 : memref<200x80xf32, #tpu.memory_space<hbm>>)
        tpu.yield
      }) : () -> ()
      %mul3A_75 = arith.constant 1000 : i32
      %mul3A_76 = arith.muli %arg1, %mul3A_75 : i32
      %add3A_77 = arith.constant 200 : i32
      %add3A_78 = arith.addi %mul3A_76, %add3A_77 : i32
      %mul3A_79 = arith.constant 1000 : i32
      %mul3A_80 = arith.muli %arg1, %mul3A_79 : i32
      %add3A_81 = arith.constant 200 : i32
      %add3A_82 = arith.addi %mul3A_80, %add3A_81 : i32
      "tpu.region"() ({
        %run_scoped3A = tpu.sem_alloc : memref<!tpu.dma_semaphore, #tpu.memory_space<semaphore_mem>>
        %dma_start3A_107 = arith.constant 0 : i32
        %dma_start3A_108 = tpu.memref_slice %arg4[%arg0, %add3A_82, %dma_start3A_107] : memref<2x10000x80xf32, #tpu.memory_space<hbm>> -> memref<1x200x80xf32, #tpu.memory_space<hbm>>
        %dma_start3A_109 = tpu.memref_squeeze %dma_start3A_108 : memref<1x200x80xf32, #tpu.memory_space<hbm>> -> memref<200x80xf32, #tpu.memory_space<hbm>>
        %dma_start3A_110 = arith.constant 0 : i32
        %dma_start3A_111 = tpu.memref_slice %arg10[%add3A_78, %dma_start3A_110] : memref<10000x80xf32, #tpu.memory_space<vmem_shared>> -> memref<200x80xf32, #tpu.memory_space<vmem_shared>>
        tpu.enqueue_dma source(%dma_start3A_111 : memref<200x80xf32, #tpu.memory_space<vmem_shared>>) target(%dma_start3A_109 : memref<200x80xf32, #tpu.memory_space<hbm>>) target_semaphore(%run_scoped3A : memref<!tpu.dma_semaphore, #tpu.memory_space<semaphore_mem>>)
        %dma_wait3A_112 = arith.constant 0 : i32
        %dma_wait3A_113 = tpu.memref_slice %arg4[%arg0, %add3A_82, %dma_wait3A_112] : memref<2x10000x80xf32, #tpu.memory_space<hbm>> -> memref<1x200x80xf32, #tpu.memory_space<hbm>>
        %dma_wait3A_114 = tpu.memref_squeeze %dma_wait3A_113 : memref<1x200x80xf32, #tpu.memory_space<hbm>> -> memref<200x80xf32, #tpu.memory_space<hbm>>
        %dma_wait3A_115 = arith.constant 0 : i32
        %dma_wait3A_116 = tpu.memref_slice %arg10[%add3A_78, %dma_wait3A_115] : memref<10000x80xf32, #tpu.memory_space<vmem_shared>> -> memref<200x80xf32, #tpu.memory_space<vmem_shared>>
        tpu.wait_dma2 semaphore(%run_scoped3A : memref<!tpu.dma_semaphore, #tpu.memory_space<semaphore_mem>>) src(%dma_wait3A_116 : memref<200x80xf32, #tpu.memory_space<vmem_shared>>) dst(%dma_wait3A_114 : memref<200x80xf32, #tpu.memory_space<hbm>>)
        tpu.yield
      }) : () -> ()
      %mul3A_83 = arith.constant 1000 : i32
      %mul3A_84 = arith.muli %arg1, %mul3A_83 : i32
      %add3A_85 = arith.constant 400 : i32
      %add3A_86 = arith.addi %mul3A_84, %add3A_85 : i32
      %mul3A_87 = arith.constant 1000 : i32
      %mul3A_88 = arith.muli %arg1, %mul3A_87 : i32
      %add3A_89 = arith.constant 400 : i32
      %add3A_90 = arith.addi %mul3A_88, %add3A_89 : i32
      "tpu.region"() ({
        %run_scoped3A = tpu.sem_alloc : memref<!tpu.dma_semaphore, #tpu.memory_space<semaphore_mem>>
        %dma_start3A_107 = arith.constant 0 : i32
        %dma_start3A_108 = tpu.memref_slice %arg4[%arg0, %add3A_90, %dma_start3A_107] : memref<2x10000x80xf32, #tpu.memory_space<hbm>> -> memref<1x200x80xf32, #tpu.memory_space<hbm>>
        %dma_start3A_109 = tpu.memref_squeeze %dma_start3A_108 : memref<1x200x80xf32, #tpu.memory_space<hbm>> -> memref<200x80xf32, #tpu.memory_space<hbm>>
        %dma_start3A_110 = arith.constant 0 : i32
        %dma_start3A_111 = tpu.memref_slice %arg10[%add3A_86, %dma_start3A_110] : memref<10000x80xf32, #tpu.memory_space<vmem_shared>> -> memref<200x80xf32, #tpu.memory_space<vmem_shared>>
        tpu.enqueue_dma source(%dma_start3A_111 : memref<200x80xf32, #tpu.memory_space<vmem_shared>>) target(%dma_start3A_109 : memref<200x80xf32, #tpu.memory_space<hbm>>) target_semaphore(%run_scoped3A : memref<!tpu.dma_semaphore, #tpu.memory_space<semaphore_mem>>)
        %dma_wait3A_112 = arith.constant 0 : i32
        %dma_wait3A_113 = tpu.memref_slice %arg4[%arg0, %add3A_90, %dma_wait3A_112] : memref<2x10000x80xf32, #tpu.memory_space<hbm>> -> memref<1x200x80xf32, #tpu.memory_space<hbm>>
        %dma_wait3A_114 = tpu.memref_squeeze %dma_wait3A_113 : memref<1x200x80xf32, #tpu.memory_space<hbm>> -> memref<200x80xf32, #tpu.memory_space<hbm>>
        %dma_wait3A_115 = arith.constant 0 : i32
        %dma_wait3A_116 = tpu.memref_slice %arg10[%add3A_86, %dma_wait3A_115] : memref<10000x80xf32, #tpu.memory_space<vmem_shared>> -> memref<200x80xf32, #tpu.memory_space<vmem_shared>>
        tpu.wait_dma2 semaphore(%run_scoped3A : memref<!tpu.dma_semaphore, #tpu.memory_space<semaphore_mem>>) src(%dma_wait3A_116 : memref<200x80xf32, #tpu.memory_space<vmem_shared>>) dst(%dma_wait3A_114 : memref<200x80xf32, #tpu.memory_space<hbm>>)
        tpu.yield
      }) : () -> ()
      %mul3A_91 = arith.constant 1000 : i32
      %mul3A_92 = arith.muli %arg1, %mul3A_91 : i32
      %add3A_93 = arith.constant 600 : i32
      %add3A_94 = arith.addi %mul3A_92, %add3A_93 : i32
      %mul3A_95 = arith.constant 1000 : i32
      %mul3A_96 = arith.muli %arg1, %mul3A_95 : i32
      %add3A_97 = arith.constant 600 : i32
      %add3A_98 = arith.addi %mul3A_96, %add3A_97 : i32
      "tpu.region"() ({
        %run_scoped3A = tpu.sem_alloc : memref<!tpu.dma_semaphore, #tpu.memory_space<semaphore_mem>>
        %dma_start3A_107 = arith.constant 0 : i32
        %dma_start3A_108 = tpu.memref_slice %arg4[%arg0, %add3A_98, %dma_start3A_107] : memref<2x10000x80xf32, #tpu.memory_space<hbm>> -> memref<1x200x80xf32, #tpu.memory_space<hbm>>
        %dma_start3A_109 = tpu.memref_squeeze %dma_start3A_108 : memref<1x200x80xf32, #tpu.memory_space<hbm>> -> memref<200x80xf32, #tpu.memory_space<hbm>>
        %dma_start3A_110 = arith.constant 0 : i32
        %dma_start3A_111 = tpu.memref_slice %arg10[%add3A_94, %dma_start3A_110] : memref<10000x80xf32, #tpu.memory_space<vmem_shared>> -> memref<200x80xf32, #tpu.memory_space<vmem_shared>>
        tpu.enqueue_dma source(%dma_start3A_111 : memref<200x80xf32, #tpu.memory_space<vmem_shared>>) target(%dma_start3A_109 : memref<200x80xf32, #tpu.memory_space<hbm>>) target_semaphore(%run_scoped3A : memref<!tpu.dma_semaphore, #tpu.memory_space<semaphore_mem>>)
        %dma_wait3A_112 = arith.constant 0 : i32
        %dma_wait3A_113 = tpu.memref_slice %arg4[%arg0, %add3A_98, %dma_wait3A_112] : memref<2x10000x80xf32, #tpu.memory_space<hbm>> -> memref<1x200x80xf32, #tpu.memory_space<hbm>>
        %dma_wait3A_114 = tpu.memref_squeeze %dma_wait3A_113 : memref<1x200x80xf32, #tpu.memory_space<hbm>> -> memref<200x80xf32, #tpu.memory_space<hbm>>
        %dma_wait3A_115 = arith.constant 0 : i32
        %dma_wait3A_116 = tpu.memref_slice %arg10[%add3A_94, %dma_wait3A_115] : memref<10000x80xf32, #tpu.memory_space<vmem_shared>> -> memref<200x80xf32, #tpu.memory_space<vmem_shared>>
        tpu.wait_dma2 semaphore(%run_scoped3A : memref<!tpu.dma_semaphore, #tpu.memory_space<semaphore_mem>>) src(%dma_wait3A_116 : memref<200x80xf32, #tpu.memory_space<vmem_shared>>) dst(%dma_wait3A_114 : memref<200x80xf32, #tpu.memory_space<hbm>>)
        tpu.yield
      }) : () -> ()
      %mul3A_99 = arith.constant 1000 : i32
      %mul3A_100 = arith.muli %arg1, %mul3A_99 : i32
      %add3A_101 = arith.constant 800 : i32
      %add3A_102 = arith.addi %mul3A_100, %add3A_101 : i32
      %mul3A_103 = arith.constant 1000 : i32
      %mul3A_104 = arith.muli %arg1, %mul3A_103 : i32
      %add3A_105 = arith.constant 800 : i32
      %add3A_106 = arith.addi %mul3A_104, %add3A_105 : i32
      "tpu.region"() ({
        %run_scoped3A = tpu.sem_alloc : memref<!tpu.dma_semaphore, #tpu.memory_space<semaphore_mem>>
        %dma_start3A_107 = arith.constant 0 : i32
        %dma_start3A_108 = tpu.memref_slice %arg4[%arg0, %add3A_106, %dma_start3A_107] : memref<2x10000x80xf32, #tpu.memory_space<hbm>> -> memref<1x200x80xf32, #tpu.memory_space<hbm>>
        %dma_start3A_109 = tpu.memref_squeeze %dma_start3A_108 : memref<1x200x80xf32, #tpu.memory_space<hbm>> -> memref<200x80xf32, #tpu.memory_space<hbm>>
        %dma_start3A_110 = arith.constant 0 : i32
        %dma_start3A_111 = tpu.memref_slice %arg10[%add3A_102, %dma_start3A_110] : memref<10000x80xf32, #tpu.memory_space<vmem_shared>> -> memref<200x80xf32, #tpu.memory_space<vmem_shared>>
        tpu.enqueue_dma source(%dma_start3A_111 : memref<200x80xf32, #tpu.memory_space<vmem_shared>>) target(%dma_start3A_109 : memref<200x80xf32, #tpu.memory_space<hbm>>) target_semaphore(%run_scoped3A : memref<!tpu.dma_semaphore, #tpu.memory_space<semaphore_mem>>)
        %dma_wait3A_112 = arith.constant 0 : i32
        %dma_wait3A_113 = tpu.memref_slice %arg4[%arg0, %add3A_106, %dma_wait3A_112] : memref<2x10000x80xf32, #tpu.memory_space<hbm>> -> memref<1x200x80xf32, #tpu.memory_space<hbm>>
        %dma_wait3A_114 = tpu.memref_squeeze %dma_wait3A_113 : memref<1x200x80xf32, #tpu.memory_space<hbm>> -> memref<200x80xf32, #tpu.memory_space<hbm>>
        %dma_wait3A_115 = arith.constant 0 : i32
        %dma_wait3A_116 = tpu.memref_slice %arg10[%add3A_102, %dma_wait3A_115] : memref<10000x80xf32, #tpu.memory_space<vmem_shared>> -> memref<200x80xf32, #tpu.memory_space<vmem_shared>>
        tpu.wait_dma2 semaphore(%run_scoped3A : memref<!tpu.dma_semaphore, #tpu.memory_space<semaphore_mem>>) src(%dma_wait3A_116 : memref<200x80xf32, #tpu.memory_space<vmem_shared>>) dst(%dma_wait3A_114 : memref<200x80xf32, #tpu.memory_space<hbm>>)
        tpu.yield
      }) : () -> ()
    } else {
    }
    return
  }
}

#map = affine_map<(d0, d1) -> (0, 0)>
#map1 = affine_map<(d0, d1) -> (0)>
module attributes {stable_mosaic.version = 14 : i64} {
  func.func @_p1_body(%arg0: i32, %arg1: i32, %arg2: memref<10000x128xf32, #tpu.memory_space<hbm>>, %arg3: memref<10000x128xf32, #tpu.memory_space<hbm>>, %arg4: memref<320000xi32, #tpu.memory_space<hbm>>, %arg5: memref<320000xi32, #tpu.memory_space<hbm>>, %arg6: memref<320000x128xf32, #tpu.memory_space<hbm>>, %arg7: memref<10000xi32, #tpu.memory_space<vmem>>, %arg8: memref<10000xi32, #tpu.memory_space<vmem>>, %arg9: memref<80x128xf32, #tpu.memory_space<vmem>>, %arg10: memref<80x128xf32, #tpu.memory_space<vmem>>, %arg11: memref<80x128xf32, #tpu.memory_space<vmem>>, %arg12: memref<80x128xf32, #tpu.memory_space<vmem>>, %arg13: memref<80x128xf32, #tpu.memory_space<vmem>>, %arg14: memref<80x128xf32, #tpu.memory_space<vmem>>, %arg15: memref<!tpu.dma_semaphore, #tpu.memory_space<semaphore_mem>>, %arg16: memref<!tpu.dma_semaphore, #tpu.memory_space<semaphore_mem>>, %arg17: memref<!tpu.dma_semaphore, #tpu.memory_space<semaphore_mem>>, %arg18: memref<!tpu.dma_semaphore, #tpu.memory_space<semaphore_mem>>, %arg19: memref<!tpu.dma_semaphore, #tpu.memory_space<semaphore_mem>>, %arg20: memref<!tpu.dma_semaphore, #tpu.memory_space<semaphore_mem>>, %arg21: memref<!tpu.dma_semaphore, #tpu.memory_space<semaphore_mem>>, %arg22: memref<!tpu.dma_semaphore, #tpu.memory_space<semaphore_mem>>, %arg23: memref<!tpu.dma_semaphore, #tpu.memory_space<semaphore_mem>>) attributes {dimension_semantics = [#tpu.dimension_semantics<core_parallel>, #tpu.dimension_semantics<subcore_parallel>], iteration_bounds = array<i64: 2, 16>, scalar_prefetch = 0 : i64, scratch_operands = 17 : i64, tpu.core_type = #tpu.core_type<sc_vector_subcore>, window_params = [{transform_indices = #map}, {transform_indices = #map}, {transform_indices = #map1}, {transform_indices = #map1}, {transform_indices = #map}]} {
    %mul3A = arith.constant 2 : i32
    %mul3A_0 = arith.muli %arg1, %mul3A : i32
    %add3A = arith.addi %mul3A_0, %arg0 : i32
    %mul3A_1 = arith.constant 10000 : i32
    %mul3A_2 = arith.muli %add3A, %mul3A_1 : i32
    "tpu.region"() ({
      %run_scoped3A = tpu.sem_alloc : memref<!tpu.dma_semaphore, #tpu.memory_space<semaphore_mem>>
      %dma_start3A_100 = tpu.memref_slice %arg4[%mul3A_2] : memref<320000xi32, #tpu.memory_space<hbm>> -> memref<10000xi32, #tpu.memory_space<hbm>>
      %dma_start3A_101 = tpu.memref_slice %arg4[%mul3A_2] : memref<320000xi32, #tpu.memory_space<hbm>> -> memref<10000xi32, #tpu.memory_space<hbm>>
      tpu.enqueue_dma source(%dma_start3A_101 : memref<10000xi32, #tpu.memory_space<hbm>>) target(%arg7 : memref<10000xi32, #tpu.memory_space<vmem>>) target_semaphore(%run_scoped3A : memref<!tpu.dma_semaphore, #tpu.memory_space<semaphore_mem>>)
      %dma_wait3A_102 = tpu.memref_slice %arg4[%mul3A_2] : memref<320000xi32, #tpu.memory_space<hbm>> -> memref<10000xi32, #tpu.memory_space<hbm>>
      %dma_wait3A_103 = tpu.memref_slice %arg4[%mul3A_2] : memref<320000xi32, #tpu.memory_space<hbm>> -> memref<10000xi32, #tpu.memory_space<hbm>>
      tpu.wait_dma2 semaphore(%run_scoped3A : memref<!tpu.dma_semaphore, #tpu.memory_space<semaphore_mem>>) src(%dma_wait3A_103 : memref<10000xi32, #tpu.memory_space<hbm>>) dst(%arg7 : memref<10000xi32, #tpu.memory_space<vmem>>)
      tpu.yield
    }) : () -> ()
    "tpu.region"() ({
      %run_scoped3A = tpu.sem_alloc : memref<!tpu.dma_semaphore, #tpu.memory_space<semaphore_mem>>
      %dma_start3A_100 = tpu.memref_slice %arg5[%mul3A_2] : memref<320000xi32, #tpu.memory_space<hbm>> -> memref<10000xi32, #tpu.memory_space<hbm>>
      %dma_start3A_101 = tpu.memref_slice %arg5[%mul3A_2] : memref<320000xi32, #tpu.memory_space<hbm>> -> memref<10000xi32, #tpu.memory_space<hbm>>
      tpu.enqueue_dma source(%dma_start3A_101 : memref<10000xi32, #tpu.memory_space<hbm>>) target(%arg8 : memref<10000xi32, #tpu.memory_space<vmem>>) target_semaphore(%run_scoped3A : memref<!tpu.dma_semaphore, #tpu.memory_space<semaphore_mem>>)
      %dma_wait3A_102 = tpu.memref_slice %arg5[%mul3A_2] : memref<320000xi32, #tpu.memory_space<hbm>> -> memref<10000xi32, #tpu.memory_space<hbm>>
      %dma_wait3A_103 = tpu.memref_slice %arg5[%mul3A_2] : memref<320000xi32, #tpu.memory_space<hbm>> -> memref<10000xi32, #tpu.memory_space<hbm>>
      tpu.wait_dma2 semaphore(%run_scoped3A : memref<!tpu.dma_semaphore, #tpu.memory_space<semaphore_mem>>) src(%dma_wait3A_103 : memref<10000xi32, #tpu.memory_space<hbm>>) dst(%arg8 : memref<10000xi32, #tpu.memory_space<vmem>>)
      tpu.yield
    }) : () -> ()
    %multiple_of3A = arith.constant 0 : i32
    %multiple_of3A_3 = tpu.assume_multiple %multiple_of3A, 8 : i32
    %dma_start3A = tpu.memref_slice %arg7[%multiple_of3A_3] : memref<10000xi32, #tpu.memory_space<vmem>> -> memref<80xi32, #tpu.memory_space<vmem>>
    %dma_start3A_4 = arith.constant 0 : i32
    %dma_start3A_5 = arith.constant 0 : i32
    %dma_start3A_6 = tpu.memref_slice %arg2[%dma_start3A_4, %dma_start3A_5] : memref<10000x128xf32, #tpu.memory_space<hbm>> -> memref<10000x128xf32, #tpu.memory_space<hbm>>
    tpu.enqueue_indirect_dma source(%dma_start3A_6 : memref<10000x128xf32, #tpu.memory_space<hbm>>) target(%arg9 : memref<80x128xf32, #tpu.memory_space<vmem>>) offsets(%dma_start3A : memref<80xi32, #tpu.memory_space<vmem>>) semaphore(%arg15 : memref<!tpu.dma_semaphore, #tpu.memory_space<semaphore_mem>>)
    %multiple_of3A_7 = arith.constant 0 : i32
    %multiple_of3A_8 = tpu.assume_multiple %multiple_of3A_7, 8 : i32
    %dma_start3A_9 = tpu.memref_slice %arg8[%multiple_of3A_8] : memref<10000xi32, #tpu.memory_space<vmem>> -> memref<80xi32, #tpu.memory_space<vmem>>
    %dma_start3A_10 = arith.constant 0 : i32
    %dma_start3A_11 = arith.constant 0 : i32
    %dma_start3A_12 = tpu.memref_slice %arg3[%dma_start3A_10, %dma_start3A_11] : memref<10000x128xf32, #tpu.memory_space<hbm>> -> memref<10000x128xf32, #tpu.memory_space<hbm>>
    tpu.enqueue_indirect_dma source(%dma_start3A_12 : memref<10000x128xf32, #tpu.memory_space<hbm>>) target(%arg12 : memref<80x128xf32, #tpu.memory_space<vmem>>) offsets(%dma_start3A_9 : memref<80xi32, #tpu.memory_space<vmem>>) semaphore(%arg18 : memref<!tpu.dma_semaphore, #tpu.memory_space<semaphore_mem>>)
    %multiple_of3A_13 = arith.constant 80 : i32
    %multiple_of3A_14 = tpu.assume_multiple %multiple_of3A_13, 8 : i32
    %dma_start3A_15 = tpu.memref_slice %arg7[%multiple_of3A_14] : memref<10000xi32, #tpu.memory_space<vmem>> -> memref<80xi32, #tpu.memory_space<vmem>>
    %dma_start3A_16 = arith.constant 0 : i32
    %dma_start3A_17 = arith.constant 0 : i32
    %dma_start3A_18 = tpu.memref_slice %arg2[%dma_start3A_16, %dma_start3A_17] : memref<10000x128xf32, #tpu.memory_space<hbm>> -> memref<10000x128xf32, #tpu.memory_space<hbm>>
    tpu.enqueue_indirect_dma source(%dma_start3A_18 : memref<10000x128xf32, #tpu.memory_space<hbm>>) target(%arg10 : memref<80x128xf32, #tpu.memory_space<vmem>>) offsets(%dma_start3A_15 : memref<80xi32, #tpu.memory_space<vmem>>) semaphore(%arg16 : memref<!tpu.dma_semaphore, #tpu.memory_space<semaphore_mem>>)
    %multiple_of3A_19 = arith.constant 80 : i32
    %multiple_of3A_20 = tpu.assume_multiple %multiple_of3A_19, 8 : i32
    %dma_start3A_21 = tpu.memref_slice %arg8[%multiple_of3A_20] : memref<10000xi32, #tpu.memory_space<vmem>> -> memref<80xi32, #tpu.memory_space<vmem>>
    %dma_start3A_22 = arith.constant 0 : i32
    %dma_start3A_23 = arith.constant 0 : i32
    %dma_start3A_24 = tpu.memref_slice %arg3[%dma_start3A_22, %dma_start3A_23] : memref<10000x128xf32, #tpu.memory_space<hbm>> -> memref<10000x128xf32, #tpu.memory_space<hbm>>
    tpu.enqueue_indirect_dma source(%dma_start3A_24 : memref<10000x128xf32, #tpu.memory_space<hbm>>) target(%arg13 : memref<80x128xf32, #tpu.memory_space<vmem>>) offsets(%dma_start3A_21 : memref<80xi32, #tpu.memory_space<vmem>>) semaphore(%arg19 : memref<!tpu.dma_semaphore, #tpu.memory_space<semaphore_mem>>)
    %scan3A = arith.constant 0 : i32
    %scan3A_25 = arith.constant 0 : i32
    %scan3A_26 = arith.constant 41 : i32
    %scan3A_27 = arith.addi %scan3A_25, %scan3A_26 : i32
    %scan3A_28 = arith.constant 1 : i32
    scf.for %scan3A_100 = %scan3A_25 to %scan3A_27 step %scan3A_28  : i32 {
      %mul3A_101 = arith.constant 3 : i32
      %mul3A_102 = arith.muli %mul3A_101, %scan3A_100 : i32
      %add3A_103 = arith.constant 2 : i32
      %add3A_104 = arith.addi %mul3A_102, %add3A_103 : i32
      %lt3A = arith.constant 125 : i32
      %lt3A_105 = arith.cmpi slt, %add3A_104, %lt3A : i32
      %convert_element_type3A = arith.extui %lt3A_105 : i1 to i32
      %cond3A = arith.constant 0 : i32
      %cond3A_106 = arith.cmpi ne, %convert_element_type3A, %cond3A : i32
      scf.if %cond3A_106 {
        %ge3A = arith.constant 1 : i32
        %ge3A_213 = arith.cmpi sge, %mul3A_102, %ge3A : i32
        %convert_element_type3A_214 = arith.extui %ge3A_213 : i1 to i32
        %cond3A_215 = arith.constant 0 : i32
        %cond3A_216 = arith.cmpi ne, %convert_element_type3A_214, %cond3A_215 : i32
        scf.if %cond3A_216 {
          %sub3A = arith.constant 1 : i32
          %sub3A_233 = arith.subi %mul3A_102, %sub3A : i32
          %mul3A_234 = arith.constant 80 : i32
          %mul3A_235 = arith.muli %sub3A_233, %mul3A_234 : i32
          %add3A_236 = arith.addi %mul3A_2, %mul3A_235 : i32
          %multiple_of3A_237 = tpu.assume_multiple %add3A_236, 8 : i32
          %dma_wait3A_238 = arith.constant 0 : i32
          %dma_wait3A_239 = tpu.memref_slice %arg6[%multiple_of3A_237, %dma_wait3A_238] : memref<320000x128xf32, #tpu.memory_space<hbm>> -> memref<80x128xf32, #tpu.memory_space<hbm>>
          %dma_wait3A_240 = arith.constant 0 : i32
          %dma_wait3A_241 = tpu.memref_slice %arg6[%multiple_of3A_237, %dma_wait3A_240] : memref<320000x128xf32, #tpu.memory_space<hbm>> -> memref<80x128xf32, #tpu.memory_space<hbm>>
          tpu.wait_dma2 semaphore(%arg23 : memref<!tpu.dma_semaphore, #tpu.memory_space<semaphore_mem>>) src(%arg11 : memref<80x128xf32, #tpu.memory_space<vmem>>) dst(%dma_wait3A_241 : memref<80x128xf32, #tpu.memory_space<hbm>>)
        } else {
        }
        %add3A_217 = arith.constant 2 : i32
        %add3A_218 = arith.addi %mul3A_102, %add3A_217 : i32
        %mul3A_219 = arith.constant 80 : i32
        %mul3A_220 = arith.muli %add3A_218, %mul3A_219 : i32
        %multiple_of3A_221 = tpu.assume_multiple %mul3A_220, 8 : i32
        %dma_start3A_222 = tpu.memref_slice %arg7[%multiple_of3A_221] : memref<10000xi32, #tpu.memory_space<vmem>> -> memref<80xi32, #tpu.memory_space<vmem>>
        %dma_start3A_223 = arith.constant 0 : i32
        %dma_start3A_224 = arith.constant 0 : i32
        %dma_start3A_225 = tpu.memref_slice %arg2[%dma_start3A_223, %dma_start3A_224] : memref<10000x128xf32, #tpu.memory_space<hbm>> -> memref<10000x128xf32, #tpu.memory_space<hbm>>
        tpu.enqueue_indirect_dma source(%dma_start3A_225 : memref<10000x128xf32, #tpu.memory_space<hbm>>) target(%arg11 : memref<80x128xf32, #tpu.memory_space<vmem>>) offsets(%dma_start3A_222 : memref<80xi32, #tpu.memory_space<vmem>>) semaphore(%arg17 : memref<!tpu.dma_semaphore, #tpu.memory_space<semaphore_mem>>)
        %mul3A_226 = arith.constant 80 : i32
        %mul3A_227 = arith.muli %add3A_218, %mul3A_226 : i32
        %multiple_of3A_228 = tpu.assume_multiple %mul3A_227, 8 : i32
        %dma_start3A_229 = tpu.memref_slice %arg8[%multiple_of3A_228] : memref<10000xi32, #tpu.memory_space<vmem>> -> memref<80xi32, #tpu.memory_space<vmem>>
        %dma_start3A_230 = arith.constant 0 : i32
        %dma_start3A_231 = arith.constant 0 : i32
        %dma_start3A_232 = tpu.memref_slice %arg3[%dma_start3A_230, %dma_start3A_231] : memref<10000x128xf32, #tpu.memory_space<hbm>> -> memref<10000x128xf32, #tpu.memory_space<hbm>>
        tpu.enqueue_indirect_dma source(%dma_start3A_232 : memref<10000x128xf32, #tpu.memory_space<hbm>>) target(%arg14 : memref<80x128xf32, #tpu.memory_space<vmem>>) offsets(%dma_start3A_229 : memref<80xi32, #tpu.memory_space<vmem>>) semaphore(%arg20 : memref<!tpu.dma_semaphore, #tpu.memory_space<semaphore_mem>>)
      } else {
      }
      %mul3A_107 = arith.constant 80 : i32
      %mul3A_108 = arith.muli %mul3A_102, %mul3A_107 : i32
      %multiple_of3A_109 = tpu.assume_multiple %mul3A_108, 8 : i32
      %dma_wait3A_110 = tpu.memref_slice %arg7[%multiple_of3A_109] : memref<10000xi32, #tpu.memory_space<vmem>> -> memref<80xi32, #tpu.memory_space<vmem>>
      %dma_wait3A_111 = arith.constant 0 : i32
      %dma_wait3A_112 = arith.constant 0 : i32
      %dma_wait3A_113 = tpu.memref_slice %arg2[%dma_wait3A_111, %dma_wait3A_112] : memref<10000x128xf32, #tpu.memory_space<hbm>> -> memref<10000x128xf32, #tpu.memory_space<hbm>>
      tpu.wait_indirect_dma semaphore(%arg15 : memref<!tpu.dma_semaphore, #tpu.memory_space<semaphore_mem>>) src(%dma_wait3A_113 : memref<10000x128xf32, #tpu.memory_space<hbm>>) dst(%arg9 : memref<80x128xf32, #tpu.memory_space<vmem>>)
      %mul3A_114 = arith.constant 80 : i32
      %mul3A_115 = arith.muli %mul3A_102, %mul3A_114 : i32
      %multiple_of3A_116 = tpu.assume_multiple %mul3A_115, 8 : i32
      %dma_wait3A_117 = tpu.memref_slice %arg8[%multiple_of3A_116] : memref<10000xi32, #tpu.memory_space<vmem>> -> memref<80xi32, #tpu.memory_space<vmem>>
      %dma_wait3A_118 = arith.constant 0 : i32
      %dma_wait3A_119 = arith.constant 0 : i32
      %dma_wait3A_120 = tpu.memref_slice %arg3[%dma_wait3A_118, %dma_wait3A_119] : memref<10000x128xf32, #tpu.memory_space<hbm>> -> memref<10000x128xf32, #tpu.memory_space<hbm>>
      tpu.wait_indirect_dma semaphore(%arg18 : memref<!tpu.dma_semaphore, #tpu.memory_space<semaphore_mem>>) src(%dma_wait3A_120 : memref<10000x128xf32, #tpu.memory_space<hbm>>) dst(%arg12 : memref<80x128xf32, #tpu.memory_space<vmem>>)
      %scan3A_121 = arith.constant 0 : i32
      %scan3A_122 = arith.constant 0 : i32
      %scan3A_123 = arith.constant 40 : i32
      %scan3A_124 = arith.addi %scan3A_122, %scan3A_123 : i32
      %scan3A_125 = arith.constant 1 : i32
      scf.for %scan3A_213 = %scan3A_122 to %scan3A_124 step %scan3A_125  : i32 {
        %mul3A_214 = arith.constant 2 : i32
        %mul3A_215 = arith.muli %mul3A_214, %scan3A_213 : i32
        %add3A_216 = arith.constant 0 : i32
        %add3A_217 = arith.addi %mul3A_215, %add3A_216 : i32
        %get3A = arith.index_cast %add3A_217 : i32 to index
        %get3A_218 = arith.constant 0 : index
        %get3A_219 = tpu.vector_load %arg12[%get3A, %get3A_218] {strides = array<i32>} : memref<80x128xf32, #tpu.memory_space<vmem>>, vector<1x16xf32>,
        %get3A_220 = vector.shape_cast %get3A_219 : vector<1x16xf32> to vector<16xf32>
        %swap3A = arith.index_cast %add3A_217 : i32 to index
        %swap3A_221 = arith.constant 0 : index
        %swap3A_222 = tpu.vector_load %arg9[%swap3A, %swap3A_221] {strides = array<i32>} : memref<80x128xf32, #tpu.memory_space<vmem>>, vector<1x16xf32>,
        %swap3A_223 = vector.shape_cast %swap3A_222 : vector<1x16xf32> to vector<16xf32>
        %swap3A_224 = vector.shape_cast %get3A_220 : vector<16xf32> to vector<1x16xf32>
        tpu.vector_store %arg9[%swap3A, %swap3A_221], %swap3A_224 {add = true, strides = array<i32>} : memref<80x128xf32, #tpu.memory_space<vmem>>, vector<1x16xf32>,
        %get3A_225 = arith.index_cast %add3A_217 : i32 to index
        %get3A_226 = arith.constant 16 : index
        %get3A_227 = tpu.vector_load %arg12[%get3A_225, %get3A_226] {strides = array<i32>} : memref<80x128xf32, #tpu.memory_space<vmem>>, vector<1x16xf32>,
        %get3A_228 = vector.shape_cast %get3A_227 : vector<1x16xf32> to vector<16xf32>
        %swap3A_229 = arith.index_cast %add3A_217 : i32 to index
        %swap3A_230 = arith.constant 16 : index
        %swap3A_231 = tpu.vector_load %arg9[%swap3A_229, %swap3A_230] {strides = array<i32>} : memref<80x128xf32, #tpu.memory_space<vmem>>, vector<1x16xf32>,
        %swap3A_232 = vector.shape_cast %swap3A_231 : vector<1x16xf32> to vector<16xf32>
        %swap3A_233 = vector.shape_cast %get3A_228 : vector<16xf32> to vector<1x16xf32>
        tpu.vector_store %arg9[%swap3A_229, %swap3A_230], %swap3A_233 {add = true, strides = array<i32>} : memref<80x128xf32, #tpu.memory_space<vmem>>, vector<1x16xf32>,
        %get3A_234 = arith.index_cast %add3A_217 : i32 to index
        %get3A_235 = arith.constant 32 : index
        %get3A_236 = tpu.vector_load %arg12[%get3A_234, %get3A_235] {strides = array<i32>} : memref<80x128xf32, #tpu.memory_space<vmem>>, vector<1x16xf32>,
        %get3A_237 = vector.shape_cast %get3A_236 : vector<1x16xf32> to vector<16xf32>
        %swap3A_238 = arith.index_cast %add3A_217 : i32 to index
        %swap3A_239 = arith.constant 32 : index
        %swap3A_240 = tpu.vector_load %arg9[%swap3A_238, %swap3A_239] {strides = array<i32>} : memref<80x128xf32, #tpu.memory_space<vmem>>, vector<1x16xf32>,
        %swap3A_241 = vector.shape_cast %swap3A_240 : vector<1x16xf32> to vector<16xf32>
        %swap3A_242 = vector.shape_cast %get3A_237 : vector<16xf32> to vector<1x16xf32>
        tpu.vector_store %arg9[%swap3A_238, %swap3A_239], %swap3A_242 {add = true, strides = array<i32>} : memref<80x128xf32, #tpu.memory_space<vmem>>, vector<1x16xf32>,
        %get3A_243 = arith.index_cast %add3A_217 : i32 to index
        %get3A_244 = arith.constant 48 : index
        %get3A_245 = tpu.vector_load %arg12[%get3A_243, %get3A_244] {strides = array<i32>} : memref<80x128xf32, #tpu.memory_space<vmem>>, vector<1x16xf32>,
        %get3A_246 = vector.shape_cast %get3A_245 : vector<1x16xf32> to vector<16xf32>
        %swap3A_247 = arith.index_cast %add3A_217 : i32 to index
        %swap3A_248 = arith.constant 48 : index
        %swap3A_249 = tpu.vector_load %arg9[%swap3A_247, %swap3A_248] {strides = array<i32>} : memref<80x128xf32, #tpu.memory_space<vmem>>, vector<1x16xf32>,
        %swap3A_250 = vector.shape_cast %swap3A_249 : vector<1x16xf32> to vector<16xf32>
        %swap3A_251 = vector.shape_cast %get3A_246 : vector<16xf32> to vector<1x16xf32>
        tpu.vector_store %arg9[%swap3A_247, %swap3A_248], %swap3A_251 {add = true, strides = array<i32>} : memref<80x128xf32, #tpu.memory_space<vmem>>, vector<1x16xf32>,
        %get3A_252 = arith.index_cast %add3A_217 : i32 to index
        %get3A_253 = arith.constant 64 : index
        %get3A_254 = tpu.vector_load %arg12[%get3A_252, %get3A_253] {strides = array<i32>} : memref<80x128xf32, #tpu.memory_space<vmem>>, vector<1x16xf32>,
        %get3A_255 = vector.shape_cast %get3A_254 : vector<1x16xf32> to vector<16xf32>
        %swap3A_256 = arith.index_cast %add3A_217 : i32 to index
        %swap3A_257 = arith.constant 64 : index
        %swap3A_258 = tpu.vector_load %arg9[%swap3A_256, %swap3A_257] {strides = array<i32>} : memref<80x128xf32, #tpu.memory_space<vmem>>, vector<1x16xf32>,
        %swap3A_259 = vector.shape_cast %swap3A_258 : vector<1x16xf32> to vector<16xf32>
        %swap3A_260 = vector.shape_cast %get3A_255 : vector<16xf32> to vector<1x16xf32>
        tpu.vector_store %arg9[%swap3A_256, %swap3A_257], %swap3A_260 {add = true, strides = array<i32>} : memref<80x128xf32, #tpu.memory_space<vmem>>, vector<1x16xf32>,
        %get3A_261 = arith.index_cast %add3A_217 : i32 to index
        %get3A_262 = arith.constant 80 : index
        %get3A_263 = tpu.vector_load %arg12[%get3A_261, %get3A_262] {strides = array<i32>} : memref<80x128xf32, #tpu.memory_space<vmem>>, vector<1x16xf32>,
        %get3A_264 = vector.shape_cast %get3A_263 : vector<1x16xf32> to vector<16xf32>
        %swap3A_265 = arith.index_cast %add3A_217 : i32 to index
        %swap3A_266 = arith.constant 80 : index
        %swap3A_267 = tpu.vector_load %arg9[%swap3A_265, %swap3A_266] {strides = array<i32>} : memref<80x128xf32, #tpu.memory_space<vmem>>, vector<1x16xf32>,
        %swap3A_268 = vector.shape_cast %swap3A_267 : vector<1x16xf32> to vector<16xf32>
        %swap3A_269 = vector.shape_cast %get3A_264 : vector<16xf32> to vector<1x16xf32>
        tpu.vector_store %arg9[%swap3A_265, %swap3A_266], %swap3A_269 {add = true, strides = array<i32>} : memref<80x128xf32, #tpu.memory_space<vmem>>, vector<1x16xf32>,
        %get3A_270 = arith.index_cast %add3A_217 : i32 to index
        %get3A_271 = arith.constant 96 : index
        %get3A_272 = tpu.vector_load %arg12[%get3A_270, %get3A_271] {strides = array<i32>} : memref<80x128xf32, #tpu.memory_space<vmem>>, vector<1x16xf32>,
        %get3A_273 = vector.shape_cast %get3A_272 : vector<1x16xf32> to vector<16xf32>
        %swap3A_274 = arith.index_cast %add3A_217 : i32 to index
        %swap3A_275 = arith.constant 96 : index
        %swap3A_276 = tpu.vector_load %arg9[%swap3A_274, %swap3A_275] {strides = array<i32>} : memref<80x128xf32, #tpu.memory_space<vmem>>, vector<1x16xf32>,
        %swap3A_277 = vector.shape_cast %swap3A_276 : vector<1x16xf32> to vector<16xf32>
        %swap3A_278 = vector.shape_cast %get3A_273 : vector<16xf32> to vector<1x16xf32>
        tpu.vector_store %arg9[%swap3A_274, %swap3A_275], %swap3A_278 {add = true, strides = array<i32>} : memref<80x128xf32, #tpu.memory_space<vmem>>, vector<1x16xf32>,
        %get3A_279 = arith.index_cast %add3A_217 : i32 to index
        %get3A_280 = arith.constant 112 : index
        %get3A_281 = tpu.vector_load %arg12[%get3A_279, %get3A_280] {strides = array<i32>} : memref<80x128xf32, #tpu.memory_space<vmem>>, vector<1x16xf32>,
        %get3A_282 = vector.shape_cast %get3A_281 : vector<1x16xf32> to vector<16xf32>
        %swap3A_283 = arith.index_cast %add3A_217 : i32 to index
        %swap3A_284 = arith.constant 112 : index
        %swap3A_285 = tpu.vector_load %arg9[%swap3A_283, %swap3A_284] {strides = array<i32>} : memref<80x128xf32, #tpu.memory_space<vmem>>, vector<1x16xf32>,
        %swap3A_286 = vector.shape_cast %swap3A_285 : vector<1x16xf32> to vector<16xf32>
        %swap3A_287 = vector.shape_cast %get3A_282 : vector<16xf32> to vector<1x16xf32>
        tpu.vector_store %arg9[%swap3A_283, %swap3A_284], %swap3A_287 {add = true, strides = array<i32>} : memref<80x128xf32, #tpu.memory_space<vmem>>, vector<1x16xf32>,
        %mul3A_288 = arith.constant 2 : i32
        %mul3A_289 = arith.muli %mul3A_288, %scan3A_213 : i32
        %add3A_290 = arith.constant 1 : i32
        %add3A_291 = arith.addi %mul3A_289, %add3A_290 : i32
        %get3A_292 = arith.index_cast %add3A_291 : i32 to index
        %get3A_293 = arith.constant 0 : index
        %get3A_294 = tpu.vector_load %arg12[%get3A_292, %get3A_293] {strides = array<i32>} : memref<80x128xf32, #tpu.memory_space<vmem>>, vector<1x16xf32>,
        %get3A_295 = vector.shape_cast %get3A_294 : vector<1x16xf32> to vector<16xf32>
        %swap3A_296 = arith.index_cast %add3A_291 : i32 to index
        %swap3A_297 = arith.constant 0 : index
        %swap3A_298 = tpu.vector_load %arg9[%swap3A_296, %swap3A_297] {strides = array<i32>} : memref<80x128xf32, #tpu.memory_space<vmem>>, vector<1x16xf32>,
        %swap3A_299 = vector.shape_cast %swap3A_298 : vector<1x16xf32> to vector<16xf32>
        %swap3A_300 = vector.shape_cast %get3A_295 : vector<16xf32> to vector<1x16xf32>
        tpu.vector_store %arg9[%swap3A_296, %swap3A_297], %swap3A_300 {add = true, strides = array<i32>} : memref<80x128xf32, #tpu.memory_space<vmem>>, vector<1x16xf32>,
        %get3A_301 = arith.index_cast %add3A_291 : i32 to index
        %get3A_302 = arith.constant 16 : index
        %get3A_303 = tpu.vector_load %arg12[%get3A_301, %get3A_302] {strides = array<i32>} : memref<80x128xf32, #tpu.memory_space<vmem>>, vector<1x16xf32>,
        %get3A_304 = vector.shape_cast %get3A_303 : vector<1x16xf32> to vector<16xf32>
        %swap3A_305 = arith.index_cast %add3A_291 : i32 to index
        %swap3A_306 = arith.constant 16 : index
        %swap3A_307 = tpu.vector_load %arg9[%swap3A_305, %swap3A_306] {strides = array<i32>} : memref<80x128xf32, #tpu.memory_space<vmem>>, vector<1x16xf32>,
        %swap3A_308 = vector.shape_cast %swap3A_307 : vector<1x16xf32> to vector<16xf32>
        %swap3A_309 = vector.shape_cast %get3A_304 : vector<16xf32> to vector<1x16xf32>
        tpu.vector_store %arg9[%swap3A_305, %swap3A_306], %swap3A_309 {add = true, strides = array<i32>} : memref<80x128xf32, #tpu.memory_space<vmem>>, vector<1x16xf32>,
        %get3A_310 = arith.index_cast %add3A_291 : i32 to index
        %get3A_311 = arith.constant 32 : index
        %get3A_312 = tpu.vector_load %arg12[%get3A_310, %get3A_311] {strides = array<i32>} : memref<80x128xf32, #tpu.memory_space<vmem>>, vector<1x16xf32>,
        %get3A_313 = vector.shape_cast %get3A_312 : vector<1x16xf32> to vector<16xf32>
        %swap3A_314 = arith.index_cast %add3A_291 : i32 to index
        %swap3A_315 = arith.constant 32 : index
        %swap3A_316 = tpu.vector_load %arg9[%swap3A_314, %swap3A_315] {strides = array<i32>} : memref<80x128xf32, #tpu.memory_space<vmem>>, vector<1x16xf32>,
        %swap3A_317 = vector.shape_cast %swap3A_316 : vector<1x16xf32> to vector<16xf32>
        %swap3A_318 = vector.shape_cast %get3A_313 : vector<16xf32> to vector<1x16xf32>
        tpu.vector_store %arg9[%swap3A_314, %swap3A_315], %swap3A_318 {add = true, strides = array<i32>} : memref<80x128xf32, #tpu.memory_space<vmem>>, vector<1x16xf32>,
        %get3A_319 = arith.index_cast %add3A_291 : i32 to index
        %get3A_320 = arith.constant 48 : index
        %get3A_321 = tpu.vector_load %arg12[%get3A_319, %get3A_320] {strides = array<i32>} : memref<80x128xf32, #tpu.memory_space<vmem>>, vector<1x16xf32>,
        %get3A_322 = vector.shape_cast %get3A_321 : vector<1x16xf32> to vector<16xf32>
        %swap3A_323 = arith.index_cast %add3A_291 : i32 to index
        %swap3A_324 = arith.constant 48 : index
        %swap3A_325 = tpu.vector_load %arg9[%swap3A_323, %swap3A_324] {strides = array<i32>} : memref<80x128xf32, #tpu.memory_space<vmem>>, vector<1x16xf32>,
        %swap3A_326 = vector.shape_cast %swap3A_325 : vector<1x16xf32> to vector<16xf32>
        %swap3A_327 = vector.shape_cast %get3A_322 : vector<16xf32> to vector<1x16xf32>
        tpu.vector_store %arg9[%swap3A_323, %swap3A_324], %swap3A_327 {add = true, strides = array<i32>} : memref<80x128xf32, #tpu.memory_space<vmem>>, vector<1x16xf32>,
        %get3A_328 = arith.index_cast %add3A_291 : i32 to index
        %get3A_329 = arith.constant 64 : index
        %get3A_330 = tpu.vector_load %arg12[%get3A_328, %get3A_329] {strides = array<i32>} : memref<80x128xf32, #tpu.memory_space<vmem>>, vector<1x16xf32>,
        %get3A_331 = vector.shape_cast %get3A_330 : vector<1x16xf32> to vector<16xf32>
        %swap3A_332 = arith.index_cast %add3A_291 : i32 to index
        %swap3A_333 = arith.constant 64 : index
        %swap3A_334 = tpu.vector_load %arg9[%swap3A_332, %swap3A_333] {strides = array<i32>} : memref<80x128xf32, #tpu.memory_space<vmem>>, vector<1x16xf32>,
        %swap3A_335 = vector.shape_cast %swap3A_334 : vector<1x16xf32> to vector<16xf32>
        %swap3A_336 = vector.shape_cast %get3A_331 : vector<16xf32> to vector<1x16xf32>
        tpu.vector_store %arg9[%swap3A_332, %swap3A_333], %swap3A_336 {add = true, strides = array<i32>} : memref<80x128xf32, #tpu.memory_space<vmem>>, vector<1x16xf32>,
        %get3A_337 = arith.index_cast %add3A_291 : i32 to index
        %get3A_338 = arith.constant 80 : index
        %get3A_339 = tpu.vector_load %arg12[%get3A_337, %get3A_338] {strides = array<i32>} : memref<80x128xf32, #tpu.memory_space<vmem>>, vector<1x16xf32>,
        %get3A_340 = vector.shape_cast %get3A_339 : vector<1x16xf32> to vector<16xf32>
        %swap3A_341 = arith.index_cast %add3A_291 : i32 to index
        %swap3A_342 = arith.constant 80 : index
        %swap3A_343 = tpu.vector_load %arg9[%swap3A_341, %swap3A_342] {strides = array<i32>} : memref<80x128xf32, #tpu.memory_space<vmem>>, vector<1x16xf32>,
        %swap3A_344 = vector.shape_cast %swap3A_343 : vector<1x16xf32> to vector<16xf32>
        %swap3A_345 = vector.shape_cast %get3A_340 : vector<16xf32> to vector<1x16xf32>
        tpu.vector_store %arg9[%swap3A_341, %swap3A_342], %swap3A_345 {add = true, strides = array<i32>} : memref<80x128xf32, #tpu.memory_space<vmem>>, vector<1x16xf32>,
        %get3A_346 = arith.index_cast %add3A_291 : i32 to index
        %get3A_347 = arith.constant 96 : index
        %get3A_348 = tpu.vector_load %arg12[%get3A_346, %get3A_347] {strides = array<i32>} : memref<80x128xf32, #tpu.memory_space<vmem>>, vector<1x16xf32>,
        %get3A_349 = vector.shape_cast %get3A_348 : vector<1x16xf32> to vector<16xf32>
        %swap3A_350 = arith.index_cast %add3A_291 : i32 to index
        %swap3A_351 = arith.constant 96 : index
        %swap3A_352 = tpu.vector_load %arg9[%swap3A_350, %swap3A_351] {strides = array<i32>} : memref<80x128xf32, #tpu.memory_space<vmem>>, vector<1x16xf32>,
        %swap3A_353 = vector.shape_cast %swap3A_352 : vector<1x16xf32> to vector<16xf32>
        %swap3A_354 = vector.shape_cast %get3A_349 : vector<16xf32> to vector<1x16xf32>
        tpu.vector_store %arg9[%swap3A_350, %swap3A_351], %swap3A_354 {add = true, strides = array<i32>} : memref<80x128xf32, #tpu.memory_space<vmem>>, vector<1x16xf32>,
        %get3A_355 = arith.index_cast %add3A_291 : i32 to index
        %get3A_356 = arith.constant 112 : index
        %get3A_357 = tpu.vector_load %arg12[%get3A_355, %get3A_356] {strides = array<i32>} : memref<80x128xf32, #tpu.memory_space<vmem>>, vector<1x16xf32>,
        %get3A_358 = vector.shape_cast %get3A_357 : vector<1x16xf32> to vector<16xf32>
        %swap3A_359 = arith.index_cast %add3A_291 : i32 to index
        %swap3A_360 = arith.constant 112 : index
        %swap3A_361 = tpu.vector_load %arg9[%swap3A_359, %swap3A_360] {strides = array<i32>} : memref<80x128xf32, #tpu.memory_space<vmem>>, vector<1x16xf32>,
        %swap3A_362 = vector.shape_cast %swap3A_361 : vector<1x16xf32> to vector<16xf32>
        %swap3A_363 = vector.shape_cast %get3A_358 : vector<16xf32> to vector<1x16xf32>
        tpu.vector_store %arg9[%swap3A_359, %swap3A_360], %swap3A_363 {add = true, strides = array<i32>} : memref<80x128xf32, #tpu.memory_space<vmem>>, vector<1x16xf32>,
      }
      %scan3A_126 = arith.constant 40 : i32
      %mul3A_127 = arith.constant 80 : i32
      %mul3A_128 = arith.muli %mul3A_102, %mul3A_127 : i32
      %add3A_129 = arith.addi %mul3A_2, %mul3A_128 : i32
      %multiple_of3A_130 = tpu.assume_multiple %add3A_129, 8 : i32
      %dma_start3A_131 = arith.constant 0 : i32
      %dma_start3A_132 = tpu.memref_slice %arg6[%multiple_of3A_130, %dma_start3A_131] : memref<320000x128xf32, #tpu.memory_space<hbm>> -> memref<80x128xf32, #tpu.memory_space<hbm>>
      %dma_start3A_133 = arith.constant 0 : i32
      %dma_start3A_134 = tpu.memref_slice %arg6[%multiple_of3A_130, %dma_start3A_133] : memref<320000x128xf32, #tpu.memory_space<hbm>> -> memref<80x128xf32, #tpu.memory_space<hbm>>
      tpu.enqueue_dma source(%arg9 : memref<80x128xf32, #tpu.memory_space<vmem>>) target(%dma_start3A_134 : memref<80x128xf32, #tpu.memory_space<hbm>>) target_semaphore(%arg21 : memref<!tpu.dma_semaphore, #tpu.memory_space<semaphore_mem>>)
      %mul3A_135 = arith.constant 3 : i32
      %mul3A_136 = arith.muli %mul3A_135, %scan3A_100 : i32
      %add3A_137 = arith.constant 1 : i32
      %add3A_138 = arith.addi %mul3A_136, %add3A_137 : i32
      %add3A_139 = arith.constant 2 : i32
      %add3A_140 = arith.addi %add3A_138, %add3A_139 : i32
      %lt3A_141 = arith.constant 125 : i32
      %lt3A_142 = arith.cmpi slt, %add3A_140, %lt3A_141 : i32
      %convert_element_type3A_143 = arith.extui %lt3A_142 : i1 to i32
      %cond3A_144 = arith.constant 0 : i32
      %cond3A_145 = arith.cmpi ne, %convert_element_type3A_143, %cond3A_144 : i32
      scf.if %cond3A_145 {
        %ge3A = arith.constant 1 : i32
        %ge3A_213 = arith.cmpi sge, %add3A_138, %ge3A : i32
        %convert_element_type3A_214 = arith.extui %ge3A_213 : i1 to i32
        %cond3A_215 = arith.constant 0 : i32
        %cond3A_216 = arith.cmpi ne, %convert_element_type3A_214, %cond3A_215 : i32
        scf.if %cond3A_216 {
          %sub3A = arith.constant 1 : i32
          %sub3A_233 = arith.subi %add3A_138, %sub3A : i32
          %mul3A_234 = arith.constant 80 : i32
          %mul3A_235 = arith.muli %sub3A_233, %mul3A_234 : i32
          %add3A_236 = arith.addi %mul3A_2, %mul3A_235 : i32
          %multiple_of3A_237 = tpu.assume_multiple %add3A_236, 8 : i32
          %dma_wait3A_238 = arith.constant 0 : i32
          %dma_wait3A_239 = tpu.memref_slice %arg6[%multiple_of3A_237, %dma_wait3A_238] : memref<320000x128xf32, #tpu.memory_space<hbm>> -> memref<80x128xf32, #tpu.memory_space<hbm>>
          %dma_wait3A_240 = arith.constant 0 : i32
          %dma_wait3A_241 = tpu.memref_slice %arg6[%multiple_of3A_237, %dma_wait3A_240] : memref<320000x128xf32, #tpu.memory_space<hbm>> -> memref<80x128xf32, #tpu.memory_space<hbm>>
          tpu.wait_dma2 semaphore(%arg21 : memref<!tpu.dma_semaphore, #tpu.memory_space<semaphore_mem>>) src(%arg9 : memref<80x128xf32, #tpu.memory_space<vmem>>) dst(%dma_wait3A_241 : memref<80x128xf32, #tpu.memory_space<hbm>>)
        } else {
        }
        %add3A_217 = arith.constant 2 : i32
        %add3A_218 = arith.addi %add3A_138, %add3A_217 : i32
        %mul3A_219 = arith.constant 80 : i32
        %mul3A_220 = arith.muli %add3A_218, %mul3A_219 : i32
        %multiple_of3A_221 = tpu.assume_multiple %mul3A_220, 8 : i32
        %dma_start3A_222 = tpu.memref_slice %arg7[%multiple_of3A_221] : memref<10000xi32, #tpu.memory_space<vmem>> -> memref<80xi32, #tpu.memory_space<vmem>>
        %dma_start3A_223 = arith.constant 0 : i32
        %dma_start3A_224 = arith.constant 0 : i32
        %dma_start3A_225 = tpu.memref_slice %arg2[%dma_start3A_223, %dma_start3A_224] : memref<10000x128xf32, #tpu.memory_space<hbm>> -> memref<10000x128xf32, #tpu.memory_space<hbm>>
        tpu.enqueue_indirect_dma source(%dma_start3A_225 : memref<10000x128xf32, #tpu.memory_space<hbm>>) target(%arg9 : memref<80x128xf32, #tpu.memory_space<vmem>>) offsets(%dma_start3A_222 : memref<80xi32, #tpu.memory_space<vmem>>) semaphore(%arg15 : memref<!tpu.dma_semaphore, #tpu.memory_space<semaphore_mem>>)
        %mul3A_226 = arith.constant 80 : i32
        %mul3A_227 = arith.muli %add3A_218, %mul3A_226 : i32
        %multiple_of3A_228 = tpu.assume_multiple %mul3A_227, 8 : i32
        %dma_start3A_229 = tpu.memref_slice %arg8[%multiple_of3A_228] : memref<10000xi32, #tpu.memory_space<vmem>> -> memref<80xi32, #tpu.memory_space<vmem>>
        %dma_start3A_230 = arith.constant 0 : i32
        %dma_start3A_231 = arith.constant 0 : i32
        %dma_start3A_232 = tpu.memref_slice %arg3[%dma_start3A_230, %dma_start3A_231] : memref<10000x128xf32, #tpu.memory_space<hbm>> -> memref<10000x128xf32, #tpu.memory_space<hbm>>
        tpu.enqueue_indirect_dma source(%dma_start3A_232 : memref<10000x128xf32, #tpu.memory_space<hbm>>) target(%arg12 : memref<80x128xf32, #tpu.memory_space<vmem>>) offsets(%dma_start3A_229 : memref<80xi32, #tpu.memory_space<vmem>>) semaphore(%arg18 : memref<!tpu.dma_semaphore, #tpu.memory_space<semaphore_mem>>)
      } else {
      }
      %mul3A_146 = arith.constant 80 : i32
      %mul3A_147 = arith.muli %add3A_138, %mul3A_146 : i32
      %multiple_of3A_148 = tpu.assume_multiple %mul3A_147, 8 : i32
      %dma_wait3A_149 = tpu.memref_slice %arg7[%multiple_of3A_148] : memref<10000xi32, #tpu.memory_space<vmem>> -> memref<80xi32, #tpu.memory_space<vmem>>
      %dma_wait3A_150 = arith.constant 0 : i32
      %dma_wait3A_151 = arith.constant 0 : i32
      %dma_wait3A_152 = tpu.memref_slice %arg2[%dma_wait3A_150, %dma_wait3A_151] : memref<10000x128xf32, #tpu.memory_space<hbm>> -> memref<10000x128xf32, #tpu.memory_space<hbm>>
      tpu.wait_indirect_dma semaphore(%arg16 : memref<!tpu.dma_semaphore, #tpu.memory_space<semaphore_mem>>) src(%dma_wait3A_152 : memref<10000x128xf32, #tpu.memory_space<hbm>>) dst(%arg10 : memref<80x128xf32, #tpu.memory_space<vmem>>)
      %mul3A_153 = arith.constant 80 : i32
      %mul3A_154 = arith.muli %add3A_138, %mul3A_153 : i32
      %multiple_of3A_155 = tpu.assume_multiple %mul3A_154, 8 : i32
      %dma_wait3A_156 = tpu.memref_slice %arg8[%multiple_of3A_155] : memref<10000xi32, #tpu.memory_space<vmem>> -> memref<80xi32, #tpu.memory_space<vmem>>
      %dma_wait3A_157 = arith.constant 0 : i32
      %dma_wait3A_158 = arith.constant 0 : i32
      %dma_wait3A_159 = tpu.memref_slice %arg3[%dma_wait3A_157, %dma_wait3A_158] : memref<10000x128xf32, #tpu.memory_space<hbm>> -> memref<10000x128xf32, #tpu.memory_space<hbm>>
      tpu.wait_indirect_dma semaphore(%arg19 : memref<!tpu.dma_semaphore, #tpu.memory_space<semaphore_mem>>) src(%dma_wait3A_159 : memref<10000x128xf32, #tpu.memory_space<hbm>>) dst(%arg13 : memref<80x128xf32, #tpu.memory_space<vmem>>)
      %scan3A_160 = arith.constant 0 : i32
      %scan3A_161 = arith.constant 0 : i32
      %scan3A_162 = arith.constant 40 : i32
      %scan3A_163 = arith.addi %scan3A_161, %scan3A_162 : i32
      %scan3A_164 = arith.constant 1 : i32
      scf.for %scan3A_213 = %scan3A_161 to %scan3A_163 step %scan3A_164  : i32 {
        %mul3A_214 = arith.constant 2 : i32
        %mul3A_215 = arith.muli %mul3A_214, %scan3A_213 : i32
        %add3A_216 = arith.constant 0 : i32
        %add3A_217 = arith.addi %mul3A_215, %add3A_216 : i32
        %get3A = arith.index_cast %add3A_217 : i32 to index
        %get3A_218 = arith.constant 0 : index
        %get3A_219 = tpu.vector_load %arg13[%get3A, %get3A_218] {strides = array<i32>} : memref<80x128xf32, #tpu.memory_space<vmem>>, vector<1x16xf32>,
        %get3A_220 = vector.shape_cast %get3A_219 : vector<1x16xf32> to vector<16xf32>
        %swap3A = arith.index_cast %add3A_217 : i32 to index
        %swap3A_221 = arith.constant 0 : index
        %swap3A_222 = tpu.vector_load %arg10[%swap3A, %swap3A_221] {strides = array<i32>} : memref<80x128xf32, #tpu.memory_space<vmem>>, vector<1x16xf32>,
        %swap3A_223 = vector.shape_cast %swap3A_222 : vector<1x16xf32> to vector<16xf32>
        %swap3A_224 = vector.shape_cast %get3A_220 : vector<16xf32> to vector<1x16xf32>
        tpu.vector_store %arg10[%swap3A, %swap3A_221], %swap3A_224 {add = true, strides = array<i32>} : memref<80x128xf32, #tpu.memory_space<vmem>>, vector<1x16xf32>,
        %get3A_225 = arith.index_cast %add3A_217 : i32 to index
        %get3A_226 = arith.constant 16 : index
        %get3A_227 = tpu.vector_load %arg13[%get3A_225, %get3A_226] {strides = array<i32>} : memref<80x128xf32, #tpu.memory_space<vmem>>, vector<1x16xf32>,
        %get3A_228 = vector.shape_cast %get3A_227 : vector<1x16xf32> to vector<16xf32>
        %swap3A_229 = arith.index_cast %add3A_217 : i32 to index
        %swap3A_230 = arith.constant 16 : index
        %swap3A_231 = tpu.vector_load %arg10[%swap3A_229, %swap3A_230] {strides = array<i32>} : memref<80x128xf32, #tpu.memory_space<vmem>>, vector<1x16xf32>,
        %swap3A_232 = vector.shape_cast %swap3A_231 : vector<1x16xf32> to vector<16xf32>
        %swap3A_233 = vector.shape_cast %get3A_228 : vector<16xf32> to vector<1x16xf32>
        tpu.vector_store %arg10[%swap3A_229, %swap3A_230], %swap3A_233 {add = true, strides = array<i32>} : memref<80x128xf32, #tpu.memory_space<vmem>>, vector<1x16xf32>,
        %get3A_234 = arith.index_cast %add3A_217 : i32 to index
        %get3A_235 = arith.constant 32 : index
        %get3A_236 = tpu.vector_load %arg13[%get3A_234, %get3A_235] {strides = array<i32>} : memref<80x128xf32, #tpu.memory_space<vmem>>, vector<1x16xf32>,
        %get3A_237 = vector.shape_cast %get3A_236 : vector<1x16xf32> to vector<16xf32>
        %swap3A_238 = arith.index_cast %add3A_217 : i32 to index
        %swap3A_239 = arith.constant 32 : index
        %swap3A_240 = tpu.vector_load %arg10[%swap3A_238, %swap3A_239] {strides = array<i32>} : memref<80x128xf32, #tpu.memory_space<vmem>>, vector<1x16xf32>,
        %swap3A_241 = vector.shape_cast %swap3A_240 : vector<1x16xf32> to vector<16xf32>
        %swap3A_242 = vector.shape_cast %get3A_237 : vector<16xf32> to vector<1x16xf32>
        tpu.vector_store %arg10[%swap3A_238, %swap3A_239], %swap3A_242 {add = true, strides = array<i32>} : memref<80x128xf32, #tpu.memory_space<vmem>>, vector<1x16xf32>,
        %get3A_243 = arith.index_cast %add3A_217 : i32 to index
        %get3A_244 = arith.constant 48 : index
        %get3A_245 = tpu.vector_load %arg13[%get3A_243, %get3A_244] {strides = array<i32>} : memref<80x128xf32, #tpu.memory_space<vmem>>, vector<1x16xf32>,
        %get3A_246 = vector.shape_cast %get3A_245 : vector<1x16xf32> to vector<16xf32>
        %swap3A_247 = arith.index_cast %add3A_217 : i32 to index
        %swap3A_248 = arith.constant 48 : index
        %swap3A_249 = tpu.vector_load %arg10[%swap3A_247, %swap3A_248] {strides = array<i32>} : memref<80x128xf32, #tpu.memory_space<vmem>>, vector<1x16xf32>,
        %swap3A_250 = vector.shape_cast %swap3A_249 : vector<1x16xf32> to vector<16xf32>
        %swap3A_251 = vector.shape_cast %get3A_246 : vector<16xf32> to vector<1x16xf32>
        tpu.vector_store %arg10[%swap3A_247, %swap3A_248], %swap3A_251 {add = true, strides = array<i32>} : memref<80x128xf32, #tpu.memory_space<vmem>>, vector<1x16xf32>,
        %get3A_252 = arith.index_cast %add3A_217 : i32 to index
        %get3A_253 = arith.constant 64 : index
        %get3A_254 = tpu.vector_load %arg13[%get3A_252, %get3A_253] {strides = array<i32>} : memref<80x128xf32, #tpu.memory_space<vmem>>, vector<1x16xf32>,
        %get3A_255 = vector.shape_cast %get3A_254 : vector<1x16xf32> to vector<16xf32>
        %swap3A_256 = arith.index_cast %add3A_217 : i32 to index
        %swap3A_257 = arith.constant 64 : index
        %swap3A_258 = tpu.vector_load %arg10[%swap3A_256, %swap3A_257] {strides = array<i32>} : memref<80x128xf32, #tpu.memory_space<vmem>>, vector<1x16xf32>,
        %swap3A_259 = vector.shape_cast %swap3A_258 : vector<1x16xf32> to vector<16xf32>
        %swap3A_260 = vector.shape_cast %get3A_255 : vector<16xf32> to vector<1x16xf32>
        tpu.vector_store %arg10[%swap3A_256, %swap3A_257], %swap3A_260 {add = true, strides = array<i32>} : memref<80x128xf32, #tpu.memory_space<vmem>>, vector<1x16xf32>,
        %get3A_261 = arith.index_cast %add3A_217 : i32 to index
        %get3A_262 = arith.constant 80 : index
        %get3A_263 = tpu.vector_load %arg13[%get3A_261, %get3A_262] {strides = array<i32>} : memref<80x128xf32, #tpu.memory_space<vmem>>, vector<1x16xf32>,
        %get3A_264 = vector.shape_cast %get3A_263 : vector<1x16xf32> to vector<16xf32>
        %swap3A_265 = arith.index_cast %add3A_217 : i32 to index
        %swap3A_266 = arith.constant 80 : index
        %swap3A_267 = tpu.vector_load %arg10[%swap3A_265, %swap3A_266] {strides = array<i32>} : memref<80x128xf32, #tpu.memory_space<vmem>>, vector<1x16xf32>,
        %swap3A_268 = vector.shape_cast %swap3A_267 : vector<1x16xf32> to vector<16xf32>
        %swap3A_269 = vector.shape_cast %get3A_264 : vector<16xf32> to vector<1x16xf32>
        tpu.vector_store %arg10[%swap3A_265, %swap3A_266], %swap3A_269 {add = true, strides = array<i32>} : memref<80x128xf32, #tpu.memory_space<vmem>>, vector<1x16xf32>,
        %get3A_270 = arith.index_cast %add3A_217 : i32 to index
        %get3A_271 = arith.constant 96 : index
        %get3A_272 = tpu.vector_load %arg13[%get3A_270, %get3A_271] {strides = array<i32>} : memref<80x128xf32, #tpu.memory_space<vmem>>, vector<1x16xf32>,
        %get3A_273 = vector.shape_cast %get3A_272 : vector<1x16xf32> to vector<16xf32>
        %swap3A_274 = arith.index_cast %add3A_217 : i32 to index
        %swap3A_275 = arith.constant 96 : index
        %swap3A_276 = tpu.vector_load %arg10[%swap3A_274, %swap3A_275] {strides = array<i32>} : memref<80x128xf32, #tpu.memory_space<vmem>>, vector<1x16xf32>,
        %swap3A_277 = vector.shape_cast %swap3A_276 : vector<1x16xf32> to vector<16xf32>
        %swap3A_278 = vector.shape_cast %get3A_273 : vector<16xf32> to vector<1x16xf32>
        tpu.vector_store %arg10[%swap3A_274, %swap3A_275], %swap3A_278 {add = true, strides = array<i32>} : memref<80x128xf32, #tpu.memory_space<vmem>>, vector<1x16xf32>,
        %get3A_279 = arith.index_cast %add3A_217 : i32 to index
        %get3A_280 = arith.constant 112 : index
        %get3A_281 = tpu.vector_load %arg13[%get3A_279, %get3A_280] {strides = array<i32>} : memref<80x128xf32, #tpu.memory_space<vmem>>, vector<1x16xf32>,
        %get3A_282 = vector.shape_cast %get3A_281 : vector<1x16xf32> to vector<16xf32>
        %swap3A_283 = arith.index_cast %add3A_217 : i32 to index
        %swap3A_284 = arith.constant 112 : index
        %swap3A_285 = tpu.vector_load %arg10[%swap3A_283, %swap3A_284] {strides = array<i32>} : memref<80x128xf32, #tpu.memory_space<vmem>>, vector<1x16xf32>,
        %swap3A_286 = vector.shape_cast %swap3A_285 : vector<1x16xf32> to vector<16xf32>
        %swap3A_287 = vector.shape_cast %get3A_282 : vector<16xf32> to vector<1x16xf32>
        tpu.vector_store %arg10[%swap3A_283, %swap3A_284], %swap3A_287 {add = true, strides = array<i32>} : memref<80x128xf32, #tpu.memory_space<vmem>>, vector<1x16xf32>,
        %mul3A_288 = arith.constant 2 : i32
        %mul3A_289 = arith.muli %mul3A_288, %scan3A_213 : i32
        %add3A_290 = arith.constant 1 : i32
        %add3A_291 = arith.addi %mul3A_289, %add3A_290 : i32
        %get3A_292 = arith.index_cast %add3A_291 : i32 to index
        %get3A_293 = arith.constant 0 : index
        %get3A_294 = tpu.vector_load %arg13[%get3A_292, %get3A_293] {strides = array<i32>} : memref<80x128xf32, #tpu.memory_space<vmem>>, vector<1x16xf32>,
        %get3A_295 = vector.shape_cast %get3A_294 : vector<1x16xf32> to vector<16xf32>
        %swap3A_296 = arith.index_cast %add3A_291 : i32 to index
        %swap3A_297 = arith.constant 0 : index
        %swap3A_298 = tpu.vector_load %arg10[%swap3A_296, %swap3A_297] {strides = array<i32>} : memref<80x128xf32, #tpu.memory_space<vmem>>, vector<1x16xf32>,
        %swap3A_299 = vector.shape_cast %swap3A_298 : vector<1x16xf32> to vector<16xf32>
        %swap3A_300 = vector.shape_cast %get3A_295 : vector<16xf32> to vector<1x16xf32>
        tpu.vector_store %arg10[%swap3A_296, %swap3A_297], %swap3A_300 {add = true, strides = array<i32>} : memref<80x128xf32, #tpu.memory_space<vmem>>, vector<1x16xf32>,
        %get3A_301 = arith.index_cast %add3A_291 : i32 to index
        %get3A_302 = arith.constant 16 : index
        %get3A_303 = tpu.vector_load %arg13[%get3A_301, %get3A_302] {strides = array<i32>} : memref<80x128xf32, #tpu.memory_space<vmem>>, vector<1x16xf32>,
        %get3A_304 = vector.shape_cast %get3A_303 : vector<1x16xf32> to vector<16xf32>
        %swap3A_305 = arith.index_cast %add3A_291 : i32 to index
        %swap3A_306 = arith.constant 16 : index
        %swap3A_307 = tpu.vector_load %arg10[%swap3A_305, %swap3A_306] {strides = array<i32>} : memref<80x128xf32, #tpu.memory_space<vmem>>, vector<1x16xf32>,
        %swap3A_308 = vector.shape_cast %swap3A_307 : vector<1x16xf32> to vector<16xf32>
        %swap3A_309 = vector.shape_cast %get3A_304 : vector<16xf32> to vector<1x16xf32>
        tpu.vector_store %arg10[%swap3A_305, %swap3A_306], %swap3A_309 {add = true, strides = array<i32>} : memref<80x128xf32, #tpu.memory_space<vmem>>, vector<1x16xf32>,
        %get3A_310 = arith.index_cast %add3A_291 : i32 to index
        %get3A_311 = arith.constant 32 : index
        %get3A_312 = tpu.vector_load %arg13[%get3A_310, %get3A_311] {strides = array<i32>} : memref<80x128xf32, #tpu.memory_space<vmem>>, vector<1x16xf32>,
        %get3A_313 = vector.shape_cast %get3A_312 : vector<1x16xf32> to vector<16xf32>
        %swap3A_314 = arith.index_cast %add3A_291 : i32 to index
        %swap3A_315 = arith.constant 32 : index
        %swap3A_316 = tpu.vector_load %arg10[%swap3A_314, %swap3A_315] {strides = array<i32>} : memref<80x128xf32, #tpu.memory_space<vmem>>, vector<1x16xf32>,
        %swap3A_317 = vector.shape_cast %swap3A_316 : vector<1x16xf32> to vector<16xf32>
        %swap3A_318 = vector.shape_cast %get3A_313 : vector<16xf32> to vector<1x16xf32>
        tpu.vector_store %arg10[%swap3A_314, %swap3A_315], %swap3A_318 {add = true, strides = array<i32>} : memref<80x128xf32, #tpu.memory_space<vmem>>, vector<1x16xf32>,
        %get3A_319 = arith.index_cast %add3A_291 : i32 to index
        %get3A_320 = arith.constant 48 : index
        %get3A_321 = tpu.vector_load %arg13[%get3A_319, %get3A_320] {strides = array<i32>} : memref<80x128xf32, #tpu.memory_space<vmem>>, vector<1x16xf32>,
        %get3A_322 = vector.shape_cast %get3A_321 : vector<1x16xf32> to vector<16xf32>
        %swap3A_323 = arith.index_cast %add3A_291 : i32 to index
        %swap3A_324 = arith.constant 48 : index
        %swap3A_325 = tpu.vector_load %arg10[%swap3A_323, %swap3A_324] {strides = array<i32>} : memref<80x128xf32, #tpu.memory_space<vmem>>, vector<1x16xf32>,
        %swap3A_326 = vector.shape_cast %swap3A_325 : vector<1x16xf32> to vector<16xf32>
        %swap3A_327 = vector.shape_cast %get3A_322 : vector<16xf32> to vector<1x16xf32>
        tpu.vector_store %arg10[%swap3A_323, %swap3A_324], %swap3A_327 {add = true, strides = array<i32>} : memref<80x128xf32, #tpu.memory_space<vmem>>, vector<1x16xf32>,
        %get3A_328 = arith.index_cast %add3A_291 : i32 to index
        %get3A_329 = arith.constant 64 : index
        %get3A_330 = tpu.vector_load %arg13[%get3A_328, %get3A_329] {strides = array<i32>} : memref<80x128xf32, #tpu.memory_space<vmem>>, vector<1x16xf32>,
        %get3A_331 = vector.shape_cast %get3A_330 : vector<1x16xf32> to vector<16xf32>
        %swap3A_332 = arith.index_cast %add3A_291 : i32 to index
        %swap3A_333 = arith.constant 64 : index
        %swap3A_334 = tpu.vector_load %arg10[%swap3A_332, %swap3A_333] {strides = array<i32>} : memref<80x128xf32, #tpu.memory_space<vmem>>, vector<1x16xf32>,
        %swap3A_335 = vector.shape_cast %swap3A_334 : vector<1x16xf32> to vector<16xf32>
        %swap3A_336 = vector.shape_cast %get3A_331 : vector<16xf32> to vector<1x16xf32>
        tpu.vector_store %arg10[%swap3A_332, %swap3A_333], %swap3A_336 {add = true, strides = array<i32>} : memref<80x128xf32, #tpu.memory_space<vmem>>, vector<1x16xf32>,
        %get3A_337 = arith.index_cast %add3A_291 : i32 to index
        %get3A_338 = arith.constant 80 : index
        %get3A_339 = tpu.vector_load %arg13[%get3A_337, %get3A_338] {strides = array<i32>} : memref<80x128xf32, #tpu.memory_space<vmem>>, vector<1x16xf32>,
        %get3A_340 = vector.shape_cast %get3A_339 : vector<1x16xf32> to vector<16xf32>
        %swap3A_341 = arith.index_cast %add3A_291 : i32 to index
        %swap3A_342 = arith.constant 80 : index
        %swap3A_343 = tpu.vector_load %arg10[%swap3A_341, %swap3A_342] {strides = array<i32>} : memref<80x128xf32, #tpu.memory_space<vmem>>, vector<1x16xf32>,
        %swap3A_344 = vector.shape_cast %swap3A_343 : vector<1x16xf32> to vector<16xf32>
        %swap3A_345 = vector.shape_cast %get3A_340 : vector<16xf32> to vector<1x16xf32>
        tpu.vector_store %arg10[%swap3A_341, %swap3A_342], %swap3A_345 {add = true, strides = array<i32>} : memref<80x128xf32, #tpu.memory_space<vmem>>, vector<1x16xf32>,
        %get3A_346 = arith.index_cast %add3A_291 : i32 to index
        %get3A_347 = arith.constant 96 : index
        %get3A_348 = tpu.vector_load %arg13[%get3A_346, %get3A_347] {strides = array<i32>} : memref<80x128xf32, #tpu.memory_space<vmem>>, vector<1x16xf32>,
        %get3A_349 = vector.shape_cast %get3A_348 : vector<1x16xf32> to vector<16xf32>
        %swap3A_350 = arith.index_cast %add3A_291 : i32 to index
        %swap3A_351 = arith.constant 96 : index
        %swap3A_352 = tpu.vector_load %arg10[%swap3A_350, %swap3A_351] {strides = array<i32>} : memref<80x128xf32, #tpu.memory_space<vmem>>, vector<1x16xf32>,
        %swap3A_353 = vector.shape_cast %swap3A_352 : vector<1x16xf32> to vector<16xf32>
        %swap3A_354 = vector.shape_cast %get3A_349 : vector<16xf32> to vector<1x16xf32>
        tpu.vector_store %arg10[%swap3A_350, %swap3A_351], %swap3A_354 {add = true, strides = array<i32>} : memref<80x128xf32, #tpu.memory_space<vmem>>, vector<1x16xf32>,
        %get3A_355 = arith.index_cast %add3A_291 : i32 to index
        %get3A_356 = arith.constant 112 : index
        %get3A_357 = tpu.vector_load %arg13[%get3A_355, %get3A_356] {strides = array<i32>} : memref<80x128xf32, #tpu.memory_space<vmem>>, vector<1x16xf32>,
        %get3A_358 = vector.shape_cast %get3A_357 : vector<1x16xf32> to vector<16xf32>
        %swap3A_359 = arith.index_cast %add3A_291 : i32 to index
        %swap3A_360 = arith.constant 112 : index
        %swap3A_361 = tpu.vector_load %arg10[%swap3A_359, %swap3A_360] {strides = array<i32>} : memref<80x128xf32, #tpu.memory_space<vmem>>, vector<1x16xf32>,
        %swap3A_362 = vector.shape_cast %swap3A_361 : vector<1x16xf32> to vector<16xf32>
        %swap3A_363 = vector.shape_cast %get3A_358 : vector<16xf32> to vector<1x16xf32>
        tpu.vector_store %arg10[%swap3A_359, %swap3A_360], %swap3A_363 {add = true, strides = array<i32>} : memref<80x128xf32, #tpu.memory_space<vmem>>, vector<1x16xf32>,
      }
      %scan3A_165 = arith.constant 40 : i32
      %mul3A_166 = arith.constant 80 : i32
      %mul3A_167 = arith.muli %add3A_138, %mul3A_166 : i32
      %add3A_168 = arith.addi %mul3A_2, %mul3A_167 : i32
      %multiple_of3A_169 = tpu.assume_multiple %add3A_168, 8 : i32
      %dma_start3A_170 = arith.constant 0 : i32
      %dma_start3A_171 = tpu.memref_slice %arg6[%multiple_of3A_169, %dma_start3A_170] : memref<320000x128xf32, #tpu.memory_space<hbm>> -> memref<80x128xf32, #tpu.memory_space<hbm>>
      %dma_start3A_172 = arith.constant 0 : i32
      %dma_start3A_173 = tpu.memref_slice %arg6[%multiple_of3A_169, %dma_start3A_172] : memref<320000x128xf32, #tpu.memory_space<hbm>> -> memref<80x128xf32, #tpu.memory_space<hbm>>
      tpu.enqueue_dma source(%arg10 : memref<80x128xf32, #tpu.memory_space<vmem>>) target(%dma_start3A_173 : memref<80x128xf32, #tpu.memory_space<hbm>>) target_semaphore(%arg22 : memref<!tpu.dma_semaphore, #tpu.memory_space<semaphore_mem>>)
      %mul3A_174 = arith.constant 3 : i32
      %mul3A_175 = arith.muli %mul3A_174, %scan3A_100 : i32
      %add3A_176 = arith.constant 2 : i32
      %add3A_177 = arith.addi %mul3A_175, %add3A_176 : i32
      %add3A_178 = arith.constant 2 : i32
      %add3A_179 = arith.addi %add3A_177, %add3A_178 : i32
      %lt3A_180 = arith.constant 125 : i32
      %lt3A_181 = arith.cmpi slt, %add3A_179, %lt3A_180 : i32
      %convert_element_type3A_182 = arith.extui %lt3A_181 : i1 to i32
      %cond3A_183 = arith.constant 0 : i32
      %cond3A_184 = arith.cmpi ne, %convert_element_type3A_182, %cond3A_183 : i32
      scf.if %cond3A_184 {
        %ge3A = arith.constant 1 : i32
        %ge3A_213 = arith.cmpi sge, %add3A_177, %ge3A : i32
        %convert_element_type3A_214 = arith.extui %ge3A_213 : i1 to i32
        %cond3A_215 = arith.constant 0 : i32
        %cond3A_216 = arith.cmpi ne, %convert_element_type3A_214, %cond3A_215 : i32
        scf.if %cond3A_216 {
          %sub3A = arith.constant 1 : i32
          %sub3A_233 = arith.subi %add3A_177, %sub3A : i32
          %mul3A_234 = arith.constant 80 : i32
          %mul3A_235 = arith.muli %sub3A_233, %mul3A_234 : i32
          %add3A_236 = arith.addi %mul3A_2, %mul3A_235 : i32
          %multiple_of3A_237 = tpu.assume_multiple %add3A_236, 8 : i32
          %dma_wait3A_238 = arith.constant 0 : i32
          %dma_wait3A_239 = tpu.memref_slice %arg6[%multiple_of3A_237, %dma_wait3A_238] : memref<320000x128xf32, #tpu.memory_space<hbm>> -> memref<80x128xf32, #tpu.memory_space<hbm>>
          %dma_wait3A_240 = arith.constant 0 : i32
          %dma_wait3A_241 = tpu.memref_slice %arg6[%multiple_of3A_237, %dma_wait3A_240] : memref<320000x128xf32, #tpu.memory_space<hbm>> -> memref<80x128xf32, #tpu.memory_space<hbm>>
          tpu.wait_dma2 semaphore(%arg22 : memref<!tpu.dma_semaphore, #tpu.memory_space<semaphore_mem>>) src(%arg10 : memref<80x128xf32, #tpu.memory_space<vmem>>) dst(%dma_wait3A_241 : memref<80x128xf32, #tpu.memory_space<hbm>>)
        } else {
        }
        %add3A_217 = arith.constant 2 : i32
        %add3A_218 = arith.addi %add3A_177, %add3A_217 : i32
        %mul3A_219 = arith.constant 80 : i32
        %mul3A_220 = arith.muli %add3A_218, %mul3A_219 : i32
        %multiple_of3A_221 = tpu.assume_multiple %mul3A_220, 8 : i32
        %dma_start3A_222 = tpu.memref_slice %arg7[%multiple_of3A_221] : memref<10000xi32, #tpu.memory_space<vmem>> -> memref<80xi32, #tpu.memory_space<vmem>>
        %dma_start3A_223 = arith.constant 0 : i32
        %dma_start3A_224 = arith.constant 0 : i32
        %dma_start3A_225 = tpu.memref_slice %arg2[%dma_start3A_223, %dma_start3A_224] : memref<10000x128xf32, #tpu.memory_space<hbm>> -> memref<10000x128xf32, #tpu.memory_space<hbm>>
        tpu.enqueue_indirect_dma source(%dma_start3A_225 : memref<10000x128xf32, #tpu.memory_space<hbm>>) target(%arg10 : memref<80x128xf32, #tpu.memory_space<vmem>>) offsets(%dma_start3A_222 : memref<80xi32, #tpu.memory_space<vmem>>) semaphore(%arg16 : memref<!tpu.dma_semaphore, #tpu.memory_space<semaphore_mem>>)
        %mul3A_226 = arith.constant 80 : i32
        %mul3A_227 = arith.muli %add3A_218, %mul3A_226 : i32
        %multiple_of3A_228 = tpu.assume_multiple %mul3A_227, 8 : i32
        %dma_start3A_229 = tpu.memref_slice %arg8[%multiple_of3A_228] : memref<10000xi32, #tpu.memory_space<vmem>> -> memref<80xi32, #tpu.memory_space<vmem>>
        %dma_start3A_230 = arith.constant 0 : i32
        %dma_start3A_231 = arith.constant 0 : i32
        %dma_start3A_232 = tpu.memref_slice %arg3[%dma_start3A_230, %dma_start3A_231] : memref<10000x128xf32, #tpu.memory_space<hbm>> -> memref<10000x128xf32, #tpu.memory_space<hbm>>
        tpu.enqueue_indirect_dma source(%dma_start3A_232 : memref<10000x128xf32, #tpu.memory_space<hbm>>) target(%arg13 : memref<80x128xf32, #tpu.memory_space<vmem>>) offsets(%dma_start3A_229 : memref<80xi32, #tpu.memory_space<vmem>>) semaphore(%arg19 : memref<!tpu.dma_semaphore, #tpu.memory_space<semaphore_mem>>)
      } else {
      }
      %mul3A_185 = arith.constant 80 : i32
      %mul3A_186 = arith.muli %add3A_177, %mul3A_185 : i32
      %multiple_of3A_187 = tpu.assume_multiple %mul3A_186, 8 : i32
      %dma_wait3A_188 = tpu.memref_slice %arg7[%multiple_of3A_187] : memref<10000xi32, #tpu.memory_space<vmem>> -> memref<80xi32, #tpu.memory_space<vmem>>
      %dma_wait3A_189 = arith.constant 0 : i32
      %dma_wait3A_190 = arith.constant 0 : i32
      %dma_wait3A_191 = tpu.memref_slice %arg2[%dma_wait3A_189, %dma_wait3A_190] : memref<10000x128xf32, #tpu.memory_space<hbm>> -> memref<10000x128xf32, #tpu.memory_space<hbm>>
      tpu.wait_indirect_dma semaphore(%arg17 : memref<!tpu.dma_semaphore, #tpu.memory_space<semaphore_mem>>) src(%dma_wait3A_191 : memref<10000x128xf32, #tpu.memory_space<hbm>>) dst(%arg11 : memref<80x128xf32, #tpu.memory_space<vmem>>)
      %mul3A_192 = arith.constant 80 : i32
      %mul3A_193 = arith.muli %add3A_177, %mul3A_192 : i32
      %multiple_of3A_194 = tpu.assume_multiple %mul3A_193, 8 : i32
      %dma_wait3A_195 = tpu.memref_slice %arg8[%multiple_of3A_194] : memref<10000xi32, #tpu.memory_space<vmem>> -> memref<80xi32, #tpu.memory_space<vmem>>
      %dma_wait3A_196 = arith.constant 0 : i32
      %dma_wait3A_197 = arith.constant 0 : i32
      %dma_wait3A_198 = tpu.memref_slice %arg3[%dma_wait3A_196, %dma_wait3A_197] : memref<10000x128xf32, #tpu.memory_space<hbm>> -> memref<10000x128xf32, #tpu.memory_space<hbm>>
      tpu.wait_indirect_dma semaphore(%arg20 : memref<!tpu.dma_semaphore, #tpu.memory_space<semaphore_mem>>) src(%dma_wait3A_198 : memref<10000x128xf32, #tpu.memory_space<hbm>>) dst(%arg14 : memref<80x128xf32, #tpu.memory_space<vmem>>)
      %scan3A_199 = arith.constant 0 : i32
      %scan3A_200 = arith.constant 0 : i32
      %scan3A_201 = arith.constant 40 : i32
      %scan3A_202 = arith.addi %scan3A_200, %scan3A_201 : i32
      %scan3A_203 = arith.constant 1 : i32
      scf.for %scan3A_213 = %scan3A_200 to %scan3A_202 step %scan3A_203  : i32 {
        %mul3A_214 = arith.constant 2 : i32
        %mul3A_215 = arith.muli %mul3A_214, %scan3A_213 : i32
        %add3A_216 = arith.constant 0 : i32
        %add3A_217 = arith.addi %mul3A_215, %add3A_216 : i32
        %get3A = arith.index_cast %add3A_217 : i32 to index
        %get3A_218 = arith.constant 0 : index
        %get3A_219 = tpu.vector_load %arg14[%get3A, %get3A_218] {strides = array<i32>} : memref<80x128xf32, #tpu.memory_space<vmem>>, vector<1x16xf32>,
        %get3A_220 = vector.shape_cast %get3A_219 : vector<1x16xf32> to vector<16xf32>
        %swap3A = arith.index_cast %add3A_217 : i32 to index
        %swap3A_221 = arith.constant 0 : index
        %swap3A_222 = tpu.vector_load %arg11[%swap3A, %swap3A_221] {strides = array<i32>} : memref<80x128xf32, #tpu.memory_space<vmem>>, vector<1x16xf32>,
        %swap3A_223 = vector.shape_cast %swap3A_222 : vector<1x16xf32> to vector<16xf32>
        %swap3A_224 = vector.shape_cast %get3A_220 : vector<16xf32> to vector<1x16xf32>
        tpu.vector_store %arg11[%swap3A, %swap3A_221], %swap3A_224 {add = true, strides = array<i32>} : memref<80x128xf32, #tpu.memory_space<vmem>>, vector<1x16xf32>,
        %get3A_225 = arith.index_cast %add3A_217 : i32 to index
        %get3A_226 = arith.constant 16 : index
        %get3A_227 = tpu.vector_load %arg14[%get3A_225, %get3A_226] {strides = array<i32>} : memref<80x128xf32, #tpu.memory_space<vmem>>, vector<1x16xf32>,
        %get3A_228 = vector.shape_cast %get3A_227 : vector<1x16xf32> to vector<16xf32>
        %swap3A_229 = arith.index_cast %add3A_217 : i32 to index
        %swap3A_230 = arith.constant 16 : index
        %swap3A_231 = tpu.vector_load %arg11[%swap3A_229, %swap3A_230] {strides = array<i32>} : memref<80x128xf32, #tpu.memory_space<vmem>>, vector<1x16xf32>,
        %swap3A_232 = vector.shape_cast %swap3A_231 : vector<1x16xf32> to vector<16xf32>
        %swap3A_233 = vector.shape_cast %get3A_228 : vector<16xf32> to vector<1x16xf32>
        tpu.vector_store %arg11[%swap3A_229, %swap3A_230], %swap3A_233 {add = true, strides = array<i32>} : memref<80x128xf32, #tpu.memory_space<vmem>>, vector<1x16xf32>,
        %get3A_234 = arith.index_cast %add3A_217 : i32 to index
        %get3A_235 = arith.constant 32 : index
        %get3A_236 = tpu.vector_load %arg14[%get3A_234, %get3A_235] {strides = array<i32>} : memref<80x128xf32, #tpu.memory_space<vmem>>, vector<1x16xf32>,
        %get3A_237 = vector.shape_cast %get3A_236 : vector<1x16xf32> to vector<16xf32>
        %swap3A_238 = arith.index_cast %add3A_217 : i32 to index
        %swap3A_239 = arith.constant 32 : index
        %swap3A_240 = tpu.vector_load %arg11[%swap3A_238, %swap3A_239] {strides = array<i32>} : memref<80x128xf32, #tpu.memory_space<vmem>>, vector<1x16xf32>,
        %swap3A_241 = vector.shape_cast %swap3A_240 : vector<1x16xf32> to vector<16xf32>
        %swap3A_242 = vector.shape_cast %get3A_237 : vector<16xf32> to vector<1x16xf32>
        tpu.vector_store %arg11[%swap3A_238, %swap3A_239], %swap3A_242 {add = true, strides = array<i32>} : memref<80x128xf32, #tpu.memory_space<vmem>>, vector<1x16xf32>,
        %get3A_243 = arith.index_cast %add3A_217 : i32 to index
        %get3A_244 = arith.constant 48 : index
        %get3A_245 = tpu.vector_load %arg14[%get3A_243, %get3A_244] {strides = array<i32>} : memref<80x128xf32, #tpu.memory_space<vmem>>, vector<1x16xf32>,
        %get3A_246 = vector.shape_cast %get3A_245 : vector<1x16xf32> to vector<16xf32>
        %swap3A_247 = arith.index_cast %add3A_217 : i32 to index
        %swap3A_248 = arith.constant 48 : index
        %swap3A_249 = tpu.vector_load %arg11[%swap3A_247, %swap3A_248] {strides = array<i32>} : memref<80x128xf32, #tpu.memory_space<vmem>>, vector<1x16xf32>,
        %swap3A_250 = vector.shape_cast %swap3A_249 : vector<1x16xf32> to vector<16xf32>
        %swap3A_251 = vector.shape_cast %get3A_246 : vector<16xf32> to vector<1x16xf32>
        tpu.vector_store %arg11[%swap3A_247, %swap3A_248], %swap3A_251 {add = true, strides = array<i32>} : memref<80x128xf32, #tpu.memory_space<vmem>>, vector<1x16xf32>,
        %get3A_252 = arith.index_cast %add3A_217 : i32 to index
        %get3A_253 = arith.constant 64 : index
        %get3A_254 = tpu.vector_load %arg14[%get3A_252, %get3A_253] {strides = array<i32>} : memref<80x128xf32, #tpu.memory_space<vmem>>, vector<1x16xf32>,
        %get3A_255 = vector.shape_cast %get3A_254 : vector<1x16xf32> to vector<16xf32>
        %swap3A_256 = arith.index_cast %add3A_217 : i32 to index
        %swap3A_257 = arith.constant 64 : index
        %swap3A_258 = tpu.vector_load %arg11[%swap3A_256, %swap3A_257] {strides = array<i32>} : memref<80x128xf32, #tpu.memory_space<vmem>>, vector<1x16xf32>,
        %swap3A_259 = vector.shape_cast %swap3A_258 : vector<1x16xf32> to vector<16xf32>
        %swap3A_260 = vector.shape_cast %get3A_255 : vector<16xf32> to vector<1x16xf32>
        tpu.vector_store %arg11[%swap3A_256, %swap3A_257], %swap3A_260 {add = true, strides = array<i32>} : memref<80x128xf32, #tpu.memory_space<vmem>>, vector<1x16xf32>,
        %get3A_261 = arith.index_cast %add3A_217 : i32 to index
        %get3A_262 = arith.constant 80 : index
        %get3A_263 = tpu.vector_load %arg14[%get3A_261, %get3A_262] {strides = array<i32>} : memref<80x128xf32, #tpu.memory_space<vmem>>, vector<1x16xf32>,
        %get3A_264 = vector.shape_cast %get3A_263 : vector<1x16xf32> to vector<16xf32>
        %swap3A_265 = arith.index_cast %add3A_217 : i32 to index
        %swap3A_266 = arith.constant 80 : index
        %swap3A_267 = tpu.vector_load %arg11[%swap3A_265, %swap3A_266] {strides = array<i32>} : memref<80x128xf32, #tpu.memory_space<vmem>>, vector<1x16xf32>,
        %swap3A_268 = vector.shape_cast %swap3A_267 : vector<1x16xf32> to vector<16xf32>
        %swap3A_269 = vector.shape_cast %get3A_264 : vector<16xf32> to vector<1x16xf32>
        tpu.vector_store %arg11[%swap3A_265, %swap3A_266], %swap3A_269 {add = true, strides = array<i32>} : memref<80x128xf32, #tpu.memory_space<vmem>>, vector<1x16xf32>,
        %get3A_270 = arith.index_cast %add3A_217 : i32 to index
        %get3A_271 = arith.constant 96 : index
        %get3A_272 = tpu.vector_load %arg14[%get3A_270, %get3A_271] {strides = array<i32>} : memref<80x128xf32, #tpu.memory_space<vmem>>, vector<1x16xf32>,
        %get3A_273 = vector.shape_cast %get3A_272 : vector<1x16xf32> to vector<16xf32>
        %swap3A_274 = arith.index_cast %add3A_217 : i32 to index
        %swap3A_275 = arith.constant 96 : index
        %swap3A_276 = tpu.vector_load %arg11[%swap3A_274, %swap3A_275] {strides = array<i32>} : memref<80x128xf32, #tpu.memory_space<vmem>>, vector<1x16xf32>,
        %swap3A_277 = vector.shape_cast %swap3A_276 : vector<1x16xf32> to vector<16xf32>
        %swap3A_278 = vector.shape_cast %get3A_273 : vector<16xf32> to vector<1x16xf32>
        tpu.vector_store %arg11[%swap3A_274, %swap3A_275], %swap3A_278 {add = true, strides = array<i32>} : memref<80x128xf32, #tpu.memory_space<vmem>>, vector<1x16xf32>,
        %get3A_279 = arith.index_cast %add3A_217 : i32 to index
        %get3A_280 = arith.constant 112 : index
        %get3A_281 = tpu.vector_load %arg14[%get3A_279, %get3A_280] {strides = array<i32>} : memref<80x128xf32, #tpu.memory_space<vmem>>, vector<1x16xf32>,
        %get3A_282 = vector.shape_cast %get3A_281 : vector<1x16xf32> to vector<16xf32>
        %swap3A_283 = arith.index_cast %add3A_217 : i32 to index
        %swap3A_284 = arith.constant 112 : index
        %swap3A_285 = tpu.vector_load %arg11[%swap3A_283, %swap3A_284] {strides = array<i32>} : memref<80x128xf32, #tpu.memory_space<vmem>>, vector<1x16xf32>,
        %swap3A_286 = vector.shape_cast %swap3A_285 : vector<1x16xf32> to vector<16xf32>
        %swap3A_287 = vector.shape_cast %get3A_282 : vector<16xf32> to vector<1x16xf32>
        tpu.vector_store %arg11[%swap3A_283, %swap3A_284], %swap3A_287 {add = true, strides = array<i32>} : memref<80x128xf32, #tpu.memory_space<vmem>>, vector<1x16xf32>,
        %mul3A_288 = arith.constant 2 : i32
        %mul3A_289 = arith.muli %mul3A_288, %scan3A_213 : i32
        %add3A_290 = arith.constant 1 : i32
        %add3A_291 = arith.addi %mul3A_289, %add3A_290 : i32
        %get3A_292 = arith.index_cast %add3A_291 : i32 to index
        %get3A_293 = arith.constant 0 : index
        %get3A_294 = tpu.vector_load %arg14[%get3A_292, %get3A_293] {strides = array<i32>} : memref<80x128xf32, #tpu.memory_space<vmem>>, vector<1x16xf32>,
        %get3A_295 = vector.shape_cast %get3A_294 : vector<1x16xf32> to vector<16xf32>
        %swap3A_296 = arith.index_cast %add3A_291 : i32 to index
        %swap3A_297 = arith.constant 0 : index
        %swap3A_298 = tpu.vector_load %arg11[%swap3A_296, %swap3A_297] {strides = array<i32>} : memref<80x128xf32, #tpu.memory_space<vmem>>, vector<1x16xf32>,
        %swap3A_299 = vector.shape_cast %swap3A_298 : vector<1x16xf32> to vector<16xf32>
        %swap3A_300 = vector.shape_cast %get3A_295 : vector<16xf32> to vector<1x16xf32>
        tpu.vector_store %arg11[%swap3A_296, %swap3A_297], %swap3A_300 {add = true, strides = array<i32>} : memref<80x128xf32, #tpu.memory_space<vmem>>, vector<1x16xf32>,
        %get3A_301 = arith.index_cast %add3A_291 : i32 to index
        %get3A_302 = arith.constant 16 : index
        %get3A_303 = tpu.vector_load %arg14[%get3A_301, %get3A_302] {strides = array<i32>} : memref<80x128xf32, #tpu.memory_space<vmem>>, vector<1x16xf32>,
        %get3A_304 = vector.shape_cast %get3A_303 : vector<1x16xf32> to vector<16xf32>
        %swap3A_305 = arith.index_cast %add3A_291 : i32 to index
        %swap3A_306 = arith.constant 16 : index
        %swap3A_307 = tpu.vector_load %arg11[%swap3A_305, %swap3A_306] {strides = array<i32>} : memref<80x128xf32, #tpu.memory_space<vmem>>, vector<1x16xf32>,
        %swap3A_308 = vector.shape_cast %swap3A_307 : vector<1x16xf32> to vector<16xf32>
        %swap3A_309 = vector.shape_cast %get3A_304 : vector<16xf32> to vector<1x16xf32>
        tpu.vector_store %arg11[%swap3A_305, %swap3A_306], %swap3A_309 {add = true, strides = array<i32>} : memref<80x128xf32, #tpu.memory_space<vmem>>, vector<1x16xf32>,
        %get3A_310 = arith.index_cast %add3A_291 : i32 to index
        %get3A_311 = arith.constant 32 : index
        %get3A_312 = tpu.vector_load %arg14[%get3A_310, %get3A_311] {strides = array<i32>} : memref<80x128xf32, #tpu.memory_space<vmem>>, vector<1x16xf32>,
        %get3A_313 = vector.shape_cast %get3A_312 : vector<1x16xf32> to vector<16xf32>
        %swap3A_314 = arith.index_cast %add3A_291 : i32 to index
        %swap3A_315 = arith.constant 32 : index
        %swap3A_316 = tpu.vector_load %arg11[%swap3A_314, %swap3A_315] {strides = array<i32>} : memref<80x128xf32, #tpu.memory_space<vmem>>, vector<1x16xf32>,
        %swap3A_317 = vector.shape_cast %swap3A_316 : vector<1x16xf32> to vector<16xf32>
        %swap3A_318 = vector.shape_cast %get3A_313 : vector<16xf32> to vector<1x16xf32>
        tpu.vector_store %arg11[%swap3A_314, %swap3A_315], %swap3A_318 {add = true, strides = array<i32>} : memref<80x128xf32, #tpu.memory_space<vmem>>, vector<1x16xf32>,
        %get3A_319 = arith.index_cast %add3A_291 : i32 to index
        %get3A_320 = arith.constant 48 : index
        %get3A_321 = tpu.vector_load %arg14[%get3A_319, %get3A_320] {strides = array<i32>} : memref<80x128xf32, #tpu.memory_space<vmem>>, vector<1x16xf32>,
        %get3A_322 = vector.shape_cast %get3A_321 : vector<1x16xf32> to vector<16xf32>
        %swap3A_323 = arith.index_cast %add3A_291 : i32 to index
        %swap3A_324 = arith.constant 48 : index
        %swap3A_325 = tpu.vector_load %arg11[%swap3A_323, %swap3A_324] {strides = array<i32>} : memref<80x128xf32, #tpu.memory_space<vmem>>, vector<1x16xf32>,
        %swap3A_326 = vector.shape_cast %swap3A_325 : vector<1x16xf32> to vector<16xf32>
        %swap3A_327 = vector.shape_cast %get3A_322 : vector<16xf32> to vector<1x16xf32>
        tpu.vector_store %arg11[%swap3A_323, %swap3A_324], %swap3A_327 {add = true, strides = array<i32>} : memref<80x128xf32, #tpu.memory_space<vmem>>, vector<1x16xf32>,
        %get3A_328 = arith.index_cast %add3A_291 : i32 to index
        %get3A_329 = arith.constant 64 : index
        %get3A_330 = tpu.vector_load %arg14[%get3A_328, %get3A_329] {strides = array<i32>} : memref<80x128xf32, #tpu.memory_space<vmem>>, vector<1x16xf32>,
        %get3A_331 = vector.shape_cast %get3A_330 : vector<1x16xf32> to vector<16xf32>
        %swap3A_332 = arith.index_cast %add3A_291 : i32 to index
        %swap3A_333 = arith.constant 64 : index
        %swap3A_334 = tpu.vector_load %arg11[%swap3A_332, %swap3A_333] {strides = array<i32>} : memref<80x128xf32, #tpu.memory_space<vmem>>, vector<1x16xf32>,
        %swap3A_335 = vector.shape_cast %swap3A_334 : vector<1x16xf32> to vector<16xf32>
        %swap3A_336 = vector.shape_cast %get3A_331 : vector<16xf32> to vector<1x16xf32>
        tpu.vector_store %arg11[%swap3A_332, %swap3A_333], %swap3A_336 {add = true, strides = array<i32>} : memref<80x128xf32, #tpu.memory_space<vmem>>, vector<1x16xf32>,
        %get3A_337 = arith.index_cast %add3A_291 : i32 to index
        %get3A_338 = arith.constant 80 : index
        %get3A_339 = tpu.vector_load %arg14[%get3A_337, %get3A_338] {strides = array<i32>} : memref<80x128xf32, #tpu.memory_space<vmem>>, vector<1x16xf32>,
        %get3A_340 = vector.shape_cast %get3A_339 : vector<1x16xf32> to vector<16xf32>
        %swap3A_341 = arith.index_cast %add3A_291 : i32 to index
        %swap3A_342 = arith.constant 80 : index
        %swap3A_343 = tpu.vector_load %arg11[%swap3A_341, %swap3A_342] {strides = array<i32>} : memref<80x128xf32, #tpu.memory_space<vmem>>, vector<1x16xf32>,
        %swap3A_344 = vector.shape_cast %swap3A_343 : vector<1x16xf32> to vector<16xf32>
        %swap3A_345 = vector.shape_cast %get3A_340 : vector<16xf32> to vector<1x16xf32>
        tpu.vector_store %arg11[%swap3A_341, %swap3A_342], %swap3A_345 {add = true, strides = array<i32>} : memref<80x128xf32, #tpu.memory_space<vmem>>, vector<1x16xf32>,
        %get3A_346 = arith.index_cast %add3A_291 : i32 to index
        %get3A_347 = arith.constant 96 : index
        %get3A_348 = tpu.vector_load %arg14[%get3A_346, %get3A_347] {strides = array<i32>} : memref<80x128xf32, #tpu.memory_space<vmem>>, vector<1x16xf32>,
        %get3A_349 = vector.shape_cast %get3A_348 : vector<1x16xf32> to vector<16xf32>
        %swap3A_350 = arith.index_cast %add3A_291 : i32 to index
        %swap3A_351 = arith.constant 96 : index
        %swap3A_352 = tpu.vector_load %arg11[%swap3A_350, %swap3A_351] {strides = array<i32>} : memref<80x128xf32, #tpu.memory_space<vmem>>, vector<1x16xf32>,
        %swap3A_353 = vector.shape_cast %swap3A_352 : vector<1x16xf32> to vector<16xf32>
        %swap3A_354 = vector.shape_cast %get3A_349 : vector<16xf32> to vector<1x16xf32>
        tpu.vector_store %arg11[%swap3A_350, %swap3A_351], %swap3A_354 {add = true, strides = array<i32>} : memref<80x128xf32, #tpu.memory_space<vmem>>, vector<1x16xf32>,
        %get3A_355 = arith.index_cast %add3A_291 : i32 to index
        %get3A_356 = arith.constant 112 : index
        %get3A_357 = tpu.vector_load %arg14[%get3A_355, %get3A_356] {strides = array<i32>} : memref<80x128xf32, #tpu.memory_space<vmem>>, vector<1x16xf32>,
        %get3A_358 = vector.shape_cast %get3A_357 : vector<1x16xf32> to vector<16xf32>
        %swap3A_359 = arith.index_cast %add3A_291 : i32 to index
        %swap3A_360 = arith.constant 112 : index
        %swap3A_361 = tpu.vector_load %arg11[%swap3A_359, %swap3A_360] {strides = array<i32>} : memref<80x128xf32, #tpu.memory_space<vmem>>, vector<1x16xf32>,
        %swap3A_362 = vector.shape_cast %swap3A_361 : vector<1x16xf32> to vector<16xf32>
        %swap3A_363 = vector.shape_cast %get3A_358 : vector<16xf32> to vector<1x16xf32>
        tpu.vector_store %arg11[%swap3A_359, %swap3A_360], %swap3A_363 {add = true, strides = array<i32>} : memref<80x128xf32, #tpu.memory_space<vmem>>, vector<1x16xf32>,
      }
      %scan3A_204 = arith.constant 40 : i32
      %mul3A_205 = arith.constant 80 : i32
      %mul3A_206 = arith.muli %add3A_177, %mul3A_205 : i32
      %add3A_207 = arith.addi %mul3A_2, %mul3A_206 : i32
      %multiple_of3A_208 = tpu.assume_multiple %add3A_207, 8 : i32
      %dma_start3A_209 = arith.constant 0 : i32
      %dma_start3A_210 = tpu.memref_slice %arg6[%multiple_of3A_208, %dma_start3A_209] : memref<320000x128xf32, #tpu.memory_space<hbm>> -> memref<80x128xf32, #tpu.memory_space<hbm>>
      %dma_start3A_211 = arith.constant 0 : i32
      %dma_start3A_212 = tpu.memref_slice %arg6[%multiple_of3A_208, %dma_start3A_211] : memref<320000x128xf32, #tpu.memory_space<hbm>> -> memref<80x128xf32, #tpu.memory_space<hbm>>
      tpu.enqueue_dma source(%arg11 : memref<80x128xf32, #tpu.memory_space<vmem>>) target(%dma_start3A_212 : memref<80x128xf32, #tpu.memory_space<hbm>>) target_semaphore(%arg23 : memref<!tpu.dma_semaphore, #tpu.memory_space<semaphore_mem>>)
    }
    %scan3A_29 = arith.constant 41 : i32
    %multiple_of3A_30 = arith.constant 9840 : i32
    %multiple_of3A_31 = tpu.assume_multiple %multiple_of3A_30, 8 : i32
    %dma_wait3A = tpu.memref_slice %arg7[%multiple_of3A_31] : memref<10000xi32, #tpu.memory_space<vmem>> -> memref<80xi32, #tpu.memory_space<vmem>>
    %dma_wait3A_32 = arith.constant 0 : i32
    %dma_wait3A_33 = arith.constant 0 : i32
    %dma_wait3A_34 = tpu.memref_slice %arg2[%dma_wait3A_32, %dma_wait3A_33] : memref<10000x128xf32, #tpu.memory_space<hbm>> -> memref<10000x128xf32, #tpu.memory_space<hbm>>
    tpu.wait_indirect_dma semaphore(%arg15 : memref<!tpu.dma_semaphore, #tpu.memory_space<semaphore_mem>>) src(%dma_wait3A_34 : memref<10000x128xf32, #tpu.memory_space<hbm>>) dst(%arg9 : memref<80x128xf32, #tpu.memory_space<vmem>>)
    %multiple_of3A_35 = arith.constant 9840 : i32
    %multiple_of3A_36 = tpu.assume_multiple %multiple_of3A_35, 8 : i32
    %dma_wait3A_37 = tpu.memref_slice %arg8[%multiple_of3A_36] : memref<10000xi32, #tpu.memory_space<vmem>> -> memref<80xi32, #tpu.memory_space<vmem>>
    %dma_wait3A_38 = arith.constant 0 : i32
    %dma_wait3A_39 = arith.constant 0 : i32
    %dma_wait3A_40 = tpu.memref_slice %arg3[%dma_wait3A_38, %dma_wait3A_39] : memref<10000x128xf32, #tpu.memory_space<hbm>> -> memref<10000x128xf32, #tpu.memory_space<hbm>>
    tpu.wait_indirect_dma semaphore(%arg18 : memref<!tpu.dma_semaphore, #tpu.memory_space<semaphore_mem>>) src(%dma_wait3A_40 : memref<10000x128xf32, #tpu.memory_space<hbm>>) dst(%arg12 : memref<80x128xf32, #tpu.memory_space<vmem>>)
    %scan3A_41 = arith.constant 0 : i32
    %scan3A_42 = arith.constant 0 : i32
    %scan3A_43 = arith.constant 40 : i32
    %scan3A_44 = arith.addi %scan3A_42, %scan3A_43 : i32
    %scan3A_45 = arith.constant 1 : i32
    scf.for %scan3A_100 = %scan3A_42 to %scan3A_44 step %scan3A_45  : i32 {
      %mul3A_101 = arith.constant 2 : i32
      %mul3A_102 = arith.muli %mul3A_101, %scan3A_100 : i32
      %add3A_103 = arith.constant 0 : i32
      %add3A_104 = arith.addi %mul3A_102, %add3A_103 : i32
      %get3A = arith.index_cast %add3A_104 : i32 to index
      %get3A_105 = arith.constant 0 : index
      %get3A_106 = tpu.vector_load %arg12[%get3A, %get3A_105] {strides = array<i32>} : memref<80x128xf32, #tpu.memory_space<vmem>>, vector<1x16xf32>,
      %get3A_107 = vector.shape_cast %get3A_106 : vector<1x16xf32> to vector<16xf32>
      %swap3A = arith.index_cast %add3A_104 : i32 to index
      %swap3A_108 = arith.constant 0 : index
      %swap3A_109 = tpu.vector_load %arg9[%swap3A, %swap3A_108] {strides = array<i32>} : memref<80x128xf32, #tpu.memory_space<vmem>>, vector<1x16xf32>,
      %swap3A_110 = vector.shape_cast %swap3A_109 : vector<1x16xf32> to vector<16xf32>
      %swap3A_111 = vector.shape_cast %get3A_107 : vector<16xf32> to vector<1x16xf32>
      tpu.vector_store %arg9[%swap3A, %swap3A_108], %swap3A_111 {add = true, strides = array<i32>} : memref<80x128xf32, #tpu.memory_space<vmem>>, vector<1x16xf32>,
      %get3A_112 = arith.index_cast %add3A_104 : i32 to index
      %get3A_113 = arith.constant 16 : index
      %get3A_114 = tpu.vector_load %arg12[%get3A_112, %get3A_113] {strides = array<i32>} : memref<80x128xf32, #tpu.memory_space<vmem>>, vector<1x16xf32>,
      %get3A_115 = vector.shape_cast %get3A_114 : vector<1x16xf32> to vector<16xf32>
      %swap3A_116 = arith.index_cast %add3A_104 : i32 to index
      %swap3A_117 = arith.constant 16 : index
      %swap3A_118 = tpu.vector_load %arg9[%swap3A_116, %swap3A_117] {strides = array<i32>} : memref<80x128xf32, #tpu.memory_space<vmem>>, vector<1x16xf32>,
      %swap3A_119 = vector.shape_cast %swap3A_118 : vector<1x16xf32> to vector<16xf32>
      %swap3A_120 = vector.shape_cast %get3A_115 : vector<16xf32> to vector<1x16xf32>
      tpu.vector_store %arg9[%swap3A_116, %swap3A_117], %swap3A_120 {add = true, strides = array<i32>} : memref<80x128xf32, #tpu.memory_space<vmem>>, vector<1x16xf32>,
      %get3A_121 = arith.index_cast %add3A_104 : i32 to index
      %get3A_122 = arith.constant 32 : index
      %get3A_123 = tpu.vector_load %arg12[%get3A_121, %get3A_122] {strides = array<i32>} : memref<80x128xf32, #tpu.memory_space<vmem>>, vector<1x16xf32>,
      %get3A_124 = vector.shape_cast %get3A_123 : vector<1x16xf32> to vector<16xf32>
      %swap3A_125 = arith.index_cast %add3A_104 : i32 to index
      %swap3A_126 = arith.constant 32 : index
      %swap3A_127 = tpu.vector_load %arg9[%swap3A_125, %swap3A_126] {strides = array<i32>} : memref<80x128xf32, #tpu.memory_space<vmem>>, vector<1x16xf32>,
      %swap3A_128 = vector.shape_cast %swap3A_127 : vector<1x16xf32> to vector<16xf32>
      %swap3A_129 = vector.shape_cast %get3A_124 : vector<16xf32> to vector<1x16xf32>
      tpu.vector_store %arg9[%swap3A_125, %swap3A_126], %swap3A_129 {add = true, strides = array<i32>} : memref<80x128xf32, #tpu.memory_space<vmem>>, vector<1x16xf32>,
      %get3A_130 = arith.index_cast %add3A_104 : i32 to index
      %get3A_131 = arith.constant 48 : index
      %get3A_132 = tpu.vector_load %arg12[%get3A_130, %get3A_131] {strides = array<i32>} : memref<80x128xf32, #tpu.memory_space<vmem>>, vector<1x16xf32>,
      %get3A_133 = vector.shape_cast %get3A_132 : vector<1x16xf32> to vector<16xf32>
      %swap3A_134 = arith.index_cast %add3A_104 : i32 to index
      %swap3A_135 = arith.constant 48 : index
      %swap3A_136 = tpu.vector_load %arg9[%swap3A_134, %swap3A_135] {strides = array<i32>} : memref<80x128xf32, #tpu.memory_space<vmem>>, vector<1x16xf32>,
      %swap3A_137 = vector.shape_cast %swap3A_136 : vector<1x16xf32> to vector<16xf32>
      %swap3A_138 = vector.shape_cast %get3A_133 : vector<16xf32> to vector<1x16xf32>
      tpu.vector_store %arg9[%swap3A_134, %swap3A_135], %swap3A_138 {add = true, strides = array<i32>} : memref<80x128xf32, #tpu.memory_space<vmem>>, vector<1x16xf32>,
      %get3A_139 = arith.index_cast %add3A_104 : i32 to index
      %get3A_140 = arith.constant 64 : index
      %get3A_141 = tpu.vector_load %arg12[%get3A_139, %get3A_140] {strides = array<i32>} : memref<80x128xf32, #tpu.memory_space<vmem>>, vector<1x16xf32>,
      %get3A_142 = vector.shape_cast %get3A_141 : vector<1x16xf32> to vector<16xf32>
      %swap3A_143 = arith.index_cast %add3A_104 : i32 to index
      %swap3A_144 = arith.constant 64 : index
      %swap3A_145 = tpu.vector_load %arg9[%swap3A_143, %swap3A_144] {strides = array<i32>} : memref<80x128xf32, #tpu.memory_space<vmem>>, vector<1x16xf32>,
      %swap3A_146 = vector.shape_cast %swap3A_145 : vector<1x16xf32> to vector<16xf32>
      %swap3A_147 = vector.shape_cast %get3A_142 : vector<16xf32> to vector<1x16xf32>
      tpu.vector_store %arg9[%swap3A_143, %swap3A_144], %swap3A_147 {add = true, strides = array<i32>} : memref<80x128xf32, #tpu.memory_space<vmem>>, vector<1x16xf32>,
      %get3A_148 = arith.index_cast %add3A_104 : i32 to index
      %get3A_149 = arith.constant 80 : index
      %get3A_150 = tpu.vector_load %arg12[%get3A_148, %get3A_149] {strides = array<i32>} : memref<80x128xf32, #tpu.memory_space<vmem>>, vector<1x16xf32>,
      %get3A_151 = vector.shape_cast %get3A_150 : vector<1x16xf32> to vector<16xf32>
      %swap3A_152 = arith.index_cast %add3A_104 : i32 to index
      %swap3A_153 = arith.constant 80 : index
      %swap3A_154 = tpu.vector_load %arg9[%swap3A_152, %swap3A_153] {strides = array<i32>} : memref<80x128xf32, #tpu.memory_space<vmem>>, vector<1x16xf32>,
      %swap3A_155 = vector.shape_cast %swap3A_154 : vector<1x16xf32> to vector<16xf32>
      %swap3A_156 = vector.shape_cast %get3A_151 : vector<16xf32> to vector<1x16xf32>
      tpu.vector_store %arg9[%swap3A_152, %swap3A_153], %swap3A_156 {add = true, strides = array<i32>} : memref<80x128xf32, #tpu.memory_space<vmem>>, vector<1x16xf32>,
      %get3A_157 = arith.index_cast %add3A_104 : i32 to index
      %get3A_158 = arith.constant 96 : index
      %get3A_159 = tpu.vector_load %arg12[%get3A_157, %get3A_158] {strides = array<i32>} : memref<80x128xf32, #tpu.memory_space<vmem>>, vector<1x16xf32>,
      %get3A_160 = vector.shape_cast %get3A_159 : vector<1x16xf32> to vector<16xf32>
      %swap3A_161 = arith.index_cast %add3A_104 : i32 to index
      %swap3A_162 = arith.constant 96 : index
      %swap3A_163 = tpu.vector_load %arg9[%swap3A_161, %swap3A_162] {strides = array<i32>} : memref<80x128xf32, #tpu.memory_space<vmem>>, vector<1x16xf32>,
      %swap3A_164 = vector.shape_cast %swap3A_163 : vector<1x16xf32> to vector<16xf32>
      %swap3A_165 = vector.shape_cast %get3A_160 : vector<16xf32> to vector<1x16xf32>
      tpu.vector_store %arg9[%swap3A_161, %swap3A_162], %swap3A_165 {add = true, strides = array<i32>} : memref<80x128xf32, #tpu.memory_space<vmem>>, vector<1x16xf32>,
      %get3A_166 = arith.index_cast %add3A_104 : i32 to index
      %get3A_167 = arith.constant 112 : index
      %get3A_168 = tpu.vector_load %arg12[%get3A_166, %get3A_167] {strides = array<i32>} : memref<80x128xf32, #tpu.memory_space<vmem>>, vector<1x16xf32>,
      %get3A_169 = vector.shape_cast %get3A_168 : vector<1x16xf32> to vector<16xf32>
      %swap3A_170 = arith.index_cast %add3A_104 : i32 to index
      %swap3A_171 = arith.constant 112 : index
      %swap3A_172 = tpu.vector_load %arg9[%swap3A_170, %swap3A_171] {strides = array<i32>} : memref<80x128xf32, #tpu.memory_space<vmem>>, vector<1x16xf32>,
      %swap3A_173 = vector.shape_cast %swap3A_172 : vector<1x16xf32> to vector<16xf32>
      %swap3A_174 = vector.shape_cast %get3A_169 : vector<16xf32> to vector<1x16xf32>
      tpu.vector_store %arg9[%swap3A_170, %swap3A_171], %swap3A_174 {add = true, strides = array<i32>} : memref<80x128xf32, #tpu.memory_space<vmem>>, vector<1x16xf32>,
      %mul3A_175 = arith.constant 2 : i32
      %mul3A_176 = arith.muli %mul3A_175, %scan3A_100 : i32
      %add3A_177 = arith.constant 1 : i32
      %add3A_178 = arith.addi %mul3A_176, %add3A_177 : i32
      %get3A_179 = arith.index_cast %add3A_178 : i32 to index
      %get3A_180 = arith.constant 0 : index
      %get3A_181 = tpu.vector_load %arg12[%get3A_179, %get3A_180] {strides = array<i32>} : memref<80x128xf32, #tpu.memory_space<vmem>>, vector<1x16xf32>,
      %get3A_182 = vector.shape_cast %get3A_181 : vector<1x16xf32> to vector<16xf32>
      %swap3A_183 = arith.index_cast %add3A_178 : i32 to index
      %swap3A_184 = arith.constant 0 : index
      %swap3A_185 = tpu.vector_load %arg9[%swap3A_183, %swap3A_184] {strides = array<i32>} : memref<80x128xf32, #tpu.memory_space<vmem>>, vector<1x16xf32>,
      %swap3A_186 = vector.shape_cast %swap3A_185 : vector<1x16xf32> to vector<16xf32>
      %swap3A_187 = vector.shape_cast %get3A_182 : vector<16xf32> to vector<1x16xf32>
      tpu.vector_store %arg9[%swap3A_183, %swap3A_184], %swap3A_187 {add = true, strides = array<i32>} : memref<80x128xf32, #tpu.memory_space<vmem>>, vector<1x16xf32>,
      %get3A_188 = arith.index_cast %add3A_178 : i32 to index
      %get3A_189 = arith.constant 16 : index
      %get3A_190 = tpu.vector_load %arg12[%get3A_188, %get3A_189] {strides = array<i32>} : memref<80x128xf32, #tpu.memory_space<vmem>>, vector<1x16xf32>,
      %get3A_191 = vector.shape_cast %get3A_190 : vector<1x16xf32> to vector<16xf32>
      %swap3A_192 = arith.index_cast %add3A_178 : i32 to index
      %swap3A_193 = arith.constant 16 : index
      %swap3A_194 = tpu.vector_load %arg9[%swap3A_192, %swap3A_193] {strides = array<i32>} : memref<80x128xf32, #tpu.memory_space<vmem>>, vector<1x16xf32>,
      %swap3A_195 = vector.shape_cast %swap3A_194 : vector<1x16xf32> to vector<16xf32>
      %swap3A_196 = vector.shape_cast %get3A_191 : vector<16xf32> to vector<1x16xf32>
      tpu.vector_store %arg9[%swap3A_192, %swap3A_193], %swap3A_196 {add = true, strides = array<i32>} : memref<80x128xf32, #tpu.memory_space<vmem>>, vector<1x16xf32>,
      %get3A_197 = arith.index_cast %add3A_178 : i32 to index
      %get3A_198 = arith.constant 32 : index
      %get3A_199 = tpu.vector_load %arg12[%get3A_197, %get3A_198] {strides = array<i32>} : memref<80x128xf32, #tpu.memory_space<vmem>>, vector<1x16xf32>,
      %get3A_200 = vector.shape_cast %get3A_199 : vector<1x16xf32> to vector<16xf32>
      %swap3A_201 = arith.index_cast %add3A_178 : i32 to index
      %swap3A_202 = arith.constant 32 : index
      %swap3A_203 = tpu.vector_load %arg9[%swap3A_201, %swap3A_202] {strides = array<i32>} : memref<80x128xf32, #tpu.memory_space<vmem>>, vector<1x16xf32>,
      %swap3A_204 = vector.shape_cast %swap3A_203 : vector<1x16xf32> to vector<16xf32>
      %swap3A_205 = vector.shape_cast %get3A_200 : vector<16xf32> to vector<1x16xf32>
      tpu.vector_store %arg9[%swap3A_201, %swap3A_202], %swap3A_205 {add = true, strides = array<i32>} : memref<80x128xf32, #tpu.memory_space<vmem>>, vector<1x16xf32>,
      %get3A_206 = arith.index_cast %add3A_178 : i32 to index
      %get3A_207 = arith.constant 48 : index
      %get3A_208 = tpu.vector_load %arg12[%get3A_206, %get3A_207] {strides = array<i32>} : memref<80x128xf32, #tpu.memory_space<vmem>>, vector<1x16xf32>,
      %get3A_209 = vector.shape_cast %get3A_208 : vector<1x16xf32> to vector<16xf32>
      %swap3A_210 = arith.index_cast %add3A_178 : i32 to index
      %swap3A_211 = arith.constant 48 : index
      %swap3A_212 = tpu.vector_load %arg9[%swap3A_210, %swap3A_211] {strides = array<i32>} : memref<80x128xf32, #tpu.memory_space<vmem>>, vector<1x16xf32>,
      %swap3A_213 = vector.shape_cast %swap3A_212 : vector<1x16xf32> to vector<16xf32>
      %swap3A_214 = vector.shape_cast %get3A_209 : vector<16xf32> to vector<1x16xf32>
      tpu.vector_store %arg9[%swap3A_210, %swap3A_211], %swap3A_214 {add = true, strides = array<i32>} : memref<80x128xf32, #tpu.memory_space<vmem>>, vector<1x16xf32>,
      %get3A_215 = arith.index_cast %add3A_178 : i32 to index
      %get3A_216 = arith.constant 64 : index
      %get3A_217 = tpu.vector_load %arg12[%get3A_215, %get3A_216] {strides = array<i32>} : memref<80x128xf32, #tpu.memory_space<vmem>>, vector<1x16xf32>,
      %get3A_218 = vector.shape_cast %get3A_217 : vector<1x16xf32> to vector<16xf32>
      %swap3A_219 = arith.index_cast %add3A_178 : i32 to index
      %swap3A_220 = arith.constant 64 : index
      %swap3A_221 = tpu.vector_load %arg9[%swap3A_219, %swap3A_220] {strides = array<i32>} : memref<80x128xf32, #tpu.memory_space<vmem>>, vector<1x16xf32>,
      %swap3A_222 = vector.shape_cast %swap3A_221 : vector<1x16xf32> to vector<16xf32>
      %swap3A_223 = vector.shape_cast %get3A_218 : vector<16xf32> to vector<1x16xf32>
      tpu.vector_store %arg9[%swap3A_219, %swap3A_220], %swap3A_223 {add = true, strides = array<i32>} : memref<80x128xf32, #tpu.memory_space<vmem>>, vector<1x16xf32>,
      %get3A_224 = arith.index_cast %add3A_178 : i32 to index
      %get3A_225 = arith.constant 80 : index
      %get3A_226 = tpu.vector_load %arg12[%get3A_224, %get3A_225] {strides = array<i32>} : memref<80x128xf32, #tpu.memory_space<vmem>>, vector<1x16xf32>,
      %get3A_227 = vector.shape_cast %get3A_226 : vector<1x16xf32> to vector<16xf32>
      %swap3A_228 = arith.index_cast %add3A_178 : i32 to index
      %swap3A_229 = arith.constant 80 : index
      %swap3A_230 = tpu.vector_load %arg9[%swap3A_228, %swap3A_229] {strides = array<i32>} : memref<80x128xf32, #tpu.memory_space<vmem>>, vector<1x16xf32>,
      %swap3A_231 = vector.shape_cast %swap3A_230 : vector<1x16xf32> to vector<16xf32>
      %swap3A_232 = vector.shape_cast %get3A_227 : vector<16xf32> to vector<1x16xf32>
      tpu.vector_store %arg9[%swap3A_228, %swap3A_229], %swap3A_232 {add = true, strides = array<i32>} : memref<80x128xf32, #tpu.memory_space<vmem>>, vector<1x16xf32>,
      %get3A_233 = arith.index_cast %add3A_178 : i32 to index
      %get3A_234 = arith.constant 96 : index
      %get3A_235 = tpu.vector_load %arg12[%get3A_233, %get3A_234] {strides = array<i32>} : memref<80x128xf32, #tpu.memory_space<vmem>>, vector<1x16xf32>,
      %get3A_236 = vector.shape_cast %get3A_235 : vector<1x16xf32> to vector<16xf32>
      %swap3A_237 = arith.index_cast %add3A_178 : i32 to index
      %swap3A_238 = arith.constant 96 : index
      %swap3A_239 = tpu.vector_load %arg9[%swap3A_237, %swap3A_238] {strides = array<i32>} : memref<80x128xf32, #tpu.memory_space<vmem>>, vector<1x16xf32>,
      %swap3A_240 = vector.shape_cast %swap3A_239 : vector<1x16xf32> to vector<16xf32>
      %swap3A_241 = vector.shape_cast %get3A_236 : vector<16xf32> to vector<1x16xf32>
      tpu.vector_store %arg9[%swap3A_237, %swap3A_238], %swap3A_241 {add = true, strides = array<i32>} : memref<80x128xf32, #tpu.memory_space<vmem>>, vector<1x16xf32>,
      %get3A_242 = arith.index_cast %add3A_178 : i32 to index
      %get3A_243 = arith.constant 112 : index
      %get3A_244 = tpu.vector_load %arg12[%get3A_242, %get3A_243] {strides = array<i32>} : memref<80x128xf32, #tpu.memory_space<vmem>>, vector<1x16xf32>,
      %get3A_245 = vector.shape_cast %get3A_244 : vector<1x16xf32> to vector<16xf32>
      %swap3A_246 = arith.index_cast %add3A_178 : i32 to index
      %swap3A_247 = arith.constant 112 : index
      %swap3A_248 = tpu.vector_load %arg9[%swap3A_246, %swap3A_247] {strides = array<i32>} : memref<80x128xf32, #tpu.memory_space<vmem>>, vector<1x16xf32>,
      %swap3A_249 = vector.shape_cast %swap3A_248 : vector<1x16xf32> to vector<16xf32>
      %swap3A_250 = vector.shape_cast %get3A_245 : vector<16xf32> to vector<1x16xf32>
      tpu.vector_store %arg9[%swap3A_246, %swap3A_247], %swap3A_250 {add = true, strides = array<i32>} : memref<80x128xf32, #tpu.memory_space<vmem>>, vector<1x16xf32>,
    }
    %scan3A_46 = arith.constant 40 : i32
    %add3A_47 = arith.constant 9840 : i32
    %add3A_48 = arith.addi %mul3A_2, %add3A_47 : i32
    %multiple_of3A_49 = tpu.assume_multiple %add3A_48, 8 : i32
    %dma_start3A_50 = arith.constant 0 : i32
    %dma_start3A_51 = tpu.memref_slice %arg6[%multiple_of3A_49, %dma_start3A_50] : memref<320000x128xf32, #tpu.memory_space<hbm>> -> memref<80x128xf32, #tpu.memory_space<hbm>>
    %dma_start3A_52 = arith.constant 0 : i32
    %dma_start3A_53 = tpu.memref_slice %arg6[%multiple_of3A_49, %dma_start3A_52] : memref<320000x128xf32, #tpu.memory_space<hbm>> -> memref<80x128xf32, #tpu.memory_space<hbm>>
    tpu.enqueue_dma source(%arg9 : memref<80x128xf32, #tpu.memory_space<vmem>>) target(%dma_start3A_53 : memref<80x128xf32, #tpu.memory_space<hbm>>) target_semaphore(%arg21 : memref<!tpu.dma_semaphore, #tpu.memory_space<semaphore_mem>>)
    %multiple_of3A_54 = arith.constant 9920 : i32
    %multiple_of3A_55 = tpu.assume_multiple %multiple_of3A_54, 8 : i32
    %dma_wait3A_56 = tpu.memref_slice %arg7[%multiple_of3A_55] : memref<10000xi32, #tpu.memory_space<vmem>> -> memref<80xi32, #tpu.memory_space<vmem>>
    %dma_wait3A_57 = arith.constant 0 : i32
    %dma_wait3A_58 = arith.constant 0 : i32
    %dma_wait3A_59 = tpu.memref_slice %arg2[%dma_wait3A_57, %dma_wait3A_58] : memref<10000x128xf32, #tpu.memory_space<hbm>> -> memref<10000x128xf32, #tpu.memory_space<hbm>>
    tpu.wait_indirect_dma semaphore(%arg16 : memref<!tpu.dma_semaphore, #tpu.memory_space<semaphore_mem>>) src(%dma_wait3A_59 : memref<10000x128xf32, #tpu.memory_space<hbm>>) dst(%arg10 : memref<80x128xf32, #tpu.memory_space<vmem>>)
    %multiple_of3A_60 = arith.constant 9920 : i32
    %multiple_of3A_61 = tpu.assume_multiple %multiple_of3A_60, 8 : i32
    %dma_wait3A_62 = tpu.memref_slice %arg8[%multiple_of3A_61] : memref<10000xi32, #tpu.memory_space<vmem>> -> memref<80xi32, #tpu.memory_space<vmem>>
    %dma_wait3A_63 = arith.constant 0 : i32
    %dma_wait3A_64 = arith.constant 0 : i32
    %dma_wait3A_65 = tpu.memref_slice %arg3[%dma_wait3A_63, %dma_wait3A_64] : memref<10000x128xf32, #tpu.memory_space<hbm>> -> memref<10000x128xf32, #tpu.memory_space<hbm>>
    tpu.wait_indirect_dma semaphore(%arg19 : memref<!tpu.dma_semaphore, #tpu.memory_space<semaphore_mem>>) src(%dma_wait3A_65 : memref<10000x128xf32, #tpu.memory_space<hbm>>) dst(%arg13 : memref<80x128xf32, #tpu.memory_space<vmem>>)
    %scan3A_66 = arith.constant 0 : i32
    %scan3A_67 = arith.constant 0 : i32
    %scan3A_68 = arith.constant 40 : i32
    %scan3A_69 = arith.addi %scan3A_67, %scan3A_68 : i32
    %scan3A_70 = arith.constant 1 : i32
    scf.for %scan3A_100 = %scan3A_67 to %scan3A_69 step %scan3A_70  : i32 {
      %mul3A_101 = arith.constant 2 : i32
      %mul3A_102 = arith.muli %mul3A_101, %scan3A_100 : i32
      %add3A_103 = arith.constant 0 : i32
      %add3A_104 = arith.addi %mul3A_102, %add3A_103 : i32
      %get3A = arith.index_cast %add3A_104 : i32 to index
      %get3A_105 = arith.constant 0 : index
      %get3A_106 = tpu.vector_load %arg13[%get3A, %get3A_105] {strides = array<i32>} : memref<80x128xf32, #tpu.memory_space<vmem>>, vector<1x16xf32>,
      %get3A_107 = vector.shape_cast %get3A_106 : vector<1x16xf32> to vector<16xf32>
      %swap3A = arith.index_cast %add3A_104 : i32 to index
      %swap3A_108 = arith.constant 0 : index
      %swap3A_109 = tpu.vector_load %arg10[%swap3A, %swap3A_108] {strides = array<i32>} : memref<80x128xf32, #tpu.memory_space<vmem>>, vector<1x16xf32>,
      %swap3A_110 = vector.shape_cast %swap3A_109 : vector<1x16xf32> to vector<16xf32>
      %swap3A_111 = vector.shape_cast %get3A_107 : vector<16xf32> to vector<1x16xf32>
      tpu.vector_store %arg10[%swap3A, %swap3A_108], %swap3A_111 {add = true, strides = array<i32>} : memref<80x128xf32, #tpu.memory_space<vmem>>, vector<1x16xf32>,
      %get3A_112 = arith.index_cast %add3A_104 : i32 to index
      %get3A_113 = arith.constant 16 : index
      %get3A_114 = tpu.vector_load %arg13[%get3A_112, %get3A_113] {strides = array<i32>} : memref<80x128xf32, #tpu.memory_space<vmem>>, vector<1x16xf32>,
      %get3A_115 = vector.shape_cast %get3A_114 : vector<1x16xf32> to vector<16xf32>
      %swap3A_116 = arith.index_cast %add3A_104 : i32 to index
      %swap3A_117 = arith.constant 16 : index
      %swap3A_118 = tpu.vector_load %arg10[%swap3A_116, %swap3A_117] {strides = array<i32>} : memref<80x128xf32, #tpu.memory_space<vmem>>, vector<1x16xf32>,
      %swap3A_119 = vector.shape_cast %swap3A_118 : vector<1x16xf32> to vector<16xf32>
      %swap3A_120 = vector.shape_cast %get3A_115 : vector<16xf32> to vector<1x16xf32>
      tpu.vector_store %arg10[%swap3A_116, %swap3A_117], %swap3A_120 {add = true, strides = array<i32>} : memref<80x128xf32, #tpu.memory_space<vmem>>, vector<1x16xf32>,
      %get3A_121 = arith.index_cast %add3A_104 : i32 to index
      %get3A_122 = arith.constant 32 : index
      %get3A_123 = tpu.vector_load %arg13[%get3A_121, %get3A_122] {strides = array<i32>} : memref<80x128xf32, #tpu.memory_space<vmem>>, vector<1x16xf32>,
      %get3A_124 = vector.shape_cast %get3A_123 : vector<1x16xf32> to vector<16xf32>
      %swap3A_125 = arith.index_cast %add3A_104 : i32 to index
      %swap3A_126 = arith.constant 32 : index
      %swap3A_127 = tpu.vector_load %arg10[%swap3A_125, %swap3A_126] {strides = array<i32>} : memref<80x128xf32, #tpu.memory_space<vmem>>, vector<1x16xf32>,
      %swap3A_128 = vector.shape_cast %swap3A_127 : vector<1x16xf32> to vector<16xf32>
      %swap3A_129 = vector.shape_cast %get3A_124 : vector<16xf32> to vector<1x16xf32>
      tpu.vector_store %arg10[%swap3A_125, %swap3A_126], %swap3A_129 {add = true, strides = array<i32>} : memref<80x128xf32, #tpu.memory_space<vmem>>, vector<1x16xf32>,
      %get3A_130 = arith.index_cast %add3A_104 : i32 to index
      %get3A_131 = arith.constant 48 : index
      %get3A_132 = tpu.vector_load %arg13[%get3A_130, %get3A_131] {strides = array<i32>} : memref<80x128xf32, #tpu.memory_space<vmem>>, vector<1x16xf32>,
      %get3A_133 = vector.shape_cast %get3A_132 : vector<1x16xf32> to vector<16xf32>
      %swap3A_134 = arith.index_cast %add3A_104 : i32 to index
      %swap3A_135 = arith.constant 48 : index
      %swap3A_136 = tpu.vector_load %arg10[%swap3A_134, %swap3A_135] {strides = array<i32>} : memref<80x128xf32, #tpu.memory_space<vmem>>, vector<1x16xf32>,
      %swap3A_137 = vector.shape_cast %swap3A_136 : vector<1x16xf32> to vector<16xf32>
      %swap3A_138 = vector.shape_cast %get3A_133 : vector<16xf32> to vector<1x16xf32>
      tpu.vector_store %arg10[%swap3A_134, %swap3A_135], %swap3A_138 {add = true, strides = array<i32>} : memref<80x128xf32, #tpu.memory_space<vmem>>, vector<1x16xf32>,
      %get3A_139 = arith.index_cast %add3A_104 : i32 to index
      %get3A_140 = arith.constant 64 : index
      %get3A_141 = tpu.vector_load %arg13[%get3A_139, %get3A_140] {strides = array<i32>} : memref<80x128xf32, #tpu.memory_space<vmem>>, vector<1x16xf32>,
      %get3A_142 = vector.shape_cast %get3A_141 : vector<1x16xf32> to vector<16xf32>
      %swap3A_143 = arith.index_cast %add3A_104 : i32 to index
      %swap3A_144 = arith.constant 64 : index
      %swap3A_145 = tpu.vector_load %arg10[%swap3A_143, %swap3A_144] {strides = array<i32>} : memref<80x128xf32, #tpu.memory_space<vmem>>, vector<1x16xf32>,
      %swap3A_146 = vector.shape_cast %swap3A_145 : vector<1x16xf32> to vector<16xf32>
      %swap3A_147 = vector.shape_cast %get3A_142 : vector<16xf32> to vector<1x16xf32>
      tpu.vector_store %arg10[%swap3A_143, %swap3A_144], %swap3A_147 {add = true, strides = array<i32>} : memref<80x128xf32, #tpu.memory_space<vmem>>, vector<1x16xf32>,
      %get3A_148 = arith.index_cast %add3A_104 : i32 to index
      %get3A_149 = arith.constant 80 : index
      %get3A_150 = tpu.vector_load %arg13[%get3A_148, %get3A_149] {strides = array<i32>} : memref<80x128xf32, #tpu.memory_space<vmem>>, vector<1x16xf32>,
      %get3A_151 = vector.shape_cast %get3A_150 : vector<1x16xf32> to vector<16xf32>
      %swap3A_152 = arith.index_cast %add3A_104 : i32 to index
      %swap3A_153 = arith.constant 80 : index
      %swap3A_154 = tpu.vector_load %arg10[%swap3A_152, %swap3A_153] {strides = array<i32>} : memref<80x128xf32, #tpu.memory_space<vmem>>, vector<1x16xf32>,
      %swap3A_155 = vector.shape_cast %swap3A_154 : vector<1x16xf32> to vector<16xf32>
      %swap3A_156 = vector.shape_cast %get3A_151 : vector<16xf32> to vector<1x16xf32>
      tpu.vector_store %arg10[%swap3A_152, %swap3A_153], %swap3A_156 {add = true, strides = array<i32>} : memref<80x128xf32, #tpu.memory_space<vmem>>, vector<1x16xf32>,
      %get3A_157 = arith.index_cast %add3A_104 : i32 to index
      %get3A_158 = arith.constant 96 : index
      %get3A_159 = tpu.vector_load %arg13[%get3A_157, %get3A_158] {strides = array<i32>} : memref<80x128xf32, #tpu.memory_space<vmem>>, vector<1x16xf32>,
      %get3A_160 = vector.shape_cast %get3A_159 : vector<1x16xf32> to vector<16xf32>
      %swap3A_161 = arith.index_cast %add3A_104 : i32 to index
      %swap3A_162 = arith.constant 96 : index
      %swap3A_163 = tpu.vector_load %arg10[%swap3A_161, %swap3A_162] {strides = array<i32>} : memref<80x128xf32, #tpu.memory_space<vmem>>, vector<1x16xf32>,
      %swap3A_164 = vector.shape_cast %swap3A_163 : vector<1x16xf32> to vector<16xf32>
      %swap3A_165 = vector.shape_cast %get3A_160 : vector<16xf32> to vector<1x16xf32>
      tpu.vector_store %arg10[%swap3A_161, %swap3A_162], %swap3A_165 {add = true, strides = array<i32>} : memref<80x128xf32, #tpu.memory_space<vmem>>, vector<1x16xf32>,
      %get3A_166 = arith.index_cast %add3A_104 : i32 to index
      %get3A_167 = arith.constant 112 : index
      %get3A_168 = tpu.vector_load %arg13[%get3A_166, %get3A_167] {strides = array<i32>} : memref<80x128xf32, #tpu.memory_space<vmem>>, vector<1x16xf32>,
      %get3A_169 = vector.shape_cast %get3A_168 : vector<1x16xf32> to vector<16xf32>
      %swap3A_170 = arith.index_cast %add3A_104 : i32 to index
      %swap3A_171 = arith.constant 112 : index
      %swap3A_172 = tpu.vector_load %arg10[%swap3A_170, %swap3A_171] {strides = array<i32>} : memref<80x128xf32, #tpu.memory_space<vmem>>, vector<1x16xf32>,
      %swap3A_173 = vector.shape_cast %swap3A_172 : vector<1x16xf32> to vector<16xf32>
      %swap3A_174 = vector.shape_cast %get3A_169 : vector<16xf32> to vector<1x16xf32>
      tpu.vector_store %arg10[%swap3A_170, %swap3A_171], %swap3A_174 {add = true, strides = array<i32>} : memref<80x128xf32, #tpu.memory_space<vmem>>, vector<1x16xf32>,
      %mul3A_175 = arith.constant 2 : i32
      %mul3A_176 = arith.muli %mul3A_175, %scan3A_100 : i32
      %add3A_177 = arith.constant 1 : i32
      %add3A_178 = arith.addi %mul3A_176, %add3A_177 : i32
      %get3A_179 = arith.index_cast %add3A_178 : i32 to index
      %get3A_180 = arith.constant 0 : index
      %get3A_181 = tpu.vector_load %arg13[%get3A_179, %get3A_180] {strides = array<i32>} : memref<80x128xf32, #tpu.memory_space<vmem>>, vector<1x16xf32>,
      %get3A_182 = vector.shape_cast %get3A_181 : vector<1x16xf32> to vector<16xf32>
      %swap3A_183 = arith.index_cast %add3A_178 : i32 to index
      %swap3A_184 = arith.constant 0 : index
      %swap3A_185 = tpu.vector_load %arg10[%swap3A_183, %swap3A_184] {strides = array<i32>} : memref<80x128xf32, #tpu.memory_space<vmem>>, vector<1x16xf32>,
      %swap3A_186 = vector.shape_cast %swap3A_185 : vector<1x16xf32> to vector<16xf32>
      %swap3A_187 = vector.shape_cast %get3A_182 : vector<16xf32> to vector<1x16xf32>
      tpu.vector_store %arg10[%swap3A_183, %swap3A_184], %swap3A_187 {add = true, strides = array<i32>} : memref<80x128xf32, #tpu.memory_space<vmem>>, vector<1x16xf32>,
      %get3A_188 = arith.index_cast %add3A_178 : i32 to index
      %get3A_189 = arith.constant 16 : index
      %get3A_190 = tpu.vector_load %arg13[%get3A_188, %get3A_189] {strides = array<i32>} : memref<80x128xf32, #tpu.memory_space<vmem>>, vector<1x16xf32>,
      %get3A_191 = vector.shape_cast %get3A_190 : vector<1x16xf32> to vector<16xf32>
      %swap3A_192 = arith.index_cast %add3A_178 : i32 to index
      %swap3A_193 = arith.constant 16 : index
      %swap3A_194 = tpu.vector_load %arg10[%swap3A_192, %swap3A_193] {strides = array<i32>} : memref<80x128xf32, #tpu.memory_space<vmem>>, vector<1x16xf32>,
      %swap3A_195 = vector.shape_cast %swap3A_194 : vector<1x16xf32> to vector<16xf32>
      %swap3A_196 = vector.shape_cast %get3A_191 : vector<16xf32> to vector<1x16xf32>
      tpu.vector_store %arg10[%swap3A_192, %swap3A_193], %swap3A_196 {add = true, strides = array<i32>} : memref<80x128xf32, #tpu.memory_space<vmem>>, vector<1x16xf32>,
      %get3A_197 = arith.index_cast %add3A_178 : i32 to index
      %get3A_198 = arith.constant 32 : index
      %get3A_199 = tpu.vector_load %arg13[%get3A_197, %get3A_198] {strides = array<i32>} : memref<80x128xf32, #tpu.memory_space<vmem>>, vector<1x16xf32>,
      %get3A_200 = vector.shape_cast %get3A_199 : vector<1x16xf32> to vector<16xf32>
      %swap3A_201 = arith.index_cast %add3A_178 : i32 to index
      %swap3A_202 = arith.constant 32 : index
      %swap3A_203 = tpu.vector_load %arg10[%swap3A_201, %swap3A_202] {strides = array<i32>} : memref<80x128xf32, #tpu.memory_space<vmem>>, vector<1x16xf32>,
      %swap3A_204 = vector.shape_cast %swap3A_203 : vector<1x16xf32> to vector<16xf32>
      %swap3A_205 = vector.shape_cast %get3A_200 : vector<16xf32> to vector<1x16xf32>
      tpu.vector_store %arg10[%swap3A_201, %swap3A_202], %swap3A_205 {add = true, strides = array<i32>} : memref<80x128xf32, #tpu.memory_space<vmem>>, vector<1x16xf32>,
      %get3A_206 = arith.index_cast %add3A_178 : i32 to index
      %get3A_207 = arith.constant 48 : index
      %get3A_208 = tpu.vector_load %arg13[%get3A_206, %get3A_207] {strides = array<i32>} : memref<80x128xf32, #tpu.memory_space<vmem>>, vector<1x16xf32>,
      %get3A_209 = vector.shape_cast %get3A_208 : vector<1x16xf32> to vector<16xf32>
      %swap3A_210 = arith.index_cast %add3A_178 : i32 to index
      %swap3A_211 = arith.constant 48 : index
      %swap3A_212 = tpu.vector_load %arg10[%swap3A_210, %swap3A_211] {strides = array<i32>} : memref<80x128xf32, #tpu.memory_space<vmem>>, vector<1x16xf32>,
      %swap3A_213 = vector.shape_cast %swap3A_212 : vector<1x16xf32> to vector<16xf32>
      %swap3A_214 = vector.shape_cast %get3A_209 : vector<16xf32> to vector<1x16xf32>
      tpu.vector_store %arg10[%swap3A_210, %swap3A_211], %swap3A_214 {add = true, strides = array<i32>} : memref<80x128xf32, #tpu.memory_space<vmem>>, vector<1x16xf32>,
      %get3A_215 = arith.index_cast %add3A_178 : i32 to index
      %get3A_216 = arith.constant 64 : index
      %get3A_217 = tpu.vector_load %arg13[%get3A_215, %get3A_216] {strides = array<i32>} : memref<80x128xf32, #tpu.memory_space<vmem>>, vector<1x16xf32>,
      %get3A_218 = vector.shape_cast %get3A_217 : vector<1x16xf32> to vector<16xf32>
      %swap3A_219 = arith.index_cast %add3A_178 : i32 to index
      %swap3A_220 = arith.constant 64 : index
      %swap3A_221 = tpu.vector_load %arg10[%swap3A_219, %swap3A_220] {strides = array<i32>} : memref<80x128xf32, #tpu.memory_space<vmem>>, vector<1x16xf32>,
      %swap3A_222 = vector.shape_cast %swap3A_221 : vector<1x16xf32> to vector<16xf32>
      %swap3A_223 = vector.shape_cast %get3A_218 : vector<16xf32> to vector<1x16xf32>
      tpu.vector_store %arg10[%swap3A_219, %swap3A_220], %swap3A_223 {add = true, strides = array<i32>} : memref<80x128xf32, #tpu.memory_space<vmem>>, vector<1x16xf32>,
      %get3A_224 = arith.index_cast %add3A_178 : i32 to index
      %get3A_225 = arith.constant 80 : index
      %get3A_226 = tpu.vector_load %arg13[%get3A_224, %get3A_225] {strides = array<i32>} : memref<80x128xf32, #tpu.memory_space<vmem>>, vector<1x16xf32>,
      %get3A_227 = vector.shape_cast %get3A_226 : vector<1x16xf32> to vector<16xf32>
      %swap3A_228 = arith.index_cast %add3A_178 : i32 to index
      %swap3A_229 = arith.constant 80 : index
      %swap3A_230 = tpu.vector_load %arg10[%swap3A_228, %swap3A_229] {strides = array<i32>} : memref<80x128xf32, #tpu.memory_space<vmem>>, vector<1x16xf32>,
      %swap3A_231 = vector.shape_cast %swap3A_230 : vector<1x16xf32> to vector<16xf32>
      %swap3A_232 = vector.shape_cast %get3A_227 : vector<16xf32> to vector<1x16xf32>
      tpu.vector_store %arg10[%swap3A_228, %swap3A_229], %swap3A_232 {add = true, strides = array<i32>} : memref<80x128xf32, #tpu.memory_space<vmem>>, vector<1x16xf32>,
      %get3A_233 = arith.index_cast %add3A_178 : i32 to index
      %get3A_234 = arith.constant 96 : index
      %get3A_235 = tpu.vector_load %arg13[%get3A_233, %get3A_234] {strides = array<i32>} : memref<80x128xf32, #tpu.memory_space<vmem>>, vector<1x16xf32>,
      %get3A_236 = vector.shape_cast %get3A_235 : vector<1x16xf32> to vector<16xf32>
      %swap3A_237 = arith.index_cast %add3A_178 : i32 to index
      %swap3A_238 = arith.constant 96 : index
      %swap3A_239 = tpu.vector_load %arg10[%swap3A_237, %swap3A_238] {strides = array<i32>} : memref<80x128xf32, #tpu.memory_space<vmem>>, vector<1x16xf32>,
      %swap3A_240 = vector.shape_cast %swap3A_239 : vector<1x16xf32> to vector<16xf32>
      %swap3A_241 = vector.shape_cast %get3A_236 : vector<16xf32> to vector<1x16xf32>
      tpu.vector_store %arg10[%swap3A_237, %swap3A_238], %swap3A_241 {add = true, strides = array<i32>} : memref<80x128xf32, #tpu.memory_space<vmem>>, vector<1x16xf32>,
      %get3A_242 = arith.index_cast %add3A_178 : i32 to index
      %get3A_243 = arith.constant 112 : index
      %get3A_244 = tpu.vector_load %arg13[%get3A_242, %get3A_243] {strides = array<i32>} : memref<80x128xf32, #tpu.memory_space<vmem>>, vector<1x16xf32>,
      %get3A_245 = vector.shape_cast %get3A_244 : vector<1x16xf32> to vector<16xf32>
      %swap3A_246 = arith.index_cast %add3A_178 : i32 to index
      %swap3A_247 = arith.constant 112 : index
      %swap3A_248 = tpu.vector_load %arg10[%swap3A_246, %swap3A_247] {strides = array<i32>} : memref<80x128xf32, #tpu.memory_space<vmem>>, vector<1x16xf32>,
      %swap3A_249 = vector.shape_cast %swap3A_248 : vector<1x16xf32> to vector<16xf32>
      %swap3A_250 = vector.shape_cast %get3A_245 : vector<16xf32> to vector<1x16xf32>
      tpu.vector_store %arg10[%swap3A_246, %swap3A_247], %swap3A_250 {add = true, strides = array<i32>} : memref<80x128xf32, #tpu.memory_space<vmem>>, vector<1x16xf32>,
    }
    %scan3A_71 = arith.constant 40 : i32
    %add3A_72 = arith.constant 9920 : i32
    %add3A_73 = arith.addi %mul3A_2, %add3A_72 : i32
    %multiple_of3A_74 = tpu.assume_multiple %add3A_73, 8 : i32
    %dma_start3A_75 = arith.constant 0 : i32
    %dma_start3A_76 = tpu.memref_slice %arg6[%multiple_of3A_74, %dma_start3A_75] : memref<320000x128xf32, #tpu.memory_space<hbm>> -> memref<80x128xf32, #tpu.memory_space<hbm>>
    %dma_start3A_77 = arith.constant 0 : i32
    %dma_start3A_78 = tpu.memref_slice %arg6[%multiple_of3A_74, %dma_start3A_77] : memref<320000x128xf32, #tpu.memory_space<hbm>> -> memref<80x128xf32, #tpu.memory_space<hbm>>
    tpu.enqueue_dma source(%arg10 : memref<80x128xf32, #tpu.memory_space<vmem>>) target(%dma_start3A_78 : memref<80x128xf32, #tpu.memory_space<hbm>>) target_semaphore(%arg22 : memref<!tpu.dma_semaphore, #tpu.memory_space<semaphore_mem>>)
    %add3A_79 = arith.constant 9760 : i32
    %add3A_80 = arith.addi %mul3A_2, %add3A_79 : i32
    %multiple_of3A_81 = tpu.assume_multiple %add3A_80, 8 : i32
    %dma_wait3A_82 = arith.constant 0 : i32
    %dma_wait3A_83 = tpu.memref_slice %arg6[%multiple_of3A_81, %dma_wait3A_82] : memref<320000x128xf32, #tpu.memory_space<hbm>> -> memref<80x128xf32, #tpu.memory_space<hbm>>
    %dma_wait3A_84 = arith.constant 0 : i32
    %dma_wait3A_85 = tpu.memref_slice %arg6[%multiple_of3A_81, %dma_wait3A_84] : memref<320000x128xf32, #tpu.memory_space<hbm>> -> memref<80x128xf32, #tpu.memory_space<hbm>>
    tpu.wait_dma2 semaphore(%arg23 : memref<!tpu.dma_semaphore, #tpu.memory_space<semaphore_mem>>) src(%arg11 : memref<80x128xf32, #tpu.memory_space<vmem>>) dst(%dma_wait3A_85 : memref<80x128xf32, #tpu.memory_space<hbm>>)
    %add3A_86 = arith.constant 9840 : i32
    %add3A_87 = arith.addi %mul3A_2, %add3A_86 : i32
    %multiple_of3A_88 = tpu.assume_multiple %add3A_87, 8 : i32
    %dma_wait3A_89 = arith.constant 0 : i32
    %dma_wait3A_90 = tpu.memref_slice %arg6[%multiple_of3A_88, %dma_wait3A_89] : memref<320000x128xf32, #tpu.memory_space<hbm>> -> memref<80x128xf32, #tpu.memory_space<hbm>>
    %dma_wait3A_91 = arith.constant 0 : i32
    %dma_wait3A_92 = tpu.memref_slice %arg6[%multiple_of3A_88, %dma_wait3A_91] : memref<320000x128xf32, #tpu.memory_space<hbm>> -> memref<80x128xf32, #tpu.memory_space<hbm>>
    tpu.wait_dma2 semaphore(%arg21 : memref<!tpu.dma_semaphore, #tpu.memory_space<semaphore_mem>>) src(%arg9 : memref<80x128xf32, #tpu.memory_space<vmem>>) dst(%dma_wait3A_92 : memref<80x128xf32, #tpu.memory_space<hbm>>)
    %add3A_93 = arith.constant 9920 : i32
    %add3A_94 = arith.addi %mul3A_2, %add3A_93 : i32
    %multiple_of3A_95 = tpu.assume_multiple %add3A_94, 8 : i32
    %dma_wait3A_96 = arith.constant 0 : i32
    %dma_wait3A_97 = tpu.memref_slice %arg6[%multiple_of3A_95, %dma_wait3A_96] : memref<320000x128xf32, #tpu.memory_space<hbm>> -> memref<80x128xf32, #tpu.memory_space<hbm>>
    %dma_wait3A_98 = arith.constant 0 : i32
    %dma_wait3A_99 = tpu.memref_slice %arg6[%multiple_of3A_95, %dma_wait3A_98] : memref<320000x128xf32, #tpu.memory_space<hbm>> -> memref<80x128xf32, #tpu.memory_space<hbm>>
    tpu.wait_dma2 semaphore(%arg22 : memref<!tpu.dma_semaphore, #tpu.memory_space<semaphore_mem>>) src(%arg10 : memref<80x128xf32, #tpu.memory_space<vmem>>) dst(%dma_wait3A_99 : memref<80x128xf32, #tpu.memory_space<hbm>>)
    return
  }
}

module attributes {stable_mosaic.version = 14 : i64} {
  func.func @_p0_body(%arg0: memref<10000x128xf32, #tpu.memory_space<vmem>>, %arg1: memref<128x320xf32, #tpu.memory_space<vmem>>, %arg2: memref<10000x128xf32, #tpu.memory_space<vmem>>, %arg3: memref<10000x128xf32, #tpu.memory_space<vmem>>, %arg4: memref<10000x64xf32, #tpu.memory_space<vmem>>) attributes {dimension_semantics = [], scalar_prefetch = 0 : i64, scratch_operands = 0 : i64, tpu.core_type = #tpu.core_type<tc>} {
    %get3A = arith.constant 0 : index
    %get3A_0 = arith.constant 0 : index
    %get3A_1 = vector.load %arg0[%get3A, %get3A_0] : memref<10000x128xf32, #tpu.memory_space<vmem>>, vector<10000x128xf32>
    %get3A_2 = arith.constant 0 : index
    %get3A_3 = arith.constant 0 : index
    %get3A_4 = vector.load %arg1[%get3A_2, %get3A_3] : memref<128x320xf32, #tpu.memory_space<vmem>>, vector<128x320xf32>
    %dot_general3A = arith.constant dense<0.000000e+00> : vector<10000x320xf32>
    %dot_general3A_5 = tpu.matmul %get3A_1, %get3A_4, %dot_general3A {dimension_numbers = #tpu.dot_dimension_numbers<[1], [0], [0], [1], [0, 0, 1, 1], [], []>, transpose_lhs_hint = false} : vector<10000x128xf32>, vector<128x320xf32>, vector<10000x320xf32> -> vector<10000x320xf32>
    %slice3A = vector.extract_strided_slice %dot_general3A_5 {offsets = [0, 0], sizes = [10000, 128], strides = [1, 1]} : vector<10000x320xf32> to vector<10000x128xf32>
    %swap3A = arith.constant 0 : index
    %swap3A_6 = arith.constant 0 : index
    %swap3A_7 = vector.load %arg2[%swap3A, %swap3A_6] : memref<10000x128xf32, #tpu.memory_space<vmem>>, vector<10000x128xf32>
    tpu.vector_store %arg2[%swap3A, %swap3A_6], %slice3A {strides = array<i32>} : memref<10000x128xf32, #tpu.memory_space<vmem>>, vector<10000x128xf32>,
    %slice3A_8 = vector.extract_strided_slice %dot_general3A_5 {offsets = [0, 128], sizes = [10000, 128], strides = [1, 1]} : vector<10000x320xf32> to vector<10000x128xf32>
    %swap3A_9 = arith.constant 0 : index
    %swap3A_10 = arith.constant 0 : index
    %swap3A_11 = vector.load %arg3[%swap3A_9, %swap3A_10] : memref<10000x128xf32, #tpu.memory_space<vmem>>, vector<10000x128xf32>
    tpu.vector_store %arg3[%swap3A_9, %swap3A_10], %slice3A_8 {strides = array<i32>} : memref<10000x128xf32, #tpu.memory_space<vmem>>, vector<10000x128xf32>,
    %slice3A_12 = vector.extract_strided_slice %dot_general3A_5 {offsets = [0, 256], sizes = [10000, 64], strides = [1, 1]} : vector<10000x320xf32> to vector<10000x64xf32>
    %swap3A_13 = arith.constant 0 : index
    %swap3A_14 = arith.constant 0 : index
    %swap3A_15 = vector.load %arg4[%swap3A_13, %swap3A_14] : memref<10000x64xf32, #tpu.memory_space<vmem>>, vector<10000x64xf32>
    tpu.vector_store %arg4[%swap3A_13, %swap3A_14], %slice3A_12 {strides = array<i32>} : memref<10000x64xf32, #tpu.memory_space<vmem>>, vector<10000x64xf32>,
    return
  }
}

module attributes {stable_mosaic.version = 14 : i64} {
  func.func @_p2_body(%arg0: i32, %arg1: memref<2560x128xf32, #tpu.memory_space<vmem>>, %arg2: memref<2560x16xf32, #tpu.memory_space<vmem>>, %arg3: memref<16x128xf32, #tpu.memory_space<vmem>>, %arg4: memref<1x128xf32, #tpu.memory_space<vmem>>, %arg5: memref<64x1xf32, #tpu.memory_space<vmem>>, %arg6: memref<1x1xf32, #tpu.memory_space<vmem>>, %arg7: memref<2560x80xf32, #tpu.memory_space<vmem>>) attributes {dimension_semantics = [#tpu.dimension_semantics<arbitrary>], iteration_bounds = array<i64: 125>, scalar_prefetch = 0 : i64, scratch_operands = 0 : i64, tpu.core_type = #tpu.core_type<tc>, window_params = [{transform_indices = @transform_0, window_bounds = array<i64: 2560, 128>}, {transform_indices = @transform_1, window_bounds = array<i64: 2560, 16>}, {pipeline_mode = #tpu.pipeline_mode<synchronous>, transform_indices = @transform_2, window_bounds = array<i64: 16, 128>}, {pipeline_mode = #tpu.pipeline_mode<synchronous>, transform_indices = @transform_3, window_bounds = array<i64: 1, 128>}, {pipeline_mode = #tpu.pipeline_mode<synchronous>, transform_indices = @transform_4, window_bounds = array<i64: 64, 1>}, {pipeline_mode = #tpu.pipeline_mode<synchronous>, transform_indices = @transform_5, window_bounds = array<i64: 1, 1>}, {transform_indices = @transform_6, window_bounds = array<i64: 2560, 80>}]} {
    %get3A = arith.constant 0 : index
    %get3A_0 = arith.constant 0 : index
    %get3A_1 = vector.load %arg1[%get3A, %get3A_0] : memref<2560x128xf32, #tpu.memory_space<vmem>>, vector<2560x128xf32>
    %get3A_2 = arith.constant 0 : index
    %get3A_3 = arith.constant 0 : index
    %get3A_4 = vector.load %arg2[%get3A_2, %get3A_3] : memref<2560x16xf32, #tpu.memory_space<vmem>>, vector<2560x16xf32>
    %get3A_5 = arith.constant 0 : index
    %get3A_6 = arith.constant 0 : index
    %get3A_7 = vector.load %arg3[%get3A_5, %get3A_6] : memref<16x128xf32, #tpu.memory_space<vmem>>, vector<16x128xf32>
    %dot_general3A = arith.constant dense<0.000000e+00> : vector<2560x128xf32>
    %dot_general3A_8 = tpu.matmul %get3A_4, %get3A_7, %dot_general3A {dimension_numbers = #tpu.dot_dimension_numbers<[1], [0], [0], [1], [0, 0, 1, 1], [], []>, transpose_lhs_hint = false} : vector<2560x16xf32>, vector<16x128xf32>, vector<2560x128xf32> -> vector<2560x128xf32>
    %add3A = arith.addf %get3A_1, %dot_general3A_8 : vector<2560x128xf32>
    %get3A_9 = arith.constant 0 : index
    %get3A_10 = arith.constant 0 : index
    %get3A_11 = vector.load %arg4[%get3A_9, %get3A_10] : memref<1x128xf32, #tpu.memory_space<vmem>>, vector<1x128xf32>
    %add3A_12 = vector.broadcast %get3A_11 : vector<1x128xf32> to vector<2560x128xf32>
    %add3A_13 = arith.addf %add3A, %add3A_12 : vector<2560x128xf32>
    %slice3A = vector.extract_strided_slice %add3A_13 {offsets = [0, 0], sizes = [2560, 64], strides = [1, 1]} : vector<2560x128xf32> to vector<2560x64xf32>
    %neg3A = arith.constant 0.000000e+00 : f32
    %neg3A_14 = vector.broadcast %neg3A : f32 to vector<2560x64xf32>
    %neg3A_15 = arith.subf %neg3A_14, %slice3A : vector<2560x64xf32>
    %exp3A = math.exp %neg3A_15 : vector<2560x64xf32>
    %add3A_16 = arith.constant 1.000000e+00 : f32
    %add3A_17 = vector.broadcast %add3A_16 : f32 to vector<2560x64xf32>
    %add3A_18 = arith.addf %add3A_17, %exp3A : vector<2560x64xf32>
    %div3A = arith.constant 1.000000e+00 : f32
    %div3A_19 = vector.broadcast %div3A : f32 to vector<2560x64xf32>
    %div3A_20 = arith.divf %div3A_19, %add3A_18 : vector<2560x64xf32>
    %mul3A = arith.mulf %slice3A, %div3A_20 : vector<2560x64xf32>
    %slice3A_21 = vector.extract_strided_slice %add3A_13 {offsets = [0, 64], sizes = [2560, 64], strides = [1, 1]} : vector<2560x128xf32> to vector<2560x64xf32>
    %neg3A_22 = arith.constant 0.000000e+00 : f32
    %neg3A_23 = vector.broadcast %neg3A_22 : f32 to vector<2560x64xf32>
    %neg3A_24 = arith.subf %neg3A_23, %slice3A_21 : vector<2560x64xf32>
    %exp3A_25 = math.exp %neg3A_24 : vector<2560x64xf32>
    %add3A_26 = arith.constant 1.000000e+00 : f32
    %add3A_27 = vector.broadcast %add3A_26 : f32 to vector<2560x64xf32>
    %add3A_28 = arith.addf %add3A_27, %exp3A_25 : vector<2560x64xf32>
    %div3A_29 = arith.constant 1.000000e+00 : f32
    %div3A_30 = vector.broadcast %div3A_29 : f32 to vector<2560x64xf32>
    %div3A_31 = arith.divf %div3A_30, %add3A_28 : vector<2560x64xf32>
    %mul3A_32 = arith.mulf %slice3A_21, %div3A_31 : vector<2560x64xf32>
    %get3A_33 = arith.constant 0 : index
    %get3A_34 = arith.constant 0 : index
    %get3A_35 = vector.load %arg5[%get3A_33, %get3A_34] : memref<64x1xf32, #tpu.memory_space<vmem>>, vector<64x1xf32>
    %dot_general3A_36 = arith.constant dense<0.000000e+00> : vector<2560x1xf32>
    %dot_general3A_37 = tpu.matmul %mul3A_32, %get3A_35, %dot_general3A_36 {dimension_numbers = #tpu.dot_dimension_numbers<[1], [0], [0], [1], [0, 0, 1, 1], [], []>, transpose_lhs_hint = false} : vector<2560x64xf32>, vector<64x1xf32>, vector<2560x1xf32> -> vector<2560x1xf32>
    %get3A_38 = arith.constant 0 : index
    %get3A_39 = arith.constant 0 : index
    %get3A_40 = vector.load %arg6[%get3A_38, %get3A_39] : memref<1x1xf32, #tpu.memory_space<vmem>>, vector<1x1xf32>
    %add3A_41 = vector.broadcast %get3A_40 : vector<1x1xf32> to vector<2560x1xf32>
    %add3A_42 = arith.addf %dot_general3A_37, %add3A_41 : vector<2560x1xf32>
    %exp3A_43 = math.exp %add3A_42 : vector<2560x1xf32>
    %mul3A_44 = vector.broadcast %exp3A_43 : vector<2560x1xf32> to vector<2560x64xf32>
    %mul3A_45 = arith.mulf %mul3A, %mul3A_44 : vector<2560x64xf32>
    %swap3A = arith.constant 0 : index
    %swap3A_46 = arith.constant 0 : index
    %swap3A_47 = vector.load %arg7[%swap3A, %swap3A_46] : memref<2560x80xf32, #tpu.memory_space<vmem>>, vector<2560x64xf32>
    tpu.vector_store %arg7[%swap3A, %swap3A_46], %mul3A_45 {strides = array<i32>} : memref<2560x80xf32, #tpu.memory_space<vmem>>, vector<2560x64xf32>,
    %swap3A_48 = arith.constant 0 : index
    %swap3A_49 = arith.constant 64 : index
    %swap3A_50 = vector.load %arg7[%swap3A_48, %swap3A_49] : memref<2560x80xf32, #tpu.memory_space<vmem>>, vector<2560x1xf32>
    tpu.vector_store %arg7[%swap3A_48, %swap3A_49], %exp3A_43 {strides = array<i32>} : memref<2560x80xf32, #tpu.memory_space<vmem>>, vector<2560x1xf32>,
    return
  }
  func.func @transform_0(%arg0: i32) -> (i32, i32) {
    %c0_i32 = arith.constant 0 : i32
    %c0_i32_0 = arith.constant 0 : i32
    return %arg0, %c0_i32 : i32, i32
  }
  func.func @transform_1(%arg0: i32) -> (i32, i32) {
    %c0_i32 = arith.constant 0 : i32
    %c0_i32_0 = arith.constant 0 : i32
    return %arg0, %c0_i32 : i32, i32
  }
  func.func @transform_2(%arg0: i32) -> (i32, i32) {
    %c0_i32 = arith.constant 0 : i32
    %c0_i32_0 = arith.constant 0 : i32
    %c0_i32_1 = arith.constant 0 : i32
    return %c0_i32, %c0_i32_0 : i32, i32
  }
  func.func @transform_3(%arg0: i32) -> (i32, i32) {
    %c0_i32 = arith.constant 0 : i32
    %c0_i32_0 = arith.constant 0 : i32
    %c0_i32_1 = arith.constant 0 : i32
    return %c0_i32, %c0_i32_0 : i32, i32
  }
  func.func @transform_4(%arg0: i32) -> (i32, i32) {
    %c0_i32 = arith.constant 0 : i32
    %c0_i32_0 = arith.constant 0 : i32
    %c0_i32_1 = arith.constant 0 : i32
    return %c0_i32, %c0_i32_0 : i32, i32
  }
  func.func @transform_5(%arg0: i32) -> (i32, i32) {
    %c0_i32 = arith.constant 0 : i32
    %c0_i32_0 = arith.constant 0 : i32
    %c0_i32_1 = arith.constant 0 : i32
    return %c0_i32, %c0_i32_0 : i32, i32
  }
  func.func @transform_6(%arg0: i32) -> (i32, i32) {
    %c0_i32 = arith.constant 0 : i32
    %c0_i32_0 = arith.constant 0 : i32
    return %arg0, %c0_i32 : i32, i32
  }
}

module attributes {stable_mosaic.version = 14 : i64} {
  func.func @_p5_body(%arg0: memref<2x10000x80xf32, #tpu.memory_space<vmem>>, %arg1: memref<10000x64xf32, #tpu.memory_space<vmem>>, %arg2: memref<64x64xf32, #tpu.memory_space<vmem>>, %arg3: memref<1x64xf32, #tpu.memory_space<vmem>>, %arg4: memref<64x64xf32, #tpu.memory_space<vmem>>, %arg5: memref<1x64xf32, #tpu.memory_space<vmem>>, %arg6: memref<64x64xf32, #tpu.memory_space<vmem>>, %arg7: memref<1x64xf32, #tpu.memory_space<vmem>>, %arg8: memref<10000x64xf32, #tpu.memory_space<vmem>>) attributes {dimension_semantics = [], scalar_prefetch = 0 : i64, scratch_operands = 0 : i64, tpu.core_type = #tpu.core_type<tc>} {
    %get3A = arith.constant 0 : index
    %get3A_0 = arith.constant 0 : index
    %get3A_1 = arith.constant 0 : index
    %get3A_2 = vector.load %arg0[%get3A, %get3A_0, %get3A_1] : memref<2x10000x80xf32, #tpu.memory_space<vmem>>, vector<1x10000x80xf32>
    %get3A_3 = vector.shape_cast %get3A_2 : vector<1x10000x80xf32> to vector<10000x80xf32>
    %get3A_4 = arith.constant 1 : index
    %get3A_5 = arith.constant 0 : index
    %get3A_6 = arith.constant 0 : index
    %get3A_7 = vector.load %arg0[%get3A_4, %get3A_5, %get3A_6] : memref<2x10000x80xf32, #tpu.memory_space<vmem>>, vector<1x10000x80xf32>
    %get3A_8 = vector.shape_cast %get3A_7 : vector<1x10000x80xf32> to vector<10000x80xf32>
    %add3A = arith.addf %get3A_3, %get3A_8 : vector<10000x80xf32>
    %slice3A = vector.extract_strided_slice %add3A {offsets = [0, 0], sizes = [10000, 64], strides = [1, 1]} : vector<10000x80xf32> to vector<10000x64xf32>
    %slice3A_9 = vector.extract_strided_slice %add3A {offsets = [0, 64], sizes = [10000, 1], strides = [1, 1]} : vector<10000x80xf32> to vector<10000x1xf32>
    %reduce_sum3A = vector.shape_cast %slice3A_9 : vector<10000x1xf32> to vector<1x10000x1xf32>
    %reduce_sum3A_10 = arith.constant dense<0.000000e+00> : vector<1xf32>
    %reduce_sum3A_11 = vector.multi_reduction <add>, %reduce_sum3A, %reduce_sum3A_10 [1, 2] : vector<1x10000x1xf32> to vector<1xf32>
    %reduce_sum3A_12 = vector.shape_cast %reduce_sum3A_11 : vector<1xf32> to vector<1x1x1xf32>
    %reduce_sum3A_13 = vector.extract %reduce_sum3A_12[0, 0, 0] : f32 from vector<1x1x1xf32>
    %div3A = arith.constant 1.000000e+00 : f32
    %div3A_14 = arith.divf %div3A, %reduce_sum3A_13 : f32
    %get3A_15 = arith.constant 0 : index
    %get3A_16 = arith.constant 0 : index
    %get3A_17 = vector.load %arg2[%get3A_15, %get3A_16] : memref<64x64xf32, #tpu.memory_space<vmem>>, vector<64x64xf32>
    %dot_general3A = arith.constant dense<0.000000e+00> : vector<10000x64xf32>
    %dot_general3A_18 = tpu.matmul %slice3A, %get3A_17, %dot_general3A {dimension_numbers = #tpu.dot_dimension_numbers<[1], [0], [0], [1], [0, 0, 1, 1], [], []>, transpose_lhs_hint = false} : vector<10000x64xf32>, vector<64x64xf32>, vector<10000x64xf32> -> vector<10000x64xf32>
    %get3A_19 = arith.constant 0 : index
    %get3A_20 = arith.constant 0 : index
    %get3A_21 = vector.load %arg3[%get3A_19, %get3A_20] : memref<1x64xf32, #tpu.memory_space<vmem>>, vector<1x64xf32>
    %mul3A = vector.broadcast %slice3A_9 : vector<10000x1xf32> to vector<10000x64xf32>
    %mul3A_22 = vector.broadcast %get3A_21 : vector<1x64xf32> to vector<10000x64xf32>
    %mul3A_23 = arith.mulf %mul3A, %mul3A_22 : vector<10000x64xf32>
    %add3A_24 = arith.addf %dot_general3A_18, %mul3A_23 : vector<10000x64xf32>
    %mul3A_25 = vector.broadcast %div3A_14 : f32 to vector<10000x64xf32>
    %mul3A_26 = arith.mulf %add3A_24, %mul3A_25 : vector<10000x64xf32>
    %get3A_27 = arith.constant 0 : index
    %get3A_28 = arith.constant 0 : index
    %get3A_29 = vector.load %arg1[%get3A_27, %get3A_28] : memref<10000x64xf32, #tpu.memory_space<vmem>>, vector<10000x64xf32>
    %get3A_30 = arith.constant 0 : index
    %get3A_31 = arith.constant 0 : index
    %get3A_32 = vector.load %arg4[%get3A_30, %get3A_31] : memref<64x64xf32, #tpu.memory_space<vmem>>, vector<64x64xf32>
    %dot_general3A_33 = arith.constant dense<0.000000e+00> : vector<10000x64xf32>
    %dot_general3A_34 = tpu.matmul %mul3A_26, %get3A_32, %dot_general3A_33 {dimension_numbers = #tpu.dot_dimension_numbers<[1], [0], [0], [1], [0, 0, 1, 1], [], []>, transpose_lhs_hint = false} : vector<10000x64xf32>, vector<64x64xf32>, vector<10000x64xf32> -> vector<10000x64xf32>
    %add3A_35 = arith.addf %get3A_29, %dot_general3A_34 : vector<10000x64xf32>
    %get3A_36 = arith.constant 0 : index
    %get3A_37 = arith.constant 0 : index
    %get3A_38 = vector.load %arg5[%get3A_36, %get3A_37] : memref<1x64xf32, #tpu.memory_space<vmem>>, vector<1x64xf32>
    %add3A_39 = vector.broadcast %get3A_38 : vector<1x64xf32> to vector<10000x64xf32>
    %add3A_40 = arith.addf %add3A_35, %add3A_39 : vector<10000x64xf32>
    %neg3A = arith.constant 0.000000e+00 : f32
    %neg3A_41 = vector.broadcast %neg3A : f32 to vector<10000x64xf32>
    %neg3A_42 = arith.subf %neg3A_41, %add3A_40 : vector<10000x64xf32>
    %exp3A = math.exp %neg3A_42 : vector<10000x64xf32>
    %add3A_43 = arith.constant 1.000000e+00 : f32
    %add3A_44 = vector.broadcast %add3A_43 : f32 to vector<10000x64xf32>
    %add3A_45 = arith.addf %add3A_44, %exp3A : vector<10000x64xf32>
    %div3A_46 = arith.constant 1.000000e+00 : f32
    %div3A_47 = vector.broadcast %div3A_46 : f32 to vector<10000x64xf32>
    %div3A_48 = arith.divf %div3A_47, %add3A_45 : vector<10000x64xf32>
    %mul3A_49 = arith.mulf %add3A_40, %div3A_48 : vector<10000x64xf32>
    %get3A_50 = arith.constant 0 : index
    %get3A_51 = arith.constant 0 : index
    %get3A_52 = vector.load %arg6[%get3A_50, %get3A_51] : memref<64x64xf32, #tpu.memory_space<vmem>>, vector<64x64xf32>
    %dot_general3A_53 = arith.constant dense<0.000000e+00> : vector<10000x64xf32>
    %dot_general3A_54 = tpu.matmul %mul3A_49, %get3A_52, %dot_general3A_53 {dimension_numbers = #tpu.dot_dimension_numbers<[1], [0], [0], [1], [0, 0, 1, 1], [], []>, transpose_lhs_hint = false} : vector<10000x64xf32>, vector<64x64xf32>, vector<10000x64xf32> -> vector<10000x64xf32>
    %get3A_55 = arith.constant 0 : index
    %get3A_56 = arith.constant 0 : index
    %get3A_57 = vector.load %arg7[%get3A_55, %get3A_56] : memref<1x64xf32, #tpu.memory_space<vmem>>, vector<1x64xf32>
    %add3A_58 = vector.broadcast %get3A_57 : vector<1x64xf32> to vector<10000x64xf32>
    %add3A_59 = arith.addf %dot_general3A_54, %add3A_58 : vector<10000x64xf32>
    %swap3A = arith.constant 0 : index
    %swap3A_60 = arith.constant 0 : index
    %swap3A_61 = vector.load %arg8[%swap3A, %swap3A_60] : memref<10000x64xf32, #tpu.memory_space<vmem>>, vector<10000x64xf32>
    tpu.vector_store %arg8[%swap3A, %swap3A_60], %add3A_59 {strides = array<i32>} : memref<10000x64xf32, #tpu.memory_space<vmem>>, vector<10000x64xf32>,
    return
  }
}

</mosaic_0001>

<sc_bundles>
// kernel: kernel.10.cloned.1.call-start
scs
__scs_entry_jumppad:
0x0: {  	(pc) =	sbr.rel $0x88, $3  }
0x1: {  	(tag) =	ssettag $0x0;
	lr =	simm.s32 $0x1  }
0x2: {  	[smem:$0x3F91] =	sst lr;
	_ =	strace $0xD0000000  }
0x3: {  	_ = 	snop  }
0x4: {  	_ = 	snop  }
0x5: {  	_ = 	snop  }
0x6: {  	_ = 	snop  }
0x7: {  	_ = 	snop  }
__scs_overlays_trampoline_lowered:
0x8: {  	[smem:$0x3FA0] =	sst s0  }
0x9: {  	[smem:$0x3FA1] =	sst s1  }
0xa: {  	[smem:$0x3FA2] =	sst s2  }
0xb: {  	[smem:$0x3FA3] =	sst s3  }
0xc: {  	[smem:$0x3FA4] =	sst s4  }
0xd: {  	[smem:$0x3FA5] =	sst s5  }
0xe: {  	[smem:$0x3FA6] =	sst s6  }
0xf: {  	[smem:$0x3FA7] =	sst s7  }
0x10: {  	[smem:$0x3FA8] =	sst s8  }
0x11: {  	[smem:$0x3FA9] =	sst s9;
	s0 =	simm.s32 @!p0 $0x0  }
0x12: {  	s1 =	sld [smem:$0x3F8F];
	s0 =	simm.s32 @p0 $0x1  }
0x13: {  	[smem:$0x3FAA] =	sst s0;
	s0 =	simm.s32 @!p1 $0x0  }
0x14: {  	s2 =	sld [smem:$0x3F8E];
	s0 =	simm.s32 @p1 $0x1  }
0x15: {  	[smem:$0x3FAB] =	sst s0;
	s0 =	simm.s32 @!p2 $0x0  }
0x16: {  	s3 =	sld [smem:$0x3FDB];
	s0 =	simm.s32 @p2 $0x1  }
0x17: {  	s4 =	simm.s32 $0x1BF5;
	[smem:$0x3FAD] =	sst s0  }
0x18: {  	s0 =	sld [smem:$0x3F90];
	_ =	swait.ge [sflag:s4], $0x0  }
0x19: {  	s7 =	sld [smem:$0x3F91]  }
0x1a: {  	s8 =	sadd.s32 $0xFFFFE003, lr  }
0x1b: {  	s9 =	sadd.s32 $0xFFFFFEF7, lr;
	s5 =	simm.s32 $0xFFFFFFFF;
	p2 =	slt.u32 s8, $0xFFFFF086  }
0x1c: {  	p1 =	slt.u32 s9, $0xF7A;
	s5 =	simm.s32 @!p2 $0x0  }
0x1d: {  	s5 =	simm.s32 @p1 $0x1;
	p0 =	seq.s32 s7, s2  }
0x1e: {  	s7 =	smul.u32 @!p0 $0xF7A, s2;
	p2 =	seq.s32 @!p0 s5, $0x0  }
0x1f: {  	s9 =	smul.u32 $0xF7A, s1;
	s8 =	simm.s32 @!p0 $0x1BF5;
	p2 =	por !p2, p0  }
0x20: {  	[sflag:s8] =	ssyncset.s32 @!p0 $0xFFFFF086;
	s6 =	sadd.s32 @!p0 s3, s7;
	s7 =	simm.s32 @!p0 $0x108  }
0x21: {  	s3 =	sadd.s32 s3, s9;
	s6 =	sadd.s32 @!p0 $0x88, s6;
	s7 =	simm.s32 @p2 $0x1082  }
0x22: {  	[simem:s7], [sflag:s8] =	dma.local @!p0 [hbm:s6], $0xF7A  }
0x23: {  	s9 =	sor.u32 $0xD0000000, s2;
	s6 =	simm.s32 $0x108;
	_ =	swait.ge @!p0 [sflag:s8], $0x0  }
0x24: {  	s3 =	sadd.s32 $0x88, s3;
	s6 =	simm.s32 @!p1 $0x1082;
	[sflag:s4] =	ssyncset.s32 $0xFFFFF086  }
0x25: {  	[simem:s6], [sflag:s4] =	dma.local [hbm:s3], $0xF7A  }
0x26: {  	[smem:$0x3F91] =	sst s1;
	(tag) =	ssettag s2;
	_ =	strace s9  }
0x27: {  	s1 =	sld [smem:$0x3FA1]  }
0x28: {  	s2 =	sld [smem:$0x3FA2]  }
0x29: {  	s4 =	sld [smem:$0x3FA4]  }
0x2a: {  	p0 =	seq.s32 s5, $0x0;
	s5 =	sld [smem:$0x3FA5]  }
0x2b: {  	s6 =	sld [smem:$0x3FA6]  }
0x2c: {  	s7 =	sld [smem:$0x3FA7]  }
0x2d: {  	s3 =	simm.s32 $0x108;
	s8 =	sld [smem:$0x3FA8]  }
0x2e: {  	s3 =	simm.s32 @!p0 $0x1082;
	s9 =	sld [smem:$0x3FA9]  }
0x2f: {  	lr =	sadd.s32 s0, s3;
	s0 =	sld [smem:$0x3FA0]  }
0x30: {  	s3 =	sld [smem:$0x3FA3]  }
0x31: {  	[smem:$0x3FAC] =	sst s10  }
0x32: {  	s10 =	sld [smem:$0x3FAA];
	_ =	sdelay $0x3  }
0x33: {  	p0 =	seq.s32 s10, $0x1;
	s10 =	sld [smem:$0x3FAC];
	_ =	sdelay $0x3  }
0x34: {  	[smem:$0x3FAC] =	sst s10  }
0x35: {  	s10 =	sld [smem:$0x3FAB];
	_ =	sdelay $0x3  }
0x36: {  	p1 =	seq.s32 s10, $0x1;
	s10 =	sld [smem:$0x3FAC];
	_ =	sdelay $0x3  }
0x37: {  	[smem:$0x3FAC] =	sst s10  }
0x38: {  	s10 =	sld [smem:$0x3FAD]  }
0x39: {  	_ = 	snop;
	(pc) =	sbr.ind lr, $3  }
0x3a: {  	_ = 	snop  }
0x3b: {  	_ = 	snop  }
0x3c: {  	p2 =	seq.s32 s10, $0x1;
	s10 =	sld [smem:$0x3FAC]  }
0x3d: {  	_ =	shalt  }
0x3e: {  	_ =	shalt  }
0x3f: {  	_ =	shalt  }
0x40: {  	_ =	shalt  }
0x41: {  	_ =	shalt  }
0x42: {  	_ =	shalt  }
0x43: {  	_ =	shalt  }
0x44: {  	_ =	shalt  }
0x45: {  	_ =	shalt  }
0x46: {  	_ =	shalt  }
0x47: {  	_ =	shalt  }
0x48: {  	_ =	shalt  }
0x49: {  	_ =	shalt  }
0x4a: {  	_ =	shalt  }
0x4b: {  	_ =	shalt  }
0x4c: {  	_ =	shalt  }
0x4d: {  	_ =	shalt  }
0x4e: {  	_ =	shalt  }
0x4f: {  	_ =	shalt  }
0x50: {  	_ =	shalt  }
0x51: {  	_ =	shalt  }
0x52: {  	_ =	shalt  }
0x53: {  	_ =	shalt  }
0x54: {  	_ =	shalt  }
0x55: {  	_ =	shalt  }
0x56: {  	_ =	shalt  }
0x57: {  	_ =	shalt  }
0x58: {  	_ =	shalt  }
0x59: {  	_ =	shalt  }
0x5a: {  	_ =	shalt  }
0x5b: {  	_ =	shalt  }
0x5c: {  	_ =	shalt  }
0x5d: {  	_ =	shalt  }
0x5e: {  	_ =	shalt  }
0x5f: {  	_ =	shalt  }
0x60: {  	_ =	shalt  }
0x61: {  	_ =	shalt  }
0x62: {  	_ =	shalt  }
0x63: {  	_ =	shalt  }
0x64: {  	_ =	shalt  }
0x65: {  	_ =	shalt  }
0x66: {  	_ =	shalt  }
0x67: {  	_ =	shalt  }
0x68: {  	_ =	shalt  }
0x69: {  	_ =	shalt  }
0x6a: {  	_ =	shalt  }
0x6b: {  	_ =	shalt  }
0x6c: {  	_ =	shalt  }
0x6d: {  	_ =	shalt  }
0x6e: {  	_ =	shalt  }
0x6f: {  	_ =	shalt  }
0x70: {  	_ =	shalt  }
0x71: {  	_ =	shalt  }
0x72: {  	_ =	shalt  }
0x73: {  	_ =	shalt  }
0x74: {  	_ =	shalt  }
0x75: {  	_ =	shalt  }
0x76: {  	_ =	shalt  }
0x77: {  	_ =	shalt  }
0x78: {  	_ =	shalt  }
0x79: {  	_ =	shalt  }
0x7a: {  	_ =	shalt  }
0x7b: {  	_ =	shalt  }
0x7c: {  	_ =	shalt  }
0x7d: {  	_ =	shalt  }
0x7e: {  	_ =	shalt  }
0x7f: {  	_ =	shalt  }
0x80: {  	_ =	shalt  }
0x81: {  	_ =	shalt  }
0x82: {  	_ =	shalt  }
0x83: {  	_ =	shalt  }
0x84: {  	_ =	shalt  }
0x85: {  	_ =	shalt  }
0x86: {  	_ =	shalt  }
0x87: {  	_ =	shalt  }
.Lfunc_end0:
.L_simem_size_0:
called_computation.1_lowered:
.L_overlay_start_0:
0x88: {  	s2 =	sld [smem:$0x3FD9]  }
0x89: {  	s3 =	sld [smem:$0x3FFE];
	_ =	sdelay $0x1  }
0x8a: {  	s1 =	srdreg.scid  }
0x8b: {  	s0 =	sand.u32 $0x1, s1  }
0x8c: {  	s17 =	sshll.u32 s0, $0xA;
	s2 =	sadd.s32 s3, s2  }
0x8d: {  	s2 =	sadd.s32 s2, s17  }
0x8e: {  	[smem:$0x3FB8] =	sst s2  }
0x8f: {  	_ = 	snop  }
0x90: {  	s2 =	sld [smem:$0x3FC6];
	(tm) =	ssettm $0x1  }
0x91: {  	s18 =	sld [smem:$0x3FFB];
	_ =	sdelay $0x3  }
0x92: {  	_ =	strace s18  }
0x93: {  	s3 =	sld [smem:$0x3FFC];
	_ =	sdelay $0x3  }
0x94: {  	_ =	strace s3  }
0x95: {  	s3 =	sld [smem:$0x3FFD];
	_ =	sdelay $0x3  }
0x96: {  	_ =	strace s3  }
0x97: {  	_ =	strace $0x8FFFFFFF  }
0x98: {  	s19 =	sld [smem:$0x3FDB];
	_ =	sdelay $0x1  }
0x99: {  	s4 =	simm.s32 $_scs_section_size  }
0x9a: {  	s5 =	simm.s32 $_size__tile_overlayer_lowered;
	s6 =	simm.s32 $_tile_overlayer_lowered  }
0x9b: {  	s22 =	simm.s32 $0x1BFF;
	s21 =	sshll.u32 s6, $0x1;
	s3 =	sadd.s32 s4, s19  }
0x9c: {  	s7 =	simm.s32 $0x0;
	s20 =	sshll.u32 s5, $0x1;
	s5 =	sadd.s32 s21, s3  }
0x9d: {  	[timem:s7], [sflag:s22] =	dma.local [hbm:s5], s20  }
0x9e: {  	_ =	swait.ge [sflag:s22], s20  }
0x9f: {  	s4 =	ssub.s32 $0x0, s20;
	[sflag:s22] =	ssyncset.done $0x0  }
0xa0: {  	[sflag:s22] =	ssyncadd.s32 s4;
	_ =	sdelay $0x1  }
0xa1: {  	s23 =	simm.s32 $0x1B8B  }
0xa2: {  	_ =	swait.ge [sflag:s23], $0x1  }
0xa3: {  	[sflag:s23] =	ssyncset.done $0x0  }
0xa4: {  	s25 =	simm.s32 $0x1B8E;
	s24 =	sld [smem:$0x3FFE];
	[sflag:s23] =	ssyncadd.s32 $0xFFFFFFFF  }
0xa5: {  	s26 =	simm.s32 $execute0_lowered;
	[smem:$0x3FD2] =	sst s25  }
0xa6: {  	s5 =	sshll.u32 s26, $0x1;
	_ =	strace $0x80000049;
	[dreg:$0x1] =	wrdreg $0xFFFFFFFF  }
0xa7: {  	s28 =	simm.s32 $_size_execute0_lowered;
	s3 =	sadd.s32 s3, s5;
	[dreg:$0x0] =	wrdreg $0x0  }
0xa8: {  	s5 =	sshll.u32 s28, $0x1;
	[dreg:$0x2] =	wrdreg s3  }
0xa9: {  	[dreg:$0x3] =	wrdreg s5  }
0xaa: {  	[dreg:$0x4] =	wrdreg $0xC0  }
0xab: {  	_ =	task [dreg:s7], $0x5FFFF  }
0xac: {  	[dreg:$0x1] =	wrdreg $0xFFFFFFFF  }
0xad: {  	[dreg:$0x0] =	wrdreg $0x60  }
0xae: {  	[dreg:$0x2] =	wrdreg s24  }
0xaf: {  	[dreg:$0x3] =	wrdreg s2  }
0xb0: {  	[dreg:$0x4] =	wrdreg $0xB5000  }
0xb1: {  	[dreg:$0x5] =	wrdreg $0x9  }
0xb2: {  	_ =	task.clear_ibuf [dreg:s7], $0x6FFFF;
	_ =	strace $0x90000049  }
0xb3: {  	s29 =	simm.s32 $0x9;
	_ =	strace $0x8000004B  }
0xb4: {  	_ =	swait.ge [sflag:s29], $0x1  }
0xb5: {  	[sflag:s29] =	ssyncadd.s32 $0xFFFFFFFF  }
0xb6: {  	_ =	strace $0x9000004B  }
0xb7: {  	_ =	sfence  }
0xb8: {  	s30 =	sld [smem:$0x0];
	_ =	sdelay $0x2  }
0xb9: {  	s31 =	sshll.u32 s1, $0xD;
	s1 =	sshrl.u32 s1, $0x2  }
0xba: {  	s3 =	sand.u32 $0x4000, s31;
	s1 =	sadd.s32 s1, s30  }
0xbb: {  	s0 =	sor.u32 s3, s0;
	s1 =	sshll.u32 s1, $0x11  }
0xbc: {  	s0 =	sor.u32 s1, s0  }
0xbd: {  	s0 =	sadd.s32 $0x8F2B, s0  }
0xbe: {  	[sflag:s0] =	ssyncadd.remote.s32 $0x1  }
0xbf: {  	_ =	sfence.sel $0xFFFF  }
0xc0: {  	[dreg:$0x0] =	wrdreg $0xFFFFFFFF;
	(pc) =	sbr.abs _section_cstart, $3  }
0xc1: {  	[dreg:$0x1] =	wrdreg $0xFFFFFFFF  }
0xc2: {  	_ =	task.clear_ibuf [dreg:s7], $0x2FFFF;
	_ =	strace $0x9FFFFFFF  }
0xc3: {  	(tm) =	ssettm $0x7FFFFFFF  }
tec
execute0_lowered:
.L_overlay_start_1:
0x0: {  	(tag) =	ssettag $0x1  }
0x1: {  	s0 =	rddreg [dreg:$0x0]  }
0x2: {  	s1 =	rddreg [dreg:$0x1]  }
0x3: {  	s2 =	rddreg [dreg:$0x2]  }
0x4: {  	s3 =	simm.s32 $0x0;
	s4 =	srdreg.scid;
	s18 =	stileid.u32  }
0x5: {  	s30 =	simm.s32 $0x5000;
	s31 =	simm.s32 $0x2800;
	s8 =	smul.u32 $0x7D000, s18  }
0x6: {  	s4 =	sand.u32 $0x1, s4;
	s6 =	sadd.s32 $0xA3CC00, s0;
	s13 =	smul.u32 $0x1F400, s18  }
0x7: {  	[smem:$0x7FF] =	sst s3;
	s0 =	sadd.s32 $0x3600, s0;
	s11 =	smul.u32 $0x138800, s4  }
0x8: {  	p0 =	sgt.u32 s18, $0x9;
	_ =	strace $0x8000004A;
	s19 =	smul.u32 $0x271000, s4  }
0x9: {  	s5 =	sshll.u32 s4, $0x4;
	s7 =	ssub.s32 $0x2, s4;
	s4 =	smul.u32 $0x27100, s4  }
0xa: {  	s5 =	sor.u32 s18, s5;
	s9 =	sshrl.u32 s7, $0x1;
	s8 =	sshrl.u32 s8, $0x2  }
0xb: {  	s14 =	sadd.s32 $0x6400, s13;
	s25 =	sadd.s32 $0xC800, s13;
	s10 =	smul.u32 $0x2710, s5  }
0xc: {  	s16 =	sadd.s32 $0x12C00, s13;
	s7 =	ssub.s32 s7, s9;
	s20 =	smul.u32 $0x27100, s5  }
0xd: {  	s5 =	sadd.s32 s8, s2;
	s23 =	sadd.s32 s13, s11;
	s15 =	sadd.s32 s11, s14  }
0xe: {  	s26 =	sadd.s32 s11, s25;
	s17 =	sadd.s32 s11, s16;
	s13 =	sadd.s32 $0x19000, s13  }
0xf: {  	s12 =	sadd.s32 $0x6400, s5;
	s24 =	sshrl.u32 s15, $0x3;
	s17 =	sshrl.u32 s17, $0x3  }
0x10: {  	s11 =	sadd.s32 s11, s13;
	s7 =	smax.u32 s7, $0x1;
	s28 =	sadd.s32 $0x12C00, s5  }
0x11: {  	s29 =	sadd.s32 $0x19000, s5;
	s21 =	sadd.s32 $0x50, s10;
	[dreg:$0x4] =	wrdreg s12  }
0x12: {  	s9 =	sadd.s32 s6, s20;
	s11 =	sshrl.u32 s11, $0x3;
	[dreg:$0x10] =	wrdreg s7  }
0x13: {  	s7 =	simm.s32 $0x50;
	s22 =	sshll.u32 s21, $0x4;
	[dreg:$0x5] =	wrdreg s9  }
0x14: {  	s9 =	sshrl.u32 s10, $0x3;
	s8 =	sshrl.u32 s21, $0x3;
	s10 =	sadd.s32 $0x26C0, s10  }
0x15: {  	s21 =	sadd.s32 s19, s6;
	s12 =	sadd.s32 s6, s22;
	s20 =	sshll.u32 s10, $0x4  }
0x16: {  	s22 =	smul.u32 $0x2710, s18;
	s9 =	sadd.s32 s1, s9;
	[dreg:$0x6] =	wrdreg s12  }
0x17: {  	s8 =	sadd.s32 s1, s8;
	s12 =	sshrl.u32 s23, $0x3;
	[dreg:$0xd] =	wrdreg s9  }
0x18: {  	[dreg:$0xe] =	wrdreg s8;
	s23 =	sshrl.u32 s10, $0x3;
	s9 =	sadd.s32 s25, s2  }
0x19: {  	s10 =	sadd.s32 s16, s2;
	s12 =	sadd.s32 s0, s12;
	s8 =	sadd.s32 s1, s23  }
0x1a: {  	s4 =	sadd.s32 s22, s4;
	s23 =	sshrl.u32 @!p0 s9, $0x3;
	[dreg:$0x7] =	wrdreg s12  }
0x1b: {  	s9 =	simm.s32 $0x4;
	s12 =	sadd.s32 s0, s24;
	[dreg:$0xf] =	wrdreg s8  }
0x1c: {  	s24 =	smul.u32 $0x27100, s18;
	[dreg:$0x8] =	wrdreg s12;
	s12 =	sshrl.u32 s26, $0x3  }
0x1d: {  	s8 =	sadd.s32 s14, s2;
	s25 =	sadd.s32 $0xF0, s4;
	s12 =	sadd.s32 s0, s12  }
0x1e: {  	s26 =	sshrl.u32 s25, $0x3;
	[dreg:$0x9] =	wrdreg s12;
	s12 =	sadd.s32 s0, s17  }
0x1f: {  	s22 =	sshrl.u32 @!p0 s8, $0x3;
	s0 =	sadd.s32 s0, s11;
	[dreg:$0xa] =	wrdreg s12  }
0x20: {  	s8 =	simm.s32 $0x2;
	s11 =	sadd.s32 s13, s2;
	[dreg:$0xb] =	wrdreg s0  }
0x21: {  	s0 =	sadd.s32 s6, s20;
	s20 =	sadd.s32 s26, s1;
	s25 =	sshrl.u32 @!p0 s11, $0x3  }
0x22: {  	s26 =	sadd.s32 $0xC800, s5;
	s6 =	simm.s32 $0x3;
	s11 =	simm.s32 $0x6  }
0x23: {  	s12 =	simm.s32 $0x0;
	[dreg:$0xc] =	wrdreg s0;
	s0 =	sadd.s32 s24, s21  }
0x24: {  	s21 =	sadd.s32 $0xA0, s4;
	s24 =	sshrl.u32 @!p0 s10, $0x3;
	s4 =	simm.s32 $0x1  }
0x25: {  	v0 =	vimm.f32 $0.0e+00;
	s10 =	simm.s32 $0x5;
	s19 =	sadd.s32 $0xF00, s0;
	s0 =	simm.s32 $0x5080  }
.LBB2_1:
0x26: {  	s14 =	simm.s32 $0x200;
	s13 =	simm.s32 $0x0  }
.LBB2_2:
0x27: {  	p1 =	sne.s32 s14, $0x18E00;
	[tilespmem:s13+$0x5140] =	vst v0;
	s15 =	smov.u32 s14;
	s14 =	sadd.s32 $0x200, s14  }
.Ltmp0:
0x28: {  	[tilespmem:s13+$0x5130] =	vst v0;
	(pc) =	sbr.rel @p1 .LBB2_2-.Ltmp0, $4  }
0x29: {  	[tilespmem:s13+$0x5120] =	vst v0  }
0x2a: {  	[tilespmem:s13+$0x5100] =	vst v0  }
0x2b: {  	[tilespmem:s13+$0x5110] =	vst v0  }
0x2c: {  	s13 =	sshra.s32 s15, $0x2  }
0x2d: {  	[tilespmem:s13+$0x5140] =	vst v0  }
0x2e: {  	[tilespmem:s13+$0x5130] =	vst v0  }
0x2f: {  	[tilespmem:s13+$0x5120] =	vst v0  }
0x30: {  	[tilespmem:s13+$0x5100] =	vst v0  }
0x31: {  	[tilespmem:s13+$0x5110] =	vst v0;
	s13 =	simm.s32 @!p0 $0x5100;
	s14 =	simm.s32 @!p0 $0x7  }
0x32: {  	[spmem:s5] =	stream.linear.scatter @!p0 [tilespmem:s13], [sflag:$0x7], $0x6400, $0x38;
	[tilespmem:$0x17850] =	vst v63  }
0x33: {  	_ =	swait.ge @!p0 [sflag:s14], $0x6400  }
0x34: {  	[sflag:s14] =	ssyncset.done @!p0 $0x0  }
0x35: {  	s15 =	rddreg [dreg:$0x4];
	[sflag:s14] =	ssyncadd.s32 @!p0 $0xFFFF9C00  }
0x36: {  	[spmem:s15] =	stream.linear.scatter @!p0 [tilespmem:s13], [sflag:$0x7], $0x6400, $0x38;
	[tilespmem:$0x17850] =	vst v63  }
0x37: {  	_ =	swait.ge @!p0 [sflag:s14], $0x6400  }
0x38: {  	[sflag:s14] =	ssyncset.done @!p0 $0x0  }
0x39: {  	[sflag:s14] =	ssyncadd.s32 @!p0 $0xFFFF9C00  }
0x3a: {  	[spmem:s26] =	stream.linear.scatter @!p0 [tilespmem:s13], [sflag:$0x7], $0x6400, $0x38;
	[tilespmem:$0x17850] =	vst v63  }
0x3b: {  	_ =	swait.ge @!p0 [sflag:s14], $0x6400  }
0x3c: {  	[sflag:s14] =	ssyncset.done @!p0 $0x0  }
0x3d: {  	[sflag:s14] =	ssyncadd.s32 @!p0 $0xFFFF9C00  }
0x3e: {  	[spmem:s28] =	stream.linear.scatter @!p0 [tilespmem:s13], [sflag:$0x7], $0x6400, $0x38;
	[tilespmem:$0x17850] =	vst v63  }
0x3f: {  	_ =	swait.ge @!p0 [sflag:s14], $0x6400  }
0x40: {  	[sflag:s14] =	ssyncset.done @!p0 $0x0  }
0x41: {  	[sflag:s14] =	ssyncadd.s32 @!p0 $0xFFFF9C00  }
0x42: {  	[spmem:s29] =	stream.linear.scatter @!p0 [tilespmem:s13], [sflag:$0x7], $0x6400, $0x38;
	[tilespmem:$0x17850] =	vst v63  }
0x43: {  	_ =	swait.ge @!p0 [sflag:s14], $0x6400  }
0x44: {  	[sflag:s14] =	ssyncset.done @!p0 $0x0  }
0x45: {  	[sflag:s14] =	ssyncadd.s32 @!p0 $0xFFFF9C00  }
0x46: {  	[bflag:$0x0] =	sbarrier.arrive $0xFFFF  }
0x47: {  	s13 =	simm.s32 $0x0;
	s16 =	rddreg [dreg:$0x5]  }
0x48: {  	[tilespmem:s13], [sflag:$0x1] =	stream.linear.gather [hbm4b:s16+s13], $0x2800, $0x38;
	[tilespmem:$0x17850] =	vst v63  }
0x49: {  	s17 =	rddreg [dreg:$0xd]  }
0x4a: {  	[tilespmem:s30], [sflag:$0x3] =	stream.linear.gather [hbm4b:s17+s13], $0x50, $0x38;
	[tilespmem:$0x17850] =	vst v63  }
0x4b: {  	s18 =	rddreg [dreg:$0x6]  }
0x4c: {  	[tilespmem:s31], [sflag:$0x2] =	stream.linear.gather [hbm4b:s18+s13], $0x2800, $0x38;
	[tilespmem:$0x17850] =	vst v63  }
0x4d: {  	s15 =	rddreg [dreg:$0xe]  }
0x4e: {  	[tilespmem:s0], [sflag:$0x4] =	stream.linear.gather [hbm4b:s15+s13], $0x50, $0x38;
	[tilespmem:$0x17850] =	vst v63  }
0x4f: {  	_ =	swait.ge [sflag:s4], $0x2800  }
0x50: {  	[sflag:s4] =	ssyncset.done $0x0  }
0x51: {  	[sflag:s4] =	ssyncadd.s32 $0xFFFFD800  }
0x52: {  	_ =	swait.ge [sflag:s6], $0x50  }
0x53: {  	[sflag:s6] =	ssyncset.done $0x0  }
0x54: {  	[sflag:s6] =	ssyncadd.s32 $0xFFFFFFB0  }
0x55: {  	[spmem:s2] =	stream.indirect.scatter.add.f32 [tilespmem:s3], [sflag:$0x5], $0x50, s30, s7, $0xb8;
	[tilespmem:$0x17850] =	vst v63  }
0x56: {  	_ =	swait.ge [sflag:s8], $0x2800  }
0x57: {  	[sflag:s8] =	ssyncset.done $0x0  }
0x58: {  	[sflag:s8] =	ssyncadd.s32 $0xFFFFD800  }
0x59: {  	_ =	swait.ge [sflag:s9], $0x50  }
0x5a: {  	[sflag:s9] =	ssyncset.done $0x0  }
0x5b: {  	[sflag:s9] =	ssyncadd.s32 $0xFFFFFFB0  }
0x5c: {  	[spmem:s2] =	stream.indirect.scatter.add.f32 [tilespmem:s31], [sflag:$0x6], $0x50, s0, s7, $0xb8;
	[tilespmem:$0x17850] =	vst v63  }
0x5d: {  	_ =	swait.ge [sflag:s10], $0x1900  }
0x5e: {  	[sflag:s10] =	ssyncset.done $0x0  }
0x5f: {  	s16 =	sadd.s32 $0xFFFFFB00, s19;
	s17 =	sshrl.u32 s21, $0x3;
	[sflag:s10] =	ssyncadd.s32 $0xFFFFE700  }
0x60: {  	[tilespmem:s3], [sflag:$0x1] =	stream.linear.gather [hbm4b:s16+s3], $0x2800, $0x38;
	[tilespmem:$0x17850] =	vst v63  }
0x61: {  	s18 =	sadd.s32 s1, s17  }
0x62: {  	[tilespmem:s30], [sflag:$0x3] =	stream.linear.gather [hbm4b:s18+s3], $0x50, $0x38;
	[tilespmem:$0x17850] =	vst v63  }
0x63: {  	_ =	swait.ge [sflag:s11], $0x1900  }
0x64: {  	s14 =	sadd.s32 $0xA00, s19;
	s13 =	simm.s32 $0x14;
	[sflag:s11] =	ssyncset.done $0x0  }
0x65: {  	s15 =	sadd.s32 $0xA0, s21;
	s16 =	sadd.s32 $0x0, s20;
	[sflag:s11] =	ssyncadd.s32 $0xFFFFE700  }
0x66: {  	[tilespmem:s31], [sflag:$0x2] =	stream.linear.gather [hbm4b:s19+s3], $0x2800, $0x38;
	[tilespmem:$0x17850] =	vst v63  }
.LBB2_4:
0x67: {  	[tilespmem:s0], [sflag:$0x4] =	stream.linear.gather [hbm4b:s16+s3], $0x50, $0x38;
	[tilespmem:$0x17850] =	vst v63  }
0x68: {  	s16 =	smov.u32 s13  }
0x69: {  	p1 =	sne.s32 s13, $0x4B0;
	s13 =	sadd.s32 $0x14, s13;
	_ =	swait.ge [sflag:s4], $0x2800  }
0x6a: {  	[sflag:s4] =	ssyncset.done $0x0  }
0x6b: {  	[sflag:s4] =	ssyncadd.s32 $0xFFFFD800  }
0x6c: {  	_ =	swait.ge [sflag:s6], $0x50  }
0x6d: {  	[sflag:s6] =	ssyncset.done $0x0  }
0x6e: {  	[sflag:s6] =	ssyncadd.s32 $0xFFFFFFB0  }
0x6f: {  	[spmem:s2] =	stream.indirect.scatter.add.f32 [tilespmem:s3], [sflag:$0x5], $0x50, s30, s7, $0xb8;
	[tilespmem:$0x17850] =	vst v63  }
0x70: {  	_ =	swait.ge [sflag:s8], $0x2800  }
0x71: {  	[sflag:s8] =	ssyncset.done $0x0  }
0x72: {  	[sflag:s8] =	ssyncadd.s32 $0xFFFFD800  }
0x73: {  	_ =	swait.ge [sflag:s9], $0x50  }
0x74: {  	[sflag:s9] =	ssyncset.done $0x0  }
0x75: {  	[sflag:s9] =	ssyncadd.s32 $0xFFFFFFB0  }
0x76: {  	[spmem:s2] =	stream.indirect.scatter.add.f32 [tilespmem:s31], [sflag:$0x6], $0x50, s0, s7, $0xb8;
	[tilespmem:$0x17850] =	vst v63  }
0x77: {  	_ =	swait.ge [sflag:s10], $0x1900  }
0x78: {  	[sflag:s10] =	ssyncset.done $0x0  }
0x79: {  	s17 =	sadd.s32 $0xFFFFFB00, s14;
	s18 =	sshrl.u32 s15, $0x3;
	[sflag:s10] =	ssyncadd.s32 $0xFFFFE700  }
0x7a: {  	[tilespmem:s3], [sflag:$0x1] =	stream.linear.gather [hbm4b:s17+s3], $0x2800, $0x38;
	[tilespmem:$0x17850] =	vst v63  }
0x7b: {  	s17 =	sadd.s32 s1, s18  }
0x7c: {  	[tilespmem:s30], [sflag:$0x3] =	stream.linear.gather [hbm4b:s17+s3], $0x50, $0x38;
	[tilespmem:$0x17850] =	vst v63  }
.Ltmp1:
0x7d: {  	_ =	swait.ge [sflag:s11], $0x1900;
	(pc) =	sbr.rel @p1 .LBB2_4-.Ltmp1, $4  }
0x7e: {  	[sflag:s11] =	ssyncset.done $0x0  }
0x7f: {  	[sflag:s11] =	ssyncadd.s32 $0xFFFFE700  }
0x80: {  	[tilespmem:s31], [sflag:$0x2] =	stream.linear.gather [hbm4b:s14+s3], $0x2800, $0x38;
	[tilespmem:$0x17850] =	vst v63  }
0x81: {  	s15 =	sadd.s32 $0xA0, s15;
	s16 =	sadd.s32 s16, s20;
	s14 =	sadd.s32 $0xA00, s14  }
0x82: {  	[tilespmem:s0], [sflag:$0x4] =	stream.linear.gather [hbm4b:s16+s3], $0x50, $0x38;
	[tilespmem:$0x17850] =	vst v63  }
0x83: {  	_ =	swait.ge [sflag:s4], $0x2800  }
0x84: {  	[sflag:s4] =	ssyncset.done $0x0  }
0x85: {  	[sflag:s4] =	ssyncadd.s32 $0xFFFFD800  }
0x86: {  	_ =	swait.ge [sflag:s6], $0x50  }
0x87: {  	[sflag:s6] =	ssyncset.done $0x0  }
0x88: {  	[sflag:s6] =	ssyncadd.s32 $0xFFFFFFB0  }
0x89: {  	[spmem:s2] =	stream.indirect.scatter.add.f32 [tilespmem:s3], [sflag:$0x5], $0x50, s30, s7, $0xb8;
	[tilespmem:$0x17850] =	vst v63  }
0x8a: {  	_ =	swait.ge [sflag:s8], $0x2800  }
0x8b: {  	[sflag:s8] =	ssyncset.done $0x0  }
0x8c: {  	[sflag:s8] =	ssyncadd.s32 $0xFFFFD800  }
0x8d: {  	_ =	swait.ge [sflag:s9], $0x50  }
0x8e: {  	[sflag:s9] =	ssyncset.done $0x0  }
0x8f: {  	[sflag:s9] =	ssyncadd.s32 $0xFFFFFFB0  }
0x90: {  	[spmem:s2] =	stream.indirect.scatter.add.f32 [tilespmem:s31], [sflag:$0x6], $0x50, s0, s7, $0xb8;
	[tilespmem:$0x17850] =	vst v63  }
0x91: {  	_ =	swait.ge [sflag:s10], $0x1900  }
0x92: {  	[sflag:s10] =	ssyncset.done $0x0  }
0x93: {  	s13 =	rddreg [dreg:$0xc];
	[sflag:s10] =	ssyncadd.s32 $0xFFFFE700  }
0x94: {  	[tilespmem:s3], [sflag:$0x1] =	stream.linear.gather [hbm4b:s13+s3], $0x2800, $0x38;
	[tilespmem:$0x17850] =	vst v63  }
0x95: {  	s17 =	rddreg [dreg:$0xf]  }
0x96: {  	[tilespmem:s30], [sflag:$0x3] =	stream.linear.gather [hbm4b:s17+s3], $0x50, $0x38;
	[tilespmem:$0x17850] =	vst v63  }
0x97: {  	_ =	swait.ge [sflag:s4], $0x2800  }
0x98: {  	[sflag:s4] =	ssyncset.done $0x0  }
0x99: {  	[sflag:s4] =	ssyncadd.s32 $0xFFFFD800  }
0x9a: {  	_ =	swait.ge [sflag:s6], $0x50  }
0x9b: {  	[sflag:s6] =	ssyncset.done $0x0  }
0x9c: {  	[sflag:s6] =	ssyncadd.s32 $0xFFFFFFB0  }
0x9d: {  	[spmem:s2] =	stream.indirect.scatter.add.f32 [tilespmem:s3], [sflag:$0x5], $0x50, s30, s7, $0xb8;
	[tilespmem:$0x17850] =	vst v63  }
0x9e: {  	_ =	swait.ge [sflag:s10], $0x1900  }
0x9f: {  	[sflag:s10] =	ssyncset.done $0x0  }
0xa0: {  	[sflag:s10] =	ssyncadd.s32 $0xFFFFE700  }
0xa1: {  	_ =	swait.ge [sflag:s11], $0x1900  }
0xa2: {  	[sflag:s11] =	ssyncset.done $0x0  }
0xa3: {  	s13 =	stileid.u32;
	[sflag:s11] =	ssyncadd.s32 $0xFFFFE700  }
0xa4: {  	s13 =	sshll.u32 @!p0 s13, $0x6;
	[bflag:$0x0] =	sbarrier.arrive $0xFFFF  }
0xa5: {  	s14 =	sshrl.u32 @!p0 s5, $0x3;
	s13 =	sor.u32 @!p0 $0x1C07, s13;
	s15 =	rddreg [dreg:$0x7]  }
0xa6: {  	[hbm:s15], [sflag:s13] =	dma.local @!p0 [spmem:s14], $0xC80  }
0xa7: {  	s14 =	simm.s32 @!p0 $0x7  }
0xa8: {  	_ =	swait.ge @!p0 [sflag:s14], $0xC80  }
0xa9: {  	[sflag:s14] =	ssyncset.done @!p0 $0x0  }
0xaa: {  	s15 =	rddreg [dreg:$0x8];
	[sflag:s14] =	ssyncadd.s32 @!p0 $0xFFFFF380  }
0xab: {  	[hbm:s15], [sflag:s13] =	dma.local @!p0 [spmem:s22], $0xC80  }
0xac: {  	_ =	swait.ge @!p0 [sflag:s14], $0xC80  }
0xad: {  	[sflag:s14] =	ssyncset.done @!p0 $0x0  }
0xae: {  	s15 =	rddreg [dreg:$0x9];
	[sflag:s14] =	ssyncadd.s32 @!p0 $0xFFFFF380  }
0xaf: {  	[hbm:s15], [sflag:s13] =	dma.local @!p0 [spmem:s23], $0xC80  }
0xb0: {  	_ =	swait.ge @!p0 [sflag:s14], $0xC80  }
0xb1: {  	[sflag:s14] =	ssyncset.done @!p0 $0x0  }
0xb2: {  	s15 =	rddreg [dreg:$0xa];
	[sflag:s14] =	ssyncadd.s32 @!p0 $0xFFFFF380  }
0xb3: {  	[hbm:s15], [sflag:s13] =	dma.local @!p0 [spmem:s24], $0xC80  }
0xb4: {  	_ =	swait.ge @!p0 [sflag:s14], $0xC80  }
0xb5: {  	[sflag:s14] =	ssyncset.done @!p0 $0x0  }
0xb6: {  	s15 =	rddreg [dreg:$0xb];
	[sflag:s14] =	ssyncadd.s32 @!p0 $0xFFFFF380  }
0xb7: {  	[hbm:s15], [sflag:s13] =	dma.local @!p0 [spmem:s25], $0xC80  }
0xb8: {  	_ =	swait.ge @!p0 [sflag:s14], $0xC80  }
0xb9: {  	s12 =	sadd.s32 $0x1, s12;
	s18 =	rddreg [dreg:$0x10]  }
0xba: {  	p1 =	sne.s32 s12, s18  }
.Ltmp2:
0xbb: {  	_ = 	snop;
	(pc) =	sbr.rel @p1 .LBB2_1-.Ltmp2, $3  }
0xbc: {  	_ =	sdelay $0x1  }
0xbd: {  	[sflag:s14] =	ssyncset.done @!p0 $0x0  }
0xbe: {  	[sflag:s14] =	ssyncadd.s32 @!p0 $0xFFFFF380  }
0xbf: {  	_ =	sfence.sel $0x180000  }
0xc0: {  	[bflag:$0x0] =	sbarrier.arrive $0xFFFF  }
0xc1: {  	_ =	strace $0x9000004A  }
0xc2: {  	s0 =	stileid.u32;
	[bflag:$0x2] =	sbarrier.arrive $0xFFFF  }
0xc3: {  	p0 =	sne.s32 s0, $0x0;
	s0 =	rddreg [dreg:$0x3]  }
0xc4: {  	s0 =	sadd.s32 @!p0 $0x100000, s0  }
0xc5: {  	[sflag:s0] =	ssyncadd.tile.s32 @!p0 $0x1;
	_ =	shalt  }
.Lfunc_end2:
_tile_overlayer_lowered:
.L_overlay_start_2:
0xc6: {  	(tag) =	ssettag $0x2  }
0xc7: {  	s0 =	rddreg [dreg:$0x0];
	s2 =	stileid.u32  }
0xc8: {  	s1 =	rddreg [dreg:$0x1];
	p0 =	sne.s32 s2, $0x0  }
0xc9: {  	s3 =	rddreg [dreg:$0x2];
	[bflag:$0x3] =	sbarrier.arrive $0xFFFF;
	s2 =	simm.s32 @!p0 $0x1C07  }
0xca: {  	[timem:s3], [sflag:s2] =	dma.local @!p0 [hbm:s0], s1  }
0xcb: {  	s0 =	simm.s32 @!p0 $0x7  }
0xcc: {  	_ =	swait.ge @!p0 [sflag:s0], s1  }
0xcd: {  	s1 =	ssub.s32 @!p0 $0x0, s1;
	[sflag:s0] =	ssyncset.done @!p0 $0x0  }
0xce: {  	[sflag:s0] =	ssyncadd.s32 @!p0 s1  }
0xcf: {  	[bflag:$0x3] =	sbarrier.arrive $0xFFFF  }
0xd0: {  	_ =	shalt  }

// kernel: kernel.7.cloned.1.call-start
scs
__scs_entry_jumppad:
0x0: {  	(pc) =	sbr.rel $0x88, $3  }
0x1: {  	(tag) =	ssettag $0x0;
	lr =	simm.s32 $0x1  }
0x2: {  	[smem:$0x3F91] =	sst lr;
	_ =	strace $0xD0000000  }
0x3: {  	_ = 	snop  }
0x4: {  	_ = 	snop  }
0x5: {  	_ = 	snop  }
0x6: {  	_ = 	snop  }
0x7: {  	_ = 	snop  }
__scs_overlays_trampoline_lowered:
0x8: {  	[smem:$0x3FA0] =	sst s0  }
0x9: {  	[smem:$0x3FA1] =	sst s1  }
0xa: {  	[smem:$0x3FA2] =	sst s2  }
0xb: {  	[smem:$0x3FA3] =	sst s3  }
0xc: {  	[smem:$0x3FA4] =	sst s4  }
0xd: {  	[smem:$0x3FA5] =	sst s5  }
0xe: {  	[smem:$0x3FA6] =	sst s6  }
0xf: {  	[smem:$0x3FA7] =	sst s7  }
0x10: {  	[smem:$0x3FA8] =	sst s8  }
0x11: {  	[smem:$0x3FA9] =	sst s9;
	s0 =	simm.s32 @!p0 $0x0  }
0x12: {  	s1 =	sld [smem:$0x3F8F];
	s0 =	simm.s32 @p0 $0x1  }
0x13: {  	[smem:$0x3FAA] =	sst s0;
	s0 =	simm.s32 @!p1 $0x0  }
0x14: {  	s2 =	sld [smem:$0x3F8E];
	s0 =	simm.s32 @p1 $0x1  }
0x15: {  	[smem:$0x3FAB] =	sst s0;
	s0 =	simm.s32 @!p2 $0x0  }
0x16: {  	s3 =	sld [smem:$0x3FDB];
	s0 =	simm.s32 @p2 $0x1  }
0x17: {  	s4 =	simm.s32 $0x1BF5;
	[smem:$0x3FAD] =	sst s0  }
0x18: {  	s0 =	sld [smem:$0x3F90];
	_ =	swait.ge [sflag:s4], $0x0  }
0x19: {  	s7 =	sld [smem:$0x3F91]  }
0x1a: {  	s8 =	sadd.s32 $0xFFFFE003, lr  }
0x1b: {  	s9 =	sadd.s32 $0xFFFFFEF7, lr;
	s5 =	simm.s32 $0xFFFFFFFF;
	p2 =	slt.u32 s8, $0xFFFFF086  }
0x1c: {  	p1 =	slt.u32 s9, $0xF7A;
	s5 =	simm.s32 @!p2 $0x0  }
0x1d: {  	s5 =	simm.s32 @p1 $0x1;
	p0 =	seq.s32 s7, s2  }
0x1e: {  	s7 =	smul.u32 @!p0 $0xF7A, s2;
	p2 =	seq.s32 @!p0 s5, $0x0  }
0x1f: {  	s9 =	smul.u32 $0xF7A, s1;
	s8 =	simm.s32 @!p0 $0x1BF5;
	p2 =	por !p2, p0  }
0x20: {  	[sflag:s8] =	ssyncset.s32 @!p0 $0xFFFFF086;
	s6 =	sadd.s32 @!p0 s3, s7;
	s7 =	simm.s32 @!p0 $0x108  }
0x21: {  	s3 =	sadd.s32 s3, s9;
	s6 =	sadd.s32 @!p0 $0x88, s6;
	s7 =	simm.s32 @p2 $0x1082  }
0x22: {  	[simem:s7], [sflag:s8] =	dma.local @!p0 [hbm:s6], $0xF7A  }
0x23: {  	s9 =	sor.u32 $0xD0000000, s2;
	s6 =	simm.s32 $0x108;
	_ =	swait.ge @!p0 [sflag:s8], $0x0  }
0x24: {  	s3 =	sadd.s32 $0x88, s3;
	s6 =	simm.s32 @!p1 $0x1082;
	[sflag:s4] =	ssyncset.s32 $0xFFFFF086  }
0x25: {  	[simem:s6], [sflag:s4] =	dma.local [hbm:s3], $0xF7A  }
0x26: {  	[smem:$0x3F91] =	sst s1;
	(tag) =	ssettag s2;
	_ =	strace s9  }
0x27: {  	s1 =	sld [smem:$0x3FA1]  }
0x28: {  	s2 =	sld [smem:$0x3FA2]  }
0x29: {  	s4 =	sld [smem:$0x3FA4]  }
0x2a: {  	p0 =	seq.s32 s5, $0x0;
	s5 =	sld [smem:$0x3FA5]  }
0x2b: {  	s6 =	sld [smem:$0x3FA6]  }
0x2c: {  	s7 =	sld [smem:$0x3FA7]  }
0x2d: {  	s3 =	simm.s32 $0x108;
	s8 =	sld [smem:$0x3FA8]  }
0x2e: {  	s3 =	simm.s32 @!p0 $0x1082;
	s9 =	sld [smem:$0x3FA9]  }
0x2f: {  	lr =	sadd.s32 s0, s3;
	s0 =	sld [smem:$0x3FA0]  }
0x30: {  	s3 =	sld [smem:$0x3FA3]  }
0x31: {  	[smem:$0x3FAC] =	sst s10  }
0x32: {  	s10 =	sld [smem:$0x3FAA];
	_ =	sdelay $0x3  }
0x33: {  	p0 =	seq.s32 s10, $0x1;
	s10 =	sld [smem:$0x3FAC];
	_ =	sdelay $0x3  }
0x34: {  	[smem:$0x3FAC] =	sst s10  }
0x35: {  	s10 =	sld [smem:$0x3FAB];
	_ =	sdelay $0x3  }
0x36: {  	p1 =	seq.s32 s10, $0x1;
	s10 =	sld [smem:$0x3FAC];
	_ =	sdelay $0x3  }
0x37: {  	[smem:$0x3FAC] =	sst s10  }
0x38: {  	s10 =	sld [smem:$0x3FAD]  }
0x39: {  	_ = 	snop;
	(pc) =	sbr.ind lr, $3  }
0x3a: {  	_ = 	snop  }
0x3b: {  	_ = 	snop  }
0x3c: {  	p2 =	seq.s32 s10, $0x1;
	s10 =	sld [smem:$0x3FAC]  }
0x3d: {  	_ =	shalt  }
0x3e: {  	_ =	shalt  }
0x3f: {  	_ =	shalt  }
0x40: {  	_ =	shalt  }
0x41: {  	_ =	shalt  }
0x42: {  	_ =	shalt  }
0x43: {  	_ =	shalt  }
0x44: {  	_ =	shalt  }
0x45: {  	_ =	shalt  }
0x46: {  	_ =	shalt  }
0x47: {  	_ =	shalt  }
0x48: {  	_ =	shalt  }
0x49: {  	_ =	shalt  }
0x4a: {  	_ =	shalt  }
0x4b: {  	_ =	shalt  }
0x4c: {  	_ =	shalt  }
0x4d: {  	_ =	shalt  }
0x4e: {  	_ =	shalt  }
0x4f: {  	_ =	shalt  }
0x50: {  	_ =	shalt  }
0x51: {  	_ =	shalt  }
0x52: {  	_ =	shalt  }
0x53: {  	_ =	shalt  }
0x54: {  	_ =	shalt  }
0x55: {  	_ =	shalt  }
0x56: {  	_ =	shalt  }
0x57: {  	_ =	shalt  }
0x58: {  	_ =	shalt  }
0x59: {  	_ =	shalt  }
0x5a: {  	_ =	shalt  }
0x5b: {  	_ =	shalt  }
0x5c: {  	_ =	shalt  }
0x5d: {  	_ =	shalt  }
0x5e: {  	_ =	shalt  }
0x5f: {  	_ =	shalt  }
0x60: {  	_ =	shalt  }
0x61: {  	_ =	shalt  }
0x62: {  	_ =	shalt  }
0x63: {  	_ =	shalt  }
0x64: {  	_ =	shalt  }
0x65: {  	_ =	shalt  }
0x66: {  	_ =	shalt  }
0x67: {  	_ =	shalt  }
0x68: {  	_ =	shalt  }
0x69: {  	_ =	shalt  }
0x6a: {  	_ =	shalt  }
0x6b: {  	_ =	shalt  }
0x6c: {  	_ =	shalt  }
0x6d: {  	_ =	shalt  }
0x6e: {  	_ =	shalt  }
0x6f: {  	_ =	shalt  }
0x70: {  	_ =	shalt  }
0x71: {  	_ =	shalt  }
0x72: {  	_ =	shalt  }
0x73: {  	_ =	shalt  }
0x74: {  	_ =	shalt  }
0x75: {  	_ =	shalt  }
0x76: {  	_ =	shalt  }
0x77: {  	_ =	shalt  }
0x78: {  	_ =	shalt  }
0x79: {  	_ =	shalt  }
0x7a: {  	_ =	shalt  }
0x7b: {  	_ =	shalt  }
0x7c: {  	_ =	shalt  }
0x7d: {  	_ =	shalt  }
0x7e: {  	_ =	shalt  }
0x7f: {  	_ =	shalt  }
0x80: {  	_ =	shalt  }
0x81: {  	_ =	shalt  }
0x82: {  	_ =	shalt  }
0x83: {  	_ =	shalt  }
0x84: {  	_ =	shalt  }
0x85: {  	_ =	shalt  }
0x86: {  	_ =	shalt  }
0x87: {  	_ =	shalt  }
.Lfunc_end0:
.L_simem_size_0:
called_computation_lowered:
.L_overlay_start_0:
0x88: {  	s2 =	sld [smem:$0x3FD9]  }
0x89: {  	s3 =	sld [smem:$0x3FFE];
	_ =	sdelay $0x1  }
0x8a: {  	s1 =	srdreg.scid  }
0x8b: {  	s0 =	sand.u32 $0x1, s1  }
0x8c: {  	s17 =	sshll.u32 s0, $0xA;
	s2 =	sadd.s32 s3, s2  }
0x8d: {  	s2 =	sadd.s32 s2, s17  }
0x8e: {  	[smem:$0x3FB8] =	sst s2  }
0x8f: {  	_ = 	snop  }
0x90: {  	s2 =	sld [smem:$0x3FC7]  }
0x91: {  	s18 =	sld [smem:$0x3FC6];
	(tm) =	ssettm $0x1  }
0x92: {  	s4 =	sld [smem:$0x3FFB];
	_ =	sdelay $0x3  }
0x93: {  	_ =	strace s4  }
0x94: {  	s4 =	sld [smem:$0x3FFC];
	_ =	sdelay $0x3  }
0x95: {  	_ =	strace s4  }
0x96: {  	s4 =	sld [smem:$0x3FFD];
	_ =	sdelay $0x3  }
0x97: {  	_ =	strace s4  }
0x98: {  	_ =	strace $0x8FFFFFFF  }
0x99: {  	s19 =	sld [smem:$0x3FDB];
	_ =	sdelay $0x1  }
0x9a: {  	s5 =	simm.s32 $_scs_section_size  }
0x9b: {  	s6 =	simm.s32 $_size__tile_overlayer_lowered;
	s7 =	simm.s32 $_tile_overlayer_lowered  }
0x9c: {  	s22 =	simm.s32 $0x1BFF;
	s21 =	sshll.u32 s7, $0x1;
	s4 =	sadd.s32 s5, s19  }
0x9d: {  	s8 =	simm.s32 $0x0;
	s20 =	sshll.u32 s6, $0x1;
	s6 =	sadd.s32 s21, s4  }
0x9e: {  	[timem:s8], [sflag:s22] =	dma.local [hbm:s6], s20  }
0x9f: {  	_ =	swait.ge [sflag:s22], s20  }
0xa0: {  	s5 =	ssub.s32 $0x0, s20;
	[sflag:s22] =	ssyncset.done $0x0  }
0xa1: {  	[sflag:s22] =	ssyncadd.s32 s5;
	_ =	sdelay $0x1  }
0xa2: {  	s23 =	simm.s32 $0x1B8B  }
0xa3: {  	_ =	swait.ge [sflag:s23], $0x1  }
0xa4: {  	[sflag:s23] =	ssyncset.done $0x0  }
0xa5: {  	s25 =	simm.s32 $0x1B8E;
	s24 =	sld [smem:$0x3FFE];
	[sflag:s23] =	ssyncadd.s32 $0xFFFFFFFF  }
0xa6: {  	s26 =	simm.s32 $execute0_lowered;
	[smem:$0x3FD2] =	sst s25  }
0xa7: {  	s6 =	sshll.u32 s26, $0x1;
	_ =	strace $0x80000046;
	[dreg:$0x1] =	wrdreg $0xFFFFFFFF  }
0xa8: {  	s28 =	simm.s32 $_size_execute0_lowered;
	s4 =	sadd.s32 s4, s6;
	[dreg:$0x0] =	wrdreg $0x0  }
0xa9: {  	s6 =	sshll.u32 s28, $0x1;
	[dreg:$0x2] =	wrdreg s4  }
0xaa: {  	[dreg:$0x3] =	wrdreg s6  }
0xab: {  	[dreg:$0x4] =	wrdreg $0xC0  }
0xac: {  	_ =	task [dreg:s8], $0x5FFFF  }
0xad: {  	[dreg:$0x1] =	wrdreg $0xFFFFFFFF  }
0xae: {  	[dreg:$0x0] =	wrdreg $0x60  }
0xaf: {  	[dreg:$0x2] =	wrdreg s24  }
0xb0: {  	[dreg:$0x3] =	wrdreg s2  }
0xb1: {  	[dreg:$0x4] =	wrdreg s18  }
0xb2: {  	[dreg:$0x5] =	wrdreg $0x9  }
0xb3: {  	_ =	task.clear_ibuf [dreg:s8], $0x6FFFF;
	_ =	strace $0x90000046  }
0xb4: {  	s29 =	simm.s32 $0x9;
	_ =	strace $0x80000048  }
0xb5: {  	_ =	swait.ge [sflag:s29], $0x1  }
0xb6: {  	[sflag:s29] =	ssyncadd.s32 $0xFFFFFFFF  }
0xb7: {  	_ =	strace $0x90000048  }
0xb8: {  	_ =	sfence  }
0xb9: {  	s30 =	sld [smem:$0x0];
	_ =	sdelay $0x2  }
0xba: {  	s31 =	sshll.u32 s1, $0xD;
	s1 =	sshrl.u32 s1, $0x2  }
0xbb: {  	s3 =	sand.u32 $0x4000, s31;
	s1 =	sadd.s32 s1, s30  }
0xbc: {  	s0 =	sor.u32 s3, s0;
	s1 =	sshll.u32 s1, $0x11  }
0xbd: {  	s0 =	sor.u32 s1, s0  }
0xbe: {  	s0 =	sadd.s32 $0x8F2B, s0  }
0xbf: {  	[sflag:s0] =	ssyncadd.remote.s32 $0x1  }
0xc0: {  	_ =	sfence.sel $0xFFFF  }
0xc1: {  	[dreg:$0x0] =	wrdreg $0xFFFFFFFF;
	(pc) =	sbr.abs _section_cstart, $3  }
0xc2: {  	[dreg:$0x1] =	wrdreg $0xFFFFFFFF  }
0xc3: {  	_ =	task.clear_ibuf [dreg:s8], $0x2FFFF;
	_ =	strace $0x9FFFFFFF  }
0xc4: {  	(tm) =	ssettm $0x7FFFFFFF  }
0xc5: {  	_ =	shalt  }
tec
execute0_lowered:
.L_overlay_start_1:
0x0: {  	(tag) =	ssettag $0x1  }
0x1: {  	s0 =	rddreg [dreg:$0x0]  }
0x2: {  	s1 =	rddreg [dreg:$0x1]  }
0x3: {  	s7 =	rddreg [dreg:$0x2];
	s3 =	srdreg.scid  }
0x4: {  	s4 =	stileid.u32;
	s2 =	simm.s32 $0x0;
	s13 =	simm.s32 $0xA  }
0x5: {  	s15 =	simm.s32 $0x50;
	s16 =	simm.s32 $0x4F00;
	s17 =	simm.s32 $0xC700  }
0x6: {  	s18 =	simm.s32 $0x7700;
	s20 =	simm.s32 $0xEF00;
	s28 =	simm.s32 $0x5  }
0x7: {  	s29 =	simm.s32 $0x8;
	s30 =	simm.s32 $0x3;
	s31 =	simm.s32 $0x6  }
0x8: {  	s5 =	sand.u32 $0x1, s3;
	s21 =	sshll.u32 s4, $0x1;
	[smem:$0x7FF] =	sst s2  }
0x9: {  	s4 =	sadd.s32 $0x3600, s0;
	s6 =	sor.u32 s5, s21;
	_ =	strace $0x80000047  }
0xa: {  	s8 =	ssub.s32 $0x2, s5;
	s5 =	sadd.s32 $0x2A800, s0;
	s3 =	smul.u32 $0x2710, s6  }
0xb: {  	s21 =	simm.s32 $0x9F00;
	s9 =	smul.u32 $0x138800, s6;
	s22 =	sshrl.u32 s8, $0x1  }
0xc: {  	s6 =	sadd.s32 $0x78C00, s0;
	s0 =	ssub.s32 s8, s22;
	s22 =	simm.s32 $0x11700  }
0xd: {  	s23 =	sshrl.u32 s3, $0x3;
	s9 =	sshrl.u32 s9, $0x3;
	s12 =	smax.u32 s0, $0x1  }
0xe: {  	s0 =	simm.s32 $0x9;
	s1 =	sadd.s32 s1, s23;
	s24 =	sadd.s32 s7, s23  }
0xf: {  	s25 =	sadd.s32 s6, s9;
	s9 =	sadd.s32 $0x50, s3;
	[dreg:$0x4] =	wrdreg s1  }
0x10: {  	s23 =	simm.s32 $0x1;
	[dreg:$0x5] =	wrdreg s24;
	s26 =	sadd.s32 $0x26700, s25  }
0x11: {  	s11 =	sadd.s32 $0x26C00, s25;
	s24 =	simm.s32 $0x4;
	s25 =	simm.s32 $0x7  }
0x12: {  	s1 =	simm.s32 $0x0;
	[dreg:$0x6] =	wrdreg s26;
	s26 =	simm.s32 $0x2  }
.LBB2_1:
0x13: {  	s7 =	rddreg [dreg:$0x4]  }
0x14: {  	[tilespmem:s2], [sflag:$0xA] =	stream.linear.gather [hbm4b:s7+s2], $0x2710, $0x38;
	[tilespmem:$0x13F00] =	vst v63  }
0x15: {  	_ =	swait.ge [sflag:s13], $0x2710  }
0x16: {  	[sflag:s13] =	ssyncset.done $0x0  }
0x17: {  	s8 =	simm.s32 $0x2780;
	s14 =	rddreg [dreg:$0x5];
	[sflag:s13] =	ssyncadd.s32 $0xFFFFD8F0  }
0x18: {  	[tilespmem:s8], [sflag:$0xA] =	stream.linear.gather [hbm4b:s14+s2], $0x2710, $0x38;
	[tilespmem:$0x13F00] =	vst v63  }
0x19: {  	_ =	swait.ge [sflag:s13], $0x2710  }
0x1a: {  	[sflag:s13] =	ssyncset.done $0x0  }
0x1b: {  	[sflag:s13] =	ssyncadd.s32 $0xFFFFD8F0  }
0x1c: {  	[tilespmem:s16], [sflag:$0x1] =	stream.indirect.gather [hbm4b:s4+s15], $0x80, s2, s15, $0xb8;
	[tilespmem:$0x13F00] =	vst v63  }
0x1d: {  	_ = 	snop  }
0x1e: {  	[tilespmem:s17], [sflag:$0x4] =	stream.indirect.gather [hbm4b:s5+s15], $0x80, s8, s15, $0xb8;
	[tilespmem:$0x13F00] =	vst v63  }
0x1f: {  	_ = 	snop  }
0x20: {  	[tilespmem:s18], [sflag:$0x2] =	stream.indirect.gather [hbm4b:s4+s15], $0x80, s15, s15, $0xb8;
	[tilespmem:$0x13F00] =	vst v63  }
0x21: {  	s19 =	simm.s32 $0x27D0  }
0x22: {  	[tilespmem:s20], [sflag:$0x5] =	stream.indirect.gather [hbm4b:s5+s15], $0x80, s19, s15, $0xb8;
	[tilespmem:$0x13F00] =	vst v63  }
0x23: {  	s19 =	simm.s32 $0x0  }
.LBB2_2:
0x24: {  	p0 =	seq.s32 s19, $0x0  }
0x25: {  	s8 =	simm.s32 @!p0 $0x9  }
0x26: {  	s7 =	smul.u32 $0xF0, s19;
	_ =	swait.ge @!p0 [sflag:s8], $0x2800  }
0x27: {  	[sflag:s8] =	ssyncset.done @!p0 $0x0  }
0x28: {  	s14 =	sadd.s32 $0xA0, s7;
	[sflag:s8] =	ssyncadd.s32 @!p0 $0xFFFFD800  }
0x29: {  	[tilespmem:s21], [sflag:$0x3] =	stream.indirect.gather [hbm4b:s4+s15], $0x80, s14, s15, $0xb8;
	[tilespmem:$0x13F00] =	vst v63  }
0x2a: {  	s10 =	sadd.s32 $0x2820, s7  }
0x2b: {  	[tilespmem:s22], [sflag:$0x6] =	stream.indirect.gather [hbm4b:s5+s15], $0x80, s10, s15, $0xb8;
	[tilespmem:$0x13F00] =	vst v63  }
0x2c: {  	_ =	swait.ge [sflag:s23], $0x2800  }
0x2d: {  	[sflag:s23] =	ssyncset.done $0x0  }
0x2e: {  	[sflag:s23] =	ssyncadd.s32 $0xFFFFD800  }
0x2f: {  	_ =	swait.ge [sflag:s24], $0x2800  }
0x30: {  	[sflag:s24] =	ssyncset.done $0x0  }
0x31: {  	s8 =	simm.s32 $0x0;
	s10 =	simm.s32 $0x400;
	[sflag:s24] =	ssyncadd.s32 $0xFFFFD800  }
.LBB2_3:
0x32: {  	p0 =	sne.s32 s10, $0x9C00;
	v0 =	vld [tilespmem:s8+$0xC7F0]  }
0x33: {  	v1 =	vld [tilespmem:s8+$0xC700]  }
0x34: {  	v2 =	vld [tilespmem:s8+$0xC710]  }
0x35: {  	v3 =	vld [tilespmem:s8+$0xC720]  }
0x36: {  	v4 =	vld [tilespmem:s8+$0xC730]  }
0x37: {  	[tilespmem:s8+$0x4FF0] =	vst.add.f32.msk $0xffff, v0  }
0x38: {  	v0 =	vld [tilespmem:s8+$0xC740]  }
0x39: {  	v5 =	vld [tilespmem:s8+$0xC750]  }
0x3a: {  	v6 =	vld [tilespmem:s8+$0xC760]  }
0x3b: {  	v7 =	vld [tilespmem:s8+$0xC770]  }
0x3c: {  	v8 =	vld [tilespmem:s8+$0xC780]  }
0x3d: {  	v9 =	vld [tilespmem:s8+$0xC790]  }
0x3e: {  	v10 =	vld [tilespmem:s8+$0xC7A0]  }
0x3f: {  	v11 =	vld [tilespmem:s8+$0xC7B0]  }
0x40: {  	v12 =	vld [tilespmem:s8+$0xC7C0]  }
0x41: {  	v13 =	vld [tilespmem:s8+$0xC7D0]  }
0x42: {  	v14 =	vld [tilespmem:s8+$0xC7E0]  }
0x43: {  	[tilespmem:s8+$0x4F00] =	vst.add.f32.msk $0xffff, v1  }
0x44: {  	[tilespmem:s8+$0x4F10] =	vst.add.f32.msk $0xffff, v2  }
0x45: {  	[tilespmem:s8+$0x4F20] =	vst.add.f32.msk $0xffff, v3  }
0x46: {  	[tilespmem:s8+$0x4F30] =	vst.add.f32.msk $0xffff, v4  }
0x47: {  	[tilespmem:s8+$0x4F40] =	vst.add.f32.msk $0xffff, v0  }
0x48: {  	[tilespmem:s8+$0x4F50] =	vst.add.f32.msk $0xffff, v5  }
0x49: {  	[tilespmem:s8+$0x4F60] =	vst.add.f32.msk $0xffff, v6  }
0x4a: {  	[tilespmem:s8+$0x4F70] =	vst.add.f32.msk $0xffff, v7  }
0x4b: {  	[tilespmem:s8+$0x4F80] =	vst.add.f32.msk $0xffff, v8  }
0x4c: {  	[tilespmem:s8+$0x4F90] =	vst.add.f32.msk $0xffff, v9  }
.Ltmp0:
0x4d: {  	[tilespmem:s8+$0x4FA0] =	vst.add.f32.msk $0xffff, v10;
	(pc) =	sbr.rel @p0 .LBB2_3-.Ltmp0, $4  }
0x4e: {  	[tilespmem:s8+$0x4FB0] =	vst.add.f32.msk $0xffff, v11  }
0x4f: {  	[tilespmem:s8+$0x4FC0] =	vst.add.f32.msk $0xffff, v12  }
0x50: {  	[tilespmem:s8+$0x4FD0] =	vst.add.f32.msk $0xffff, v13  }
0x51: {  	[tilespmem:s8+$0x4FE0] =	vst.add.f32.msk $0xffff, v14;
	s8 =	sshra.s32 s10, $0x2;
	s10 =	sadd.s32 $0x400, s10  }
0x52: {  	v0 =	vld [tilespmem:s8+$0xC7F0]  }
0x53: {  	v1 =	vld [tilespmem:s8+$0xC700]  }
0x54: {  	v2 =	vld [tilespmem:s8+$0xC710]  }
0x55: {  	v3 =	vld [tilespmem:s8+$0xC720]  }
0x56: {  	v4 =	vld [tilespmem:s8+$0xC730]  }
0x57: {  	v63 =	vld [tilespmem:s8+$0xC740]  }
0x58: {  	v5 =	vld [tilespmem:s8+$0xC750]  }
0x59: {  	v6 =	vld [tilespmem:s8+$0xC760]  }
0x5a: {  	v7 =	vld [tilespmem:s8+$0xC770]  }
0x5b: {  	v8 =	vld [tilespmem:s8+$0xC780]  }
0x5c: {  	v9 =	vld [tilespmem:s8+$0xC790]  }
0x5d: {  	v10 =	vld [tilespmem:s8+$0xC7A0]  }
0x5e: {  	v11 =	vld [tilespmem:s8+$0xC7B0]  }
0x5f: {  	v12 =	vld [tilespmem:s8+$0xC7C0]  }
0x60: {  	v13 =	vld [tilespmem:s8+$0xC7D0]  }
0x61: {  	v14 =	vld [tilespmem:s8+$0xC7E0]  }
0x62: {  	[tilespmem:s8+$0x4FF0] =	vst.add.f32.msk $0xffff, v0  }
0x63: {  	[tilespmem:s8+$0x4F00] =	vst.add.f32.msk $0xffff, v1  }
0x64: {  	[tilespmem:s8+$0x4F10] =	vst.add.f32.msk $0xffff, v2  }
0x65: {  	[tilespmem:s8+$0x4F20] =	vst.add.f32.msk $0xffff, v3  }
0x66: {  	[tilespmem:s8+$0x4F30] =	vst.add.f32.msk $0xffff, v4  }
0x67: {  	[tilespmem:s8+$0x4F40] =	vst.add.f32.msk $0xffff, v63  }
0x68: {  	[tilespmem:s8+$0x4F50] =	vst.add.f32.msk $0xffff, v5  }
0x69: {  	[tilespmem:s8+$0x4F60] =	vst.add.f32.msk $0xffff, v6  }
0x6a: {  	[tilespmem:s8+$0x4F70] =	vst.add.f32.msk $0xffff, v7  }
0x6b: {  	[tilespmem:s8+$0x4F80] =	vst.add.f32.msk $0xffff, v8  }
0x6c: {  	[tilespmem:s8+$0x4F90] =	vst.add.f32.msk $0xffff, v9  }
0x6d: {  	[tilespmem:s8+$0x4FA0] =	vst.add.f32.msk $0xffff, v10  }
0x6e: {  	[tilespmem:s8+$0x4FB0] =	vst.add.f32.msk $0xffff, v11  }
0x6f: {  	s10 =	sadd.s32 s3, s7;
	[tilespmem:s8+$0x4FC0] =	vst.add.f32.msk $0xffff, v12  }
0x70: {  	s10 =	sshll.u32 s10, $0x4;
	[tilespmem:s8+$0x4FD0] =	vst.add.f32.msk $0xffff, v13  }
0x71: {  	[tilespmem:s8+$0x4FE0] =	vst.add.f32.msk $0xffff, v14;
	s8 =	sadd.s32 s6, s10;
	s10 =	simm.s32 $0x0  }
0x72: {  	[hbm4b:s8+s10] =	stream.linear.scatter [tilespmem:s16], [sflag:$0x7], $0x2800, $0x38;
	[tilespmem:$0x13F00] =	vst v63  }
0x73: {  	_ =	swait.ge [sflag:s25], $0x2800  }
0x74: {  	[sflag:s25] =	ssyncset.done $0x0  }
0x75: {  	s10 =	sadd.s32 $0xF0, s7;
	[sflag:s25] =	ssyncadd.s32 $0xFFFFD800  }
0x76: {  	[tilespmem:s16], [sflag:$0x1] =	stream.indirect.gather [hbm4b:s4+s15], $0x80, s10, s15, $0xb8;
	[tilespmem:$0x13F00] =	vst v63  }
0x77: {  	s10 =	sadd.s32 $0x2870, s7  }
0x78: {  	[tilespmem:s17], [sflag:$0x4] =	stream.indirect.gather [hbm4b:s5+s15], $0x80, s10, s15, $0xb8;
	[tilespmem:$0x13F00] =	vst v63  }
0x79: {  	_ =	swait.ge [sflag:s26], $0x2800  }
0x7a: {  	[sflag:s26] =	ssyncset.done $0x0  }
0x7b: {  	[sflag:s26] =	ssyncadd.s32 $0xFFFFD800  }
0x7c: {  	_ =	swait.ge [sflag:s28], $0x2800  }
0x7d: {  	[sflag:s28] =	ssyncset.done $0x0  }
0x7e: {  	s8 =	simm.s32 $0x0;
	s10 =	simm.s32 $0x400;
	[sflag:s28] =	ssyncadd.s32 $0xFFFFD800  }
.LBB2_5:
0x7f: {  	p0 =	sne.s32 s10, $0x9C00;
	v0 =	vld [tilespmem:s8+$0xEFF0]  }
0x80: {  	v1 =	vld [tilespmem:s8+$0xEF00]  }
0x81: {  	v2 =	vld [tilespmem:s8+$0xEF10]  }
0x82: {  	v3 =	vld [tilespmem:s8+$0xEF20]  }
0x83: {  	v4 =	vld [tilespmem:s8+$0xEF30]  }
0x84: {  	[tilespmem:s8+$0x77F0] =	vst.add.f32.msk $0xffff, v0  }
0x85: {  	v0 =	vld [tilespmem:s8+$0xEF40]  }
0x86: {  	v5 =	vld [tilespmem:s8+$0xEF50]  }
0x87: {  	v6 =	vld [tilespmem:s8+$0xEF60]  }
0x88: {  	v7 =	vld [tilespmem:s8+$0xEF70]  }
0x89: {  	v8 =	vld [tilespmem:s8+$0xEF80]  }
0x8a: {  	v9 =	vld [tilespmem:s8+$0xEF90]  }
0x8b: {  	v10 =	vld [tilespmem:s8+$0xEFA0]  }
0x8c: {  	v11 =	vld [tilespmem:s8+$0xEFB0]  }
0x8d: {  	v12 =	vld [tilespmem:s8+$0xEFC0]  }
0x8e: {  	v13 =	vld [tilespmem:s8+$0xEFD0]  }
0x8f: {  	v14 =	vld [tilespmem:s8+$0xEFE0]  }
0x90: {  	[tilespmem:s8+$0x7700] =	vst.add.f32.msk $0xffff, v1  }
0x91: {  	[tilespmem:s8+$0x7710] =	vst.add.f32.msk $0xffff, v2  }
0x92: {  	[tilespmem:s8+$0x7720] =	vst.add.f32.msk $0xffff, v3  }
0x93: {  	[tilespmem:s8+$0x7730] =	vst.add.f32.msk $0xffff, v4  }
0x94: {  	[tilespmem:s8+$0x7740] =	vst.add.f32.msk $0xffff, v0  }
0x95: {  	[tilespmem:s8+$0x7750] =	vst.add.f32.msk $0xffff, v5  }
0x96: {  	[tilespmem:s8+$0x7760] =	vst.add.f32.msk $0xffff, v6  }
0x97: {  	[tilespmem:s8+$0x7770] =	vst.add.f32.msk $0xffff, v7  }
0x98: {  	[tilespmem:s8+$0x7780] =	vst.add.f32.msk $0xffff, v8  }
0x99: {  	[tilespmem:s8+$0x7790] =	vst.add.f32.msk $0xffff, v9  }
.Ltmp1:
0x9a: {  	[tilespmem:s8+$0x77A0] =	vst.add.f32.msk $0xffff, v10;
	(pc) =	sbr.rel @p0 .LBB2_5-.Ltmp1, $4  }
0x9b: {  	[tilespmem:s8+$0x77B0] =	vst.add.f32.msk $0xffff, v11  }
0x9c: {  	[tilespmem:s8+$0x77C0] =	vst.add.f32.msk $0xffff, v12  }
0x9d: {  	[tilespmem:s8+$0x77D0] =	vst.add.f32.msk $0xffff, v13  }
0x9e: {  	[tilespmem:s8+$0x77E0] =	vst.add.f32.msk $0xffff, v14;
	s8 =	sshra.s32 s10, $0x2;
	s10 =	sadd.s32 $0x400, s10  }
0x9f: {  	v0 =	vld [tilespmem:s8+$0xEFF0]  }
0xa0: {  	v1 =	vld [tilespmem:s8+$0xEF00]  }
0xa1: {  	v2 =	vld [tilespmem:s8+$0xEF10]  }
0xa2: {  	v3 =	vld [tilespmem:s8+$0xEF20]  }
0xa3: {  	v4 =	vld [tilespmem:s8+$0xEF30]  }
0xa4: {  	v63 =	vld [tilespmem:s8+$0xEF40]  }
0xa5: {  	v5 =	vld [tilespmem:s8+$0xEF50]  }
0xa6: {  	v6 =	vld [tilespmem:s8+$0xEF60]  }
0xa7: {  	v7 =	vld [tilespmem:s8+$0xEF70]  }
0xa8: {  	v8 =	vld [tilespmem:s8+$0xEF80]  }
0xa9: {  	v9 =	vld [tilespmem:s8+$0xEF90]  }
0xaa: {  	v10 =	vld [tilespmem:s8+$0xEFA0]  }
0xab: {  	v11 =	vld [tilespmem:s8+$0xEFB0]  }
0xac: {  	v12 =	vld [tilespmem:s8+$0xEFC0]  }
0xad: {  	v13 =	vld [tilespmem:s8+$0xEFD0]  }
0xae: {  	v14 =	vld [tilespmem:s8+$0xEFE0]  }
0xaf: {  	[tilespmem:s8+$0x77F0] =	vst.add.f32.msk $0xffff, v0  }
0xb0: {  	[tilespmem:s8+$0x7700] =	vst.add.f32.msk $0xffff, v1  }
0xb1: {  	[tilespmem:s8+$0x7710] =	vst.add.f32.msk $0xffff, v2  }
0xb2: {  	[tilespmem:s8+$0x7720] =	vst.add.f32.msk $0xffff, v3  }
0xb3: {  	[tilespmem:s8+$0x7730] =	vst.add.f32.msk $0xffff, v4  }
0xb4: {  	[tilespmem:s8+$0x7740] =	vst.add.f32.msk $0xffff, v63  }
0xb5: {  	[tilespmem:s8+$0x7750] =	vst.add.f32.msk $0xffff, v5  }
0xb6: {  	[tilespmem:s8+$0x7760] =	vst.add.f32.msk $0xffff, v6  }
0xb7: {  	[tilespmem:s8+$0x7770] =	vst.add.f32.msk $0xffff, v7  }
0xb8: {  	[tilespmem:s8+$0x7780] =	vst.add.f32.msk $0xffff, v8  }
0xb9: {  	[tilespmem:s8+$0x7790] =	vst.add.f32.msk $0xffff, v9  }
0xba: {  	[tilespmem:s8+$0x77A0] =	vst.add.f32.msk $0xffff, v10  }
0xbb: {  	[tilespmem:s8+$0x77B0] =	vst.add.f32.msk $0xffff, v11  }
0xbc: {  	s10 =	sadd.s32 s7, s9;
	[tilespmem:s8+$0x77C0] =	vst.add.f32.msk $0xffff, v12  }
0xbd: {  	s10 =	sshll.u32 s10, $0x4;
	[tilespmem:s8+$0x77D0] =	vst.add.f32.msk $0xffff, v13  }
0xbe: {  	[tilespmem:s8+$0x77E0] =	vst.add.f32.msk $0xffff, v14;
	s8 =	sadd.s32 s6, s10;
	s10 =	simm.s32 $0x0  }
0xbf: {  	[hbm4b:s8+s10] =	stream.linear.scatter [tilespmem:s18], [sflag:$0x8], $0x2800, $0x38;
	[tilespmem:$0x13F00] =	vst v63  }
0xc0: {  	_ =	swait.ge [sflag:s29], $0x2800  }
0xc1: {  	[sflag:s29] =	ssyncset.done $0x0  }
0xc2: {  	s10 =	sadd.s32 $0x140, s7;
	[sflag:s29] =	ssyncadd.s32 $0xFFFFD800  }
0xc3: {  	[tilespmem:s18], [sflag:$0x2] =	stream.indirect.gather [hbm4b:s4+s15], $0x80, s10, s15, $0xb8;
	[tilespmem:$0x13F00] =	vst v63  }
0xc4: {  	s10 =	sadd.s32 $0x28C0, s7  }
0xc5: {  	[tilespmem:s20], [sflag:$0x5] =	stream.indirect.gather [hbm4b:s5+s15], $0x80, s10, s15, $0xb8;
	[tilespmem:$0x13F00] =	vst v63  }
0xc6: {  	_ =	swait.ge [sflag:s30], $0x2800  }
0xc7: {  	[sflag:s30] =	ssyncset.done $0x0  }
0xc8: {  	[sflag:s30] =	ssyncadd.s32 $0xFFFFD800  }
0xc9: {  	_ =	swait.ge [sflag:s31], $0x2800  }
0xca: {  	[sflag:s31] =	ssyncset.done $0x0  }
0xcb: {  	s8 =	simm.s32 $0x400;
	s7 =	simm.s32 $0x0;
	[sflag:s31] =	ssyncadd.s32 $0xFFFFD800  }
.LBB2_7:
0xcc: {  	p0 =	sne.s32 s8, $0x9C00;
	v0 =	vld [tilespmem:s7+$0x117F0]  }
0xcd: {  	v1 =	vld [tilespmem:s7+$0x11700]  }
0xce: {  	v2 =	vld [tilespmem:s7+$0x11710]  }
0xcf: {  	v3 =	vld [tilespmem:s7+$0x11720]  }
0xd0: {  	v4 =	vld [tilespmem:s7+$0x11730]  }
0xd1: {  	[tilespmem:s7+$0x9FF0] =	vst.add.f32.msk $0xffff, v0  }
0xd2: {  	v0 =	vld [tilespmem:s7+$0x11740]  }
0xd3: {  	v5 =	vld [tilespmem:s7+$0x11750]  }
0xd4: {  	v6 =	vld [tilespmem:s7+$0x11760]  }
0xd5: {  	v7 =	vld [tilespmem:s7+$0x11770]  }
0xd6: {  	v8 =	vld [tilespmem:s7+$0x11780]  }
0xd7: {  	v9 =	vld [tilespmem:s7+$0x11790]  }
0xd8: {  	v10 =	vld [tilespmem:s7+$0x117A0]  }
0xd9: {  	v11 =	vld [tilespmem:s7+$0x117B0]  }
0xda: {  	v12 =	vld [tilespmem:s7+$0x117C0]  }
0xdb: {  	v13 =	vld [tilespmem:s7+$0x117D0]  }
0xdc: {  	v14 =	vld [tilespmem:s7+$0x117E0]  }
0xdd: {  	[tilespmem:s7+$0x9F00] =	vst.add.f32.msk $0xffff, v1  }
0xde: {  	[tilespmem:s7+$0x9F10] =	vst.add.f32.msk $0xffff, v2  }
0xdf: {  	[tilespmem:s7+$0x9F20] =	vst.add.f32.msk $0xffff, v3  }
0xe0: {  	[tilespmem:s7+$0x9F30] =	vst.add.f32.msk $0xffff, v4  }
0xe1: {  	[tilespmem:s7+$0x9F40] =	vst.add.f32.msk $0xffff, v0  }
0xe2: {  	[tilespmem:s7+$0x9F50] =	vst.add.f32.msk $0xffff, v5  }
0xe3: {  	[tilespmem:s7+$0x9F60] =	vst.add.f32.msk $0xffff, v6  }
0xe4: {  	[tilespmem:s7+$0x9F70] =	vst.add.f32.msk $0xffff, v7  }
0xe5: {  	[tilespmem:s7+$0x9F80] =	vst.add.f32.msk $0xffff, v8  }
0xe6: {  	[tilespmem:s7+$0x9F90] =	vst.add.f32.msk $0xffff, v9  }
.Ltmp2:
0xe7: {  	[tilespmem:s7+$0x9FA0] =	vst.add.f32.msk $0xffff, v10;
	(pc) =	sbr.rel @p0 .LBB2_7-.Ltmp2, $4  }
0xe8: {  	[tilespmem:s7+$0x9FB0] =	vst.add.f32.msk $0xffff, v11  }
0xe9: {  	[tilespmem:s7+$0x9FC0] =	vst.add.f32.msk $0xffff, v12  }
0xea: {  	[tilespmem:s7+$0x9FD0] =	vst.add.f32.msk $0xffff, v13  }
0xeb: {  	[tilespmem:s7+$0x9FE0] =	vst.add.f32.msk $0xffff, v14;
	s7 =	sshra.s32 s8, $0x2;
	s8 =	sadd.s32 $0x400, s8  }
0xec: {  	v0 =	vld [tilespmem:s7+$0x117F0]  }
0xed: {  	v1 =	vld [tilespmem:s7+$0x11700]  }
0xee: {  	v2 =	vld [tilespmem:s7+$0x11710]  }
0xef: {  	v3 =	vld [tilespmem:s7+$0x11720]  }
0xf0: {  	v4 =	vld [tilespmem:s7+$0x11730]  }
0xf1: {  	v63 =	vld [tilespmem:s7+$0x11740]  }
0xf2: {  	v5 =	vld [tilespmem:s7+$0x11750]  }
0xf3: {  	v6 =	vld [tilespmem:s7+$0x11760]  }
0xf4: {  	v7 =	vld [tilespmem:s7+$0x11770]  }
0xf5: {  	v8 =	vld [tilespmem:s7+$0x11780]  }
0xf6: {  	v9 =	vld [tilespmem:s7+$0x11790]  }
0xf7: {  	v10 =	vld [tilespmem:s7+$0x117A0]  }
0xf8: {  	v11 =	vld [tilespmem:s7+$0x117B0]  }
0xf9: {  	v12 =	vld [tilespmem:s7+$0x117C0]  }
0xfa: {  	v13 =	vld [tilespmem:s7+$0x117D0]  }
0xfb: {  	v14 =	vld [tilespmem:s7+$0x117E0]  }
0xfc: {  	[tilespmem:s7+$0x9FF0] =	vst.add.f32.msk $0xffff, v0  }
0xfd: {  	[tilespmem:s7+$0x9F00] =	vst.add.f32.msk $0xffff, v1  }
0xfe: {  	[tilespmem:s7+$0x9F10] =	vst.add.f32.msk $0xffff, v2  }
0xff: {  	[tilespmem:s7+$0x9F20] =	vst.add.f32.msk $0xffff, v3  }
0x100: {  	[tilespmem:s7+$0x9F30] =	vst.add.f32.msk $0xffff, v4  }
0x101: {  	[tilespmem:s7+$0x9F40] =	vst.add.f32.msk $0xffff, v63  }
0x102: {  	[tilespmem:s7+$0x9F50] =	vst.add.f32.msk $0xffff, v5  }
0x103: {  	[tilespmem:s7+$0x9F60] =	vst.add.f32.msk $0xffff, v6  }
0x104: {  	[tilespmem:s7+$0x9F70] =	vst.add.f32.msk $0xffff, v7  }
0x105: {  	[tilespmem:s7+$0x9F80] =	vst.add.f32.msk $0xffff, v8  }
0x106: {  	s19 =	sadd.s32 $0x1, s19;
	[tilespmem:s7+$0x9F90] =	vst.add.f32.msk $0xffff, v9  }
0x107: {  	p0 =	sne.s32 s19, $0x29;
	[tilespmem:s7+$0x9FA0] =	vst.add.f32.msk $0xffff, v10  }
.Ltmp3:
0x108: {  	[tilespmem:s7+$0x9FB0] =	vst.add.f32.msk $0xffff, v11;
	(pc) =	sbr.rel @p0 .LBB2_2-.Ltmp3, $4  }
0x109: {  	s8 =	sadd.s32 s3, s14;
	[tilespmem:s7+$0x9FC0] =	vst.add.f32.msk $0xffff, v12  }
0x10a: {  	s8 =	sshll.u32 s8, $0x4;
	[tilespmem:s7+$0x9FD0] =	vst.add.f32.msk $0xffff, v13  }
0x10b: {  	s14 =	sadd.s32 s6, s8;
	[tilespmem:s7+$0x9FE0] =	vst.add.f32.msk $0xffff, v14  }
0x10c: {  	[hbm4b:s14+s2] =	stream.linear.scatter [tilespmem:s21], [sflag:$0x9], $0x2800, $0x38;
	[tilespmem:$0x13F00] =	vst v63  }
0x10d: {  	_ =	swait.ge [sflag:s23], $0x2800  }
0x10e: {  	[sflag:s23] =	ssyncset.done $0x0  }
0x10f: {  	[sflag:s23] =	ssyncadd.s32 $0xFFFFD800  }
0x110: {  	_ =	swait.ge [sflag:s24], $0x2800  }
0x111: {  	[sflag:s24] =	ssyncset.done $0x0  }
0x112: {  	s7 =	simm.s32 $0x0;
	s8 =	simm.s32 $0x400;
	[sflag:s24] =	ssyncadd.s32 $0xFFFFD800  }
.LBB2_10:
0x113: {  	p0 =	sne.s32 s8, $0x9C00;
	v0 =	vld [tilespmem:s7+$0xC7F0]  }
0x114: {  	v1 =	vld [tilespmem:s7+$0xC700]  }
0x115: {  	v2 =	vld [tilespmem:s7+$0xC710]  }
0x116: {  	v3 =	vld [tilespmem:s7+$0xC720]  }
0x117: {  	v4 =	vld [tilespmem:s7+$0xC730]  }
0x118: {  	[tilespmem:s7+$0x4FF0] =	vst.add.f32.msk $0xffff, v0  }
0x119: {  	v0 =	vld [tilespmem:s7+$0xC740]  }
0x11a: {  	v5 =	vld [tilespmem:s7+$0xC750]  }
0x11b: {  	v6 =	vld [tilespmem:s7+$0xC760]  }
0x11c: {  	v7 =	vld [tilespmem:s7+$0xC770]  }
0x11d: {  	v8 =	vld [tilespmem:s7+$0xC780]  }
0x11e: {  	v9 =	vld [tilespmem:s7+$0xC790]  }
0x11f: {  	v10 =	vld [tilespmem:s7+$0xC7A0]  }
0x120: {  	v11 =	vld [tilespmem:s7+$0xC7B0]  }
0x121: {  	v12 =	vld [tilespmem:s7+$0xC7C0]  }
0x122: {  	v13 =	vld [tilespmem:s7+$0xC7D0]  }
0x123: {  	v14 =	vld [tilespmem:s7+$0xC7E0]  }
0x124: {  	[tilespmem:s7+$0x4F00] =	vst.add.f32.msk $0xffff, v1  }
0x125: {  	[tilespmem:s7+$0x4F10] =	vst.add.f32.msk $0xffff, v2  }
0x126: {  	[tilespmem:s7+$0x4F20] =	vst.add.f32.msk $0xffff, v3  }
0x127: {  	[tilespmem:s7+$0x4F30] =	vst.add.f32.msk $0xffff, v4  }
0x128: {  	[tilespmem:s7+$0x4F40] =	vst.add.f32.msk $0xffff, v0  }
0x129: {  	[tilespmem:s7+$0x4F50] =	vst.add.f32.msk $0xffff, v5  }
0x12a: {  	[tilespmem:s7+$0x4F60] =	vst.add.f32.msk $0xffff, v6  }
0x12b: {  	[tilespmem:s7+$0x4F70] =	vst.add.f32.msk $0xffff, v7  }
0x12c: {  	[tilespmem:s7+$0x4F80] =	vst.add.f32.msk $0xffff, v8  }
0x12d: {  	[tilespmem:s7+$0x4F90] =	vst.add.f32.msk $0xffff, v9  }
.Ltmp4:
0x12e: {  	[tilespmem:s7+$0x4FA0] =	vst.add.f32.msk $0xffff, v10;
	(pc) =	sbr.rel @p0 .LBB2_10-.Ltmp4, $4  }
0x12f: {  	[tilespmem:s7+$0x4FB0] =	vst.add.f32.msk $0xffff, v11  }
0x130: {  	[tilespmem:s7+$0x4FC0] =	vst.add.f32.msk $0xffff, v12  }
0x131: {  	[tilespmem:s7+$0x4FD0] =	vst.add.f32.msk $0xffff, v13  }
0x132: {  	[tilespmem:s7+$0x4FE0] =	vst.add.f32.msk $0xffff, v14;
	s7 =	sshra.s32 s8, $0x2;
	s8 =	sadd.s32 $0x400, s8  }
0x133: {  	v0 =	vld [tilespmem:s7+$0xC7F0]  }
0x134: {  	v1 =	vld [tilespmem:s7+$0xC700]  }
0x135: {  	v2 =	vld [tilespmem:s7+$0xC710]  }
0x136: {  	v3 =	vld [tilespmem:s7+$0xC720]  }
0x137: {  	v4 =	vld [tilespmem:s7+$0xC730]  }
0x138: {  	v63 =	vld [tilespmem:s7+$0xC740]  }
0x139: {  	v5 =	vld [tilespmem:s7+$0xC750]  }
0x13a: {  	v6 =	vld [tilespmem:s7+$0xC760]  }
0x13b: {  	v7 =	vld [tilespmem:s7+$0xC770]  }
0x13c: {  	v8 =	vld [tilespmem:s7+$0xC780]  }
0x13d: {  	v9 =	vld [tilespmem:s7+$0xC790]  }
0x13e: {  	v10 =	vld [tilespmem:s7+$0xC7A0]  }
0x13f: {  	v11 =	vld [tilespmem:s7+$0xC7B0]  }
0x140: {  	v12 =	vld [tilespmem:s7+$0xC7C0]  }
0x141: {  	v13 =	vld [tilespmem:s7+$0xC7D0]  }
0x142: {  	v14 =	vld [tilespmem:s7+$0xC7E0]  }
0x143: {  	[tilespmem:s7+$0x4FF0] =	vst.add.f32.msk $0xffff, v0  }
0x144: {  	[tilespmem:s7+$0x4F00] =	vst.add.f32.msk $0xffff, v1  }
0x145: {  	[tilespmem:s7+$0x4F10] =	vst.add.f32.msk $0xffff, v2  }
0x146: {  	[tilespmem:s7+$0x4F20] =	vst.add.f32.msk $0xffff, v3  }
0x147: {  	[tilespmem:s7+$0x4F30] =	vst.add.f32.msk $0xffff, v4  }
0x148: {  	[tilespmem:s7+$0x4F40] =	vst.add.f32.msk $0xffff, v63  }
0x149: {  	[tilespmem:s7+$0x4F50] =	vst.add.f32.msk $0xffff, v5  }
0x14a: {  	[tilespmem:s7+$0x4F60] =	vst.add.f32.msk $0xffff, v6  }
0x14b: {  	[tilespmem:s7+$0x4F70] =	vst.add.f32.msk $0xffff, v7  }
0x14c: {  	[tilespmem:s7+$0x4F80] =	vst.add.f32.msk $0xffff, v8  }
0x14d: {  	[tilespmem:s7+$0x4F90] =	vst.add.f32.msk $0xffff, v9  }
0x14e: {  	[tilespmem:s7+$0x4FA0] =	vst.add.f32.msk $0xffff, v10  }
0x14f: {  	[tilespmem:s7+$0x4FB0] =	vst.add.f32.msk $0xffff, v11  }
0x150: {  	[tilespmem:s7+$0x4FC0] =	vst.add.f32.msk $0xffff, v12  }
0x151: {  	[tilespmem:s7+$0x4FD0] =	vst.add.f32.msk $0xffff, v13  }
0x152: {  	s19 =	simm.s32 $0x0;
	s8 =	rddreg [dreg:$0x6];
	[tilespmem:s7+$0x4FE0] =	vst.add.f32.msk $0xffff, v14  }
0x153: {  	[hbm4b:s8+s19] =	stream.linear.scatter [tilespmem:s16], [sflag:$0x7], $0x2800, $0x38;
	[tilespmem:$0x13F00] =	vst v63  }
0x154: {  	_ =	swait.ge [sflag:s26], $0x2800  }
0x155: {  	[sflag:s26] =	ssyncset.done $0x0  }
0x156: {  	[sflag:s26] =	ssyncadd.s32 $0xFFFFD800  }
0x157: {  	_ =	swait.ge [sflag:s28], $0x2800  }
0x158: {  	[sflag:s28] =	ssyncset.done $0x0  }
0x159: {  	s7 =	simm.s32 $0x0;
	s8 =	simm.s32 $0x400;
	[sflag:s28] =	ssyncadd.s32 $0xFFFFD800  }
.LBB2_12:
0x15a: {  	p0 =	sne.s32 s8, $0x9C00;
	v0 =	vld [tilespmem:s7+$0xEFF0]  }
0x15b: {  	v1 =	vld [tilespmem:s7+$0xEF00]  }
0x15c: {  	v2 =	vld [tilespmem:s7+$0xEF10]  }
0x15d: {  	v3 =	vld [tilespmem:s7+$0xEF20]  }
0x15e: {  	v4 =	vld [tilespmem:s7+$0xEF30]  }
0x15f: {  	[tilespmem:s7+$0x77F0] =	vst.add.f32.msk $0xffff, v0  }
0x160: {  	v0 =	vld [tilespmem:s7+$0xEF40]  }
0x161: {  	v5 =	vld [tilespmem:s7+$0xEF50]  }
0x162: {  	v6 =	vld [tilespmem:s7+$0xEF60]  }
0x163: {  	v7 =	vld [tilespmem:s7+$0xEF70]  }
0x164: {  	v8 =	vld [tilespmem:s7+$0xEF80]  }
0x165: {  	v9 =	vld [tilespmem:s7+$0xEF90]  }
0x166: {  	v10 =	vld [tilespmem:s7+$0xEFA0]  }
0x167: {  	v11 =	vld [tilespmem:s7+$0xEFB0]  }
0x168: {  	v12 =	vld [tilespmem:s7+$0xEFC0]  }
0x169: {  	v13 =	vld [tilespmem:s7+$0xEFD0]  }
0x16a: {  	v14 =	vld [tilespmem:s7+$0xEFE0]  }
0x16b: {  	[tilespmem:s7+$0x7700] =	vst.add.f32.msk $0xffff, v1  }
0x16c: {  	[tilespmem:s7+$0x7710] =	vst.add.f32.msk $0xffff, v2  }
0x16d: {  	[tilespmem:s7+$0x7720] =	vst.add.f32.msk $0xffff, v3  }
0x16e: {  	[tilespmem:s7+$0x7730] =	vst.add.f32.msk $0xffff, v4  }
0x16f: {  	[tilespmem:s7+$0x7740] =	vst.add.f32.msk $0xffff, v0  }
0x170: {  	[tilespmem:s7+$0x7750] =	vst.add.f32.msk $0xffff, v5  }
0x171: {  	[tilespmem:s7+$0x7760] =	vst.add.f32.msk $0xffff, v6  }
0x172: {  	[tilespmem:s7+$0x7770] =	vst.add.f32.msk $0xffff, v7  }
0x173: {  	[tilespmem:s7+$0x7780] =	vst.add.f32.msk $0xffff, v8  }
0x174: {  	[tilespmem:s7+$0x7790] =	vst.add.f32.msk $0xffff, v9  }
.Ltmp5:
0x175: {  	[tilespmem:s7+$0x77A0] =	vst.add.f32.msk $0xffff, v10;
	(pc) =	sbr.rel @p0 .LBB2_12-.Ltmp5, $4  }
0x176: {  	[tilespmem:s7+$0x77B0] =	vst.add.f32.msk $0xffff, v11  }
0x177: {  	[tilespmem:s7+$0x77C0] =	vst.add.f32.msk $0xffff, v12  }
0x178: {  	[tilespmem:s7+$0x77D0] =	vst.add.f32.msk $0xffff, v13  }
0x179: {  	[tilespmem:s7+$0x77E0] =	vst.add.f32.msk $0xffff, v14;
	s7 =	sshra.s32 s8, $0x2;
	s8 =	sadd.s32 $0x400, s8  }
0x17a: {  	v0 =	vld [tilespmem:s7+$0xEFF0]  }
0x17b: {  	v1 =	vld [tilespmem:s7+$0xEF00]  }
0x17c: {  	v2 =	vld [tilespmem:s7+$0xEF10]  }
0x17d: {  	v3 =	vld [tilespmem:s7+$0xEF20]  }
0x17e: {  	v4 =	vld [tilespmem:s7+$0xEF30]  }
0x17f: {  	v63 =	vld [tilespmem:s7+$0xEF40]  }
0x180: {  	v5 =	vld [tilespmem:s7+$0xEF50]  }
0x181: {  	v6 =	vld [tilespmem:s7+$0xEF60]  }
0x182: {  	v7 =	vld [tilespmem:s7+$0xEF70]  }
0x183: {  	v8 =	vld [tilespmem:s7+$0xEF80]  }
0x184: {  	v9 =	vld [tilespmem:s7+$0xEF90]  }
0x185: {  	v10 =	vld [tilespmem:s7+$0xEFA0]  }
0x186: {  	v11 =	vld [tilespmem:s7+$0xEFB0]  }
0x187: {  	v12 =	vld [tilespmem:s7+$0xEFC0]  }
0x188: {  	v13 =	vld [tilespmem:s7+$0xEFD0]  }
0x189: {  	v14 =	vld [tilespmem:s7+$0xEFE0]  }
0x18a: {  	[tilespmem:s7+$0x77F0] =	vst.add.f32.msk $0xffff, v0  }
0x18b: {  	[tilespmem:s7+$0x7700] =	vst.add.f32.msk $0xffff, v1  }
0x18c: {  	[tilespmem:s7+$0x7710] =	vst.add.f32.msk $0xffff, v2  }
0x18d: {  	[tilespmem:s7+$0x7720] =	vst.add.f32.msk $0xffff, v3  }
0x18e: {  	[tilespmem:s7+$0x7730] =	vst.add.f32.msk $0xffff, v4  }
0x18f: {  	[tilespmem:s7+$0x7740] =	vst.add.f32.msk $0xffff, v63  }
0x190: {  	[tilespmem:s7+$0x7750] =	vst.add.f32.msk $0xffff, v5  }
0x191: {  	[tilespmem:s7+$0x7760] =	vst.add.f32.msk $0xffff, v6  }
0x192: {  	[tilespmem:s7+$0x7770] =	vst.add.f32.msk $0xffff, v7  }
0x193: {  	[tilespmem:s7+$0x7780] =	vst.add.f32.msk $0xffff, v8  }
0x194: {  	[tilespmem:s7+$0x7790] =	vst.add.f32.msk $0xffff, v9  }
0x195: {  	[tilespmem:s7+$0x77A0] =	vst.add.f32.msk $0xffff, v10  }
0x196: {  	[tilespmem:s7+$0x77B0] =	vst.add.f32.msk $0xffff, v11  }
0x197: {  	[tilespmem:s7+$0x77C0] =	vst.add.f32.msk $0xffff, v12  }
0x198: {  	[tilespmem:s7+$0x77D0] =	vst.add.f32.msk $0xffff, v13  }
0x199: {  	[tilespmem:s7+$0x77E0] =	vst.add.f32.msk $0xffff, v14  }
0x19a: {  	[hbm4b:s11+s2] =	stream.linear.scatter [tilespmem:s18], [sflag:$0x8], $0x2800, $0x38;
	[tilespmem:$0x13F00] =	vst v63  }
0x19b: {  	_ =	swait.ge [sflag:s0], $0x2800  }
0x19c: {  	[sflag:s0] =	ssyncset.done $0x0  }
0x19d: {  	s1 =	sadd.s32 $0x1, s1;
	[sflag:s0] =	ssyncadd.s32 $0xFFFFD800  }
0x19e: {  	p0 =	sne.s32 s1, s12;
	_ =	swait.ge [sflag:s25], $0x2800  }
.Ltmp6:
0x19f: {  	[sflag:s25] =	ssyncset.done $0x0;
	(pc) =	sbr.rel @p0 .LBB2_1-.Ltmp6, $4  }
0x1a0: {  	[sflag:s25] =	ssyncadd.s32 $0xFFFFD800  }
0x1a1: {  	_ =	swait.ge [sflag:s29], $0x2800  }
0x1a2: {  	[sflag:s29] =	ssyncset.done $0x0  }
0x1a3: {  	[sflag:s29] =	ssyncadd.s32 $0xFFFFD800  }
0x1a4: {  	_ =	sfence.sel $0x180000  }
0x1a5: {  	[bflag:$0x0] =	sbarrier.arrive $0xFFFF  }
0x1a6: {  	_ =	strace $0x90000047  }
0x1a7: {  	s0 =	stileid.u32;
	[bflag:$0x2] =	sbarrier.arrive $0xFFFF  }
0x1a8: {  	p0 =	sne.s32 s0, $0x0;
	s0 =	rddreg [dreg:$0x3]  }
0x1a9: {  	s0 =	sadd.s32 @!p0 $0x100000, s0  }
0x1aa: {  	[sflag:s0] =	ssyncadd.tile.s32 @!p0 $0x1;
	_ =	shalt  }
.Lfunc_end2:
_tile_overlayer_lowered:
.L_overlay_start_2:
0x1ab: {  	(tag) =	ssettag $0x2  }
0x1ac: {  	s0 =	rddreg [dreg:$0x0];
	s2 =	stileid.u32  }
0x1ad: {  	s1 =	rddreg [dreg:$0x1];
	p0 =	sne.s32 s2, $0x0  }
0x1ae: {  	s3 =	rddreg [dreg:$0x2];
	[bflag:$0x3] =	sbarrier.arrive $0xFFFF;
	s2 =	simm.s32 @!p0 $0x1C0A  }
0x1af: {  	[timem:s3], [sflag:s2] =	dma.local @!p0 [hbm:s0], s1  }
0x1b0: {  	s0 =	simm.s32 @!p0 $0xA  }
0x1b1: {  	_ =	swait.ge @!p0 [sflag:s0], s1  }
0x1b2: {  	s1 =	ssub.s32 @!p0 $0x0, s1;
	[sflag:s0] =	ssyncset.done @!p0 $0x0  }
0x1b3: {  	[sflag:s0] =	ssyncadd.s32 @!p0 s1  }
0x1b4: {  	[bflag:$0x3] =	sbarrier.arrive $0xFFFF  }
0x1b5: {  	_ =	shalt  }

</sc_bundles>
